<compile_context>
chip_gen: v7x
topology: tpu7x:2x2x1
jax: 0.10.2.dev20260603
libtpu: 0.0.44.dev20260713+nightly
codegen_flags: <defaults>
</compile_context>

<pallas_src>
import jax
import jax.numpy as jnp
import numpy as np
from jax import lax
from jax.experimental import pallas as pl
from jax.experimental.pallas import tpu as pltpu
from jax.experimental.pallas import tpu_sc as plsc

_F = 26
_E = 4
_V = 100000
_D = 16
_B = 4096

_ROWS = _B * _E * _F
_NW = 32
_RPW = _ROWS // _NW
_CHUNK = 1024
_NCHUNK = _RPW // _CHUNK
_CW = _CHUNK * _D
_L = 16

_pat = ((np.arange(_F)[None, :] * _E + np.arange(_E)[:, None]) * (_D * _V))
_OFFSETS = np.tile(_pat.reshape(-1), _RPW // (_E * _F)).astype(np.int32)


def _sc_body(
    tab_hbm, x_hbm, off_hbm, out_hbm,
    xv, ov, idx_a, idx_b, gbuf_a, gbuf_b, sem_a, sem_b,
):
    wid = lax.axis_index("s") * 2 + lax.axis_index("c")
    base = wid * _RPW
    pltpu.sync_copy(x_hbm.at[pl.ds(base, _RPW)], xv)
    pltpu.sync_copy(off_hbm, ov)
    lanes16 = lax.iota(jnp.int32, _L) * _D
    idx_bufs = (idx_a, idx_b)
    gbufs = (gbuf_a, gbuf_b)
    sems = (sem_a, sem_b)

    def build(c, idx_v):
        c0 = c * _CHUNK

        def step(g, _):
            s = pl.ds(c0 + g * _L, _L)
            b16 = xv[s] + ov[s]
            k0 = g * (_L * _D)
            for d in range(_D):
                plsc.store_scatter(
                    idx_v,
                    [lanes16 + jnp.int32(k0 + d)],
                    b16 + jnp.int32(d * _V),
                )
            return 0

        lax.fori_loop(0, _CHUNK // _L, step, 0)

    build(0, idx_a)
    pltpu.async_copy(tab_hbm.at[idx_a], gbuf_a, sem_a)
    for c in range(_NCHUNK):
        cur = c % 2
        nxt = (c + 1) % 2
        if c + 1 < _NCHUNK:
            build(c + 1, idx_bufs[nxt])
        pltpu.make_async_copy(
            tab_hbm.at[idx_bufs[cur]], gbufs[cur], sems[cur]
        ).wait()
        if c + 1 < _NCHUNK:
            pltpu.async_copy(
                tab_hbm.at[idx_bufs[nxt]], gbufs[nxt], sems[nxt]
            )
        pltpu.sync_copy(
            gbufs[cur], out_hbm.at[pl.ds((base + c * _CHUNK) * _D, _CW)]
        )


@jax.jit
def kernel(x, tables):
    tab1d = tables.transpose(0, 1, 3, 2).reshape(_F * _E * _D * _V)
    x_flat = x.reshape(_ROWS)
    mesh = plsc.VectorSubcoreMesh(core_axis_name="c", subcore_axis_name="s")
    run = pl.kernel(
        _sc_body,
        mesh=mesh,
        out_type=jax.ShapeDtypeStruct((_ROWS * _D,), jnp.float32),
        scratch_types=[
            pltpu.VMEM((_RPW,), jnp.int32),
            pltpu.VMEM((_RPW,), jnp.int32),
            pltpu.VMEM((_CW,), jnp.int32),
            pltpu.VMEM((_CW,), jnp.int32),
            pltpu.VMEM((_CW,), jnp.float32),
            pltpu.VMEM((_CW,), jnp.float32),
            pltpu.SemaphoreType.DMA,
            pltpu.SemaphoreType.DMA,
        ],
        compiler_params=pltpu.CompilerParams(
            use_tc_tiling_on_sc=False, needs_layout_passes=False
        ),
    )
    out = run(tab1d, x_flat, jnp.asarray(_OFFSETS))
    return out.reshape(_B, _E, _F * _D)

# --- scband reference (transcript-rebuilt; emitter-appended) ---
"""Pipeline reference for scband-categorical-feature-layer-7584912245002 (READ-ONLY COPY).

The authoritative reference and input builder live on the scoring server;
editing this copy changes nothing except your own understanding.
"""

import jax, jax.numpy as jnp
import numpy as np

N_FEAT = 26
N_ENS = 4
VOCAB = 100000
EMBED_DIM = 16
BATCH = 4096


def setup_inputs(seed: int = 0) -> dict:
    key = jax.random.key(seed)
    k1, k2 = jax.random.split(key)
    x = jax.random.randint(k1, (BATCH, N_ENS, N_FEAT), 0, VOCAB, dtype=jnp.int32)
    # One embedding table per (feature, ensemble member): [F, n_ens, vocab, D]
    tables = jax.random.normal(k2, (N_FEAT, N_ENS, VOCAB, EMBED_DIM), dtype=jnp.float32) * 0.05
    return {"x": x, "tables": tables}


def reference(x, tables):
    # x: int[B, n_ens, F]; tables: float32[F, n_ens, vocab, D]
    # All cat_dims (100000) > onehot_thresh (8), so every feature goes through
    # the per-ensemble embedding path; outputs are concatenated feature-major
    # along the last dim, matching torch.cat(features, dim=2).
    B, n_ens, F = x.shape
    D = tables.shape[-1]
    f_idx = jnp.arange(F)[:, None, None]          # [F,1,1]
    m_idx = jnp.arange(n_ens)[None, :, None]      # [1,n_ens,1]
    idx = jnp.transpose(x, (2, 1, 0))             # [F, n_ens, B]
    emb = tables[f_idx, m_idx, idx]               # gather -> [F, n_ens, B, D]
    out = jnp.transpose(emb, (2, 1, 0, 3)).reshape(B, n_ens, F * D)
    return out

if __name__ == "__main__":
    import jax
    _d = setup_inputs()
    print(jax.jit(kernel)(*tuple(_d.values())))

</pallas_src>

<mosaic_0001>
#map = affine_map<(d0, d1) -> (0)>
module attributes {stable_mosaic.version = 14 : i64} {
  func.func @_sc_body(%arg0: i32, %arg1: i32, %arg2: memref<166400000xf32, #tpu.memory_space<hbm>>, %arg3: memref<425984xi32, #tpu.memory_space<hbm>>, %arg4: memref<13312xi32, #tpu.memory_space<hbm>>, %arg5: memref<6815744xf32, #tpu.memory_space<hbm>>, %arg6: memref<13312xi32, #tpu.memory_space<vmem>>, %arg7: memref<13312xi32, #tpu.memory_space<vmem>>, %arg8: memref<16384xi32, #tpu.memory_space<vmem>>, %arg9: memref<16384xi32, #tpu.memory_space<vmem>>, %arg10: memref<16384xf32, #tpu.memory_space<vmem>>, %arg11: memref<16384xf32, #tpu.memory_space<vmem>>, %arg12: memref<!tpu.dma_semaphore, #tpu.memory_space<semaphore_mem>>, %arg13: memref<!tpu.dma_semaphore, #tpu.memory_space<semaphore_mem>>) attributes {dimension_semantics = [#tpu.dimension_semantics<core_parallel>, #tpu.dimension_semantics<subcore_parallel>], iteration_bounds = array<i64: 2, 16>, scalar_prefetch = 0 : i64, scratch_operands = 8 : i64, tpu.core_type = #tpu.core_type<sc_vector_subcore>, window_params = [{transform_indices = #map}, {transform_indices = #map}, {transform_indices = #map}, {transform_indices = #map}]} {
    %mul3A = arith.constant 2 : i32
    %mul3A_0 = arith.muli %arg1, %mul3A : i32
    %add3A = arith.addi %mul3A_0, %arg0 : i32
    %mul3A_1 = arith.constant 13312 : i32
    %mul3A_2 = arith.muli %add3A, %mul3A_1 : i32
    "tpu.region"() ({
      %run_scoped3A = tpu.sem_alloc : memref<!tpu.dma_semaphore, #tpu.memory_space<semaphore_mem>>
      %dma_start3A_198 = tpu.memref_slice %arg3[%mul3A_2] : memref<425984xi32, #tpu.memory_space<hbm>> -> memref<13312xi32, #tpu.memory_space<hbm>>
      %dma_start3A_199 = tpu.memref_slice %arg3[%mul3A_2] : memref<425984xi32, #tpu.memory_space<hbm>> -> memref<13312xi32, #tpu.memory_space<hbm>>
      tpu.enqueue_dma source(%dma_start3A_199 : memref<13312xi32, #tpu.memory_space<hbm>>) target(%arg6 : memref<13312xi32, #tpu.memory_space<vmem>>) target_semaphore(%run_scoped3A : memref<!tpu.dma_semaphore, #tpu.memory_space<semaphore_mem>>)
      %dma_wait3A_200 = tpu.memref_slice %arg3[%mul3A_2] : memref<425984xi32, #tpu.memory_space<hbm>> -> memref<13312xi32, #tpu.memory_space<hbm>>
      %dma_wait3A_201 = tpu.memref_slice %arg3[%mul3A_2] : memref<425984xi32, #tpu.memory_space<hbm>> -> memref<13312xi32, #tpu.memory_space<hbm>>
      tpu.wait_dma2 semaphore(%run_scoped3A : memref<!tpu.dma_semaphore, #tpu.memory_space<semaphore_mem>>) src(%dma_wait3A_201 : memref<13312xi32, #tpu.memory_space<hbm>>) dst(%arg6 : memref<13312xi32, #tpu.memory_space<vmem>>)
      tpu.yield
    }) : () -> ()
    "tpu.region"() ({
      %run_scoped3A = tpu.sem_alloc : memref<!tpu.dma_semaphore, #tpu.memory_space<semaphore_mem>>
      tpu.enqueue_dma source(%arg4 : memref<13312xi32, #tpu.memory_space<hbm>>) target(%arg7 : memref<13312xi32, #tpu.memory_space<vmem>>) target_semaphore(%run_scoped3A : memref<!tpu.dma_semaphore, #tpu.memory_space<semaphore_mem>>)
      tpu.wait_dma2 semaphore(%run_scoped3A : memref<!tpu.dma_semaphore, #tpu.memory_space<semaphore_mem>>) src(%arg4 : memref<13312xi32, #tpu.memory_space<hbm>>) dst(%arg7 : memref<13312xi32, #tpu.memory_space<vmem>>)
      tpu.yield
    }) : () -> ()
    %iota3A = tpu.iota {dimensions = array<i32: 0>} : vector<16xi32>
    %mul3A_3 = arith.constant 16 : i32
    %mul3A_4 = vector.broadcast %mul3A_3 : i32 to vector<16xi32>
    %mul3A_5 = arith.muli %iota3A, %mul3A_4 : vector<16xi32>
    %scan3A = arith.constant 0 : i32
    %scan3A_6 = arith.constant 0 : i32
    %scan3A_7 = arith.constant 64 : i32
    %scan3A_8 = arith.addi %scan3A_6, %scan3A_7 : i32
    %scan3A_9 = arith.constant 1 : i32
    %scan3A_10 = scf.for %scan3A_198 = %scan3A_6 to %scan3A_8 step %scan3A_9 iter_args(%scan3A_199 = %scan3A) -> (i32)  : i32 {
      %mul3A_200 = arith.constant 16 : i32
      %mul3A_201 = arith.muli %scan3A_198, %mul3A_200 : i32
      %add3A_202 = arith.constant 0 : i32
      %add3A_203 = arith.addi %add3A_202, %mul3A_201 : i32
      %get3A = arith.index_cast %add3A_203 : i32 to index
      %get3A_204 = tpu.vector_load %arg6[%get3A] {strides = array<i32>} : memref<13312xi32, #tpu.memory_space<vmem>>, vector<16xi32>,
      %get3A_205 = arith.index_cast %add3A_203 : i32 to index
      %get3A_206 = tpu.vector_load %arg7[%get3A_205] {strides = array<i32>} : memref<13312xi32, #tpu.memory_space<vmem>>, vector<16xi32>,
      %add3A_207 = arith.addi %get3A_204, %get3A_206 : vector<16xi32>
      %mul3A_208 = arith.constant 256 : i32
      %mul3A_209 = arith.muli %scan3A_198, %mul3A_208 : i32
      %add3A_210 = arith.constant 0 : i32
      %add3A_211 = arith.addi %mul3A_209, %add3A_210 : i32
      %add3A_212 = vector.broadcast %add3A_211 : i32 to vector<16xi32>
      %add3A_213 = arith.addi %mul3A_5, %add3A_212 : vector<16xi32>
      %add3A_214 = arith.constant 0 : i32
      %add3A_215 = vector.broadcast %add3A_214 : i32 to vector<16xi32>
      %add3A_216 = arith.addi %add3A_207, %add3A_215 : vector<16xi32>
      tpu.vector_store_idx %arg8[%add3A_213], %add3A_216 : memref<16384xi32, #tpu.memory_space<vmem>>[vector<16xi32>], vector<16xi32>,
      %add3A_217 = arith.constant 1 : i32
      %add3A_218 = arith.addi %mul3A_209, %add3A_217 : i32
      %add3A_219 = vector.broadcast %add3A_218 : i32 to vector<16xi32>
      %add3A_220 = arith.addi %mul3A_5, %add3A_219 : vector<16xi32>
      %add3A_221 = arith.constant 100000 : i32
      %add3A_222 = vector.broadcast %add3A_221 : i32 to vector<16xi32>
      %add3A_223 = arith.addi %add3A_207, %add3A_222 : vector<16xi32>
      tpu.vector_store_idx %arg8[%add3A_220], %add3A_223 : memref<16384xi32, #tpu.memory_space<vmem>>[vector<16xi32>], vector<16xi32>,
      %add3A_224 = arith.constant 2 : i32
      %add3A_225 = arith.addi %mul3A_209, %add3A_224 : i32
      %add3A_226 = vector.broadcast %add3A_225 : i32 to vector<16xi32>
      %add3A_227 = arith.addi %mul3A_5, %add3A_226 : vector<16xi32>
      %add3A_228 = arith.constant 200000 : i32
      %add3A_229 = vector.broadcast %add3A_228 : i32 to vector<16xi32>
      %add3A_230 = arith.addi %add3A_207, %add3A_229 : vector<16xi32>
      tpu.vector_store_idx %arg8[%add3A_227], %add3A_230 : memref<16384xi32, #tpu.memory_space<vmem>>[vector<16xi32>], vector<16xi32>,
      %add3A_231 = arith.constant 3 : i32
      %add3A_232 = arith.addi %mul3A_209, %add3A_231 : i32
      %add3A_233 = vector.broadcast %add3A_232 : i32 to vector<16xi32>
      %add3A_234 = arith.addi %mul3A_5, %add3A_233 : vector<16xi32>
      %add3A_235 = arith.constant 300000 : i32
      %add3A_236 = vector.broadcast %add3A_235 : i32 to vector<16xi32>
      %add3A_237 = arith.addi %add3A_207, %add3A_236 : vector<16xi32>
      tpu.vector_store_idx %arg8[%add3A_234], %add3A_237 : memref<16384xi32, #tpu.memory_space<vmem>>[vector<16xi32>], vector<16xi32>,
      %add3A_238 = arith.constant 4 : i32
      %add3A_239 = arith.addi %mul3A_209, %add3A_238 : i32
      %add3A_240 = vector.broadcast %add3A_239 : i32 to vector<16xi32>
      %add3A_241 = arith.addi %mul3A_5, %add3A_240 : vector<16xi32>
      %add3A_242 = arith.constant 400000 : i32
      %add3A_243 = vector.broadcast %add3A_242 : i32 to vector<16xi32>
      %add3A_244 = arith.addi %add3A_207, %add3A_243 : vector<16xi32>
      tpu.vector_store_idx %arg8[%add3A_241], %add3A_244 : memref<16384xi32, #tpu.memory_space<vmem>>[vector<16xi32>], vector<16xi32>,
      %add3A_245 = arith.constant 5 : i32
      %add3A_246 = arith.addi %mul3A_209, %add3A_245 : i32
      %add3A_247 = vector.broadcast %add3A_246 : i32 to vector<16xi32>
      %add3A_248 = arith.addi %mul3A_5, %add3A_247 : vector<16xi32>
      %add3A_249 = arith.constant 500000 : i32
      %add3A_250 = vector.broadcast %add3A_249 : i32 to vector<16xi32>
      %add3A_251 = arith.addi %add3A_207, %add3A_250 : vector<16xi32>
      tpu.vector_store_idx %arg8[%add3A_248], %add3A_251 : memref<16384xi32, #tpu.memory_space<vmem>>[vector<16xi32>], vector<16xi32>,
      %add3A_252 = arith.constant 6 : i32
      %add3A_253 = arith.addi %mul3A_209, %add3A_252 : i32
      %add3A_254 = vector.broadcast %add3A_253 : i32 to vector<16xi32>
      %add3A_255 = arith.addi %mul3A_5, %add3A_254 : vector<16xi32>
      %add3A_256 = arith.constant 600000 : i32
      %add3A_257 = vector.broadcast %add3A_256 : i32 to vector<16xi32>
      %add3A_258 = arith.addi %add3A_207, %add3A_257 : vector<16xi32>
      tpu.vector_store_idx %arg8[%add3A_255], %add3A_258 : memref<16384xi32, #tpu.memory_space<vmem>>[vector<16xi32>], vector<16xi32>,
      %add3A_259 = arith.constant 7 : i32
      %add3A_260 = arith.addi %mul3A_209, %add3A_259 : i32
      %add3A_261 = vector.broadcast %add3A_260 : i32 to vector<16xi32>
      %add3A_262 = arith.addi %mul3A_5, %add3A_261 : vector<16xi32>
      %add3A_263 = arith.constant 700000 : i32
      %add3A_264 = vector.broadcast %add3A_263 : i32 to vector<16xi32>
      %add3A_265 = arith.addi %add3A_207, %add3A_264 : vector<16xi32>
      tpu.vector_store_idx %arg8[%add3A_262], %add3A_265 : memref<16384xi32, #tpu.memory_space<vmem>>[vector<16xi32>], vector<16xi32>,
      %add3A_266 = arith.constant 8 : i32
      %add3A_267 = arith.addi %mul3A_209, %add3A_266 : i32
      %add3A_268 = vector.broadcast %add3A_267 : i32 to vector<16xi32>
      %add3A_269 = arith.addi %mul3A_5, %add3A_268 : vector<16xi32>
      %add3A_270 = arith.constant 800000 : i32
      %add3A_271 = vector.broadcast %add3A_270 : i32 to vector<16xi32>
      %add3A_272 = arith.addi %add3A_207, %add3A_271 : vector<16xi32>
      tpu.vector_store_idx %arg8[%add3A_269], %add3A_272 : memref<16384xi32, #tpu.memory_space<vmem>>[vector<16xi32>], vector<16xi32>,
      %add3A_273 = arith.constant 9 : i32
      %add3A_274 = arith.addi %mul3A_209, %add3A_273 : i32
      %add3A_275 = vector.broadcast %add3A_274 : i32 to vector<16xi32>
      %add3A_276 = arith.addi %mul3A_5, %add3A_275 : vector<16xi32>
      %add3A_277 = arith.constant 900000 : i32
      %add3A_278 = vector.broadcast %add3A_277 : i32 to vector<16xi32>
      %add3A_279 = arith.addi %add3A_207, %add3A_278 : vector<16xi32>
      tpu.vector_store_idx %arg8[%add3A_276], %add3A_279 : memref<16384xi32, #tpu.memory_space<vmem>>[vector<16xi32>], vector<16xi32>,
      %add3A_280 = arith.constant 10 : i32
      %add3A_281 = arith.addi %mul3A_209, %add3A_280 : i32
      %add3A_282 = vector.broadcast %add3A_281 : i32 to vector<16xi32>
      %add3A_283 = arith.addi %mul3A_5, %add3A_282 : vector<16xi32>
      %add3A_284 = arith.constant 1000000 : i32
      %add3A_285 = vector.broadcast %add3A_284 : i32 to vector<16xi32>
      %add3A_286 = arith.addi %add3A_207, %add3A_285 : vector<16xi32>
      tpu.vector_store_idx %arg8[%add3A_283], %add3A_286 : memref<16384xi32, #tpu.memory_space<vmem>>[vector<16xi32>], vector<16xi32>,
      %add3A_287 = arith.constant 11 : i32
      %add3A_288 = arith.addi %mul3A_209, %add3A_287 : i32
      %add3A_289 = vector.broadcast %add3A_288 : i32 to vector<16xi32>
      %add3A_290 = arith.addi %mul3A_5, %add3A_289 : vector<16xi32>
      %add3A_291 = arith.constant 1100000 : i32
      %add3A_292 = vector.broadcast %add3A_291 : i32 to vector<16xi32>
      %add3A_293 = arith.addi %add3A_207, %add3A_292 : vector<16xi32>
      tpu.vector_store_idx %arg8[%add3A_290], %add3A_293 : memref<16384xi32, #tpu.memory_space<vmem>>[vector<16xi32>], vector<16xi32>,
      %add3A_294 = arith.constant 12 : i32
      %add3A_295 = arith.addi %mul3A_209, %add3A_294 : i32
      %add3A_296 = vector.broadcast %add3A_295 : i32 to vector<16xi32>
      %add3A_297 = arith.addi %mul3A_5, %add3A_296 : vector<16xi32>
      %add3A_298 = arith.constant 1200000 : i32
      %add3A_299 = vector.broadcast %add3A_298 : i32 to vector<16xi32>
      %add3A_300 = arith.addi %add3A_207, %add3A_299 : vector<16xi32>
      tpu.vector_store_idx %arg8[%add3A_297], %add3A_300 : memref<16384xi32, #tpu.memory_space<vmem>>[vector<16xi32>], vector<16xi32>,
      %add3A_301 = arith.constant 13 : i32
      %add3A_302 = arith.addi %mul3A_209, %add3A_301 : i32
      %add3A_303 = vector.broadcast %add3A_302 : i32 to vector<16xi32>
      %add3A_304 = arith.addi %mul3A_5, %add3A_303 : vector<16xi32>
      %add3A_305 = arith.constant 1300000 : i32
      %add3A_306 = vector.broadcast %add3A_305 : i32 to vector<16xi32>
      %add3A_307 = arith.addi %add3A_207, %add3A_306 : vector<16xi32>
      tpu.vector_store_idx %arg8[%add3A_304], %add3A_307 : memref<16384xi32, #tpu.memory_space<vmem>>[vector<16xi32>], vector<16xi32>,
      %add3A_308 = arith.constant 14 : i32
      %add3A_309 = arith.addi %mul3A_209, %add3A_308 : i32
      %add3A_310 = vector.broadcast %add3A_309 : i32 to vector<16xi32>
      %add3A_311 = arith.addi %mul3A_5, %add3A_310 : vector<16xi32>
      %add3A_312 = arith.constant 1400000 : i32
      %add3A_313 = vector.broadcast %add3A_312 : i32 to vector<16xi32>
      %add3A_314 = arith.addi %add3A_207, %add3A_313 : vector<16xi32>
      tpu.vector_store_idx %arg8[%add3A_311], %add3A_314 : memref<16384xi32, #tpu.memory_space<vmem>>[vector<16xi32>], vector<16xi32>,
      %add3A_315 = arith.constant 15 : i32
      %add3A_316 = arith.addi %mul3A_209, %add3A_315 : i32
      %add3A_317 = vector.broadcast %add3A_316 : i32 to vector<16xi32>
      %add3A_318 = arith.addi %mul3A_5, %add3A_317 : vector<16xi32>
      %add3A_319 = arith.constant 1500000 : i32
      %add3A_320 = vector.broadcast %add3A_319 : i32 to vector<16xi32>
      %add3A_321 = arith.addi %add3A_207, %add3A_320 : vector<16xi32>
      tpu.vector_store_idx %arg8[%add3A_318], %add3A_321 : memref<16384xi32, #tpu.memory_space<vmem>>[vector<16xi32>], vector<16xi32>,
      %scan3A_322 = arith.constant 0 : i32
      scf.yield %scan3A_322 : i32
    }
    %scan3A_11 = arith.constant 64 : i32
    %dma_start3A = arith.constant 0 : i32
    %dma_start3A_12 = tpu.memref_slice %arg2[%dma_start3A] : memref<166400000xf32, #tpu.memory_space<hbm>> -> memref<166400000xf32, #tpu.memory_space<hbm>>
    tpu.enqueue_indirect_dma source(%dma_start3A_12 : memref<166400000xf32, #tpu.memory_space<hbm>>) target(%arg10 : memref<16384xf32, #tpu.memory_space<vmem>>) offsets(%arg8 : memref<16384xi32, #tpu.memory_space<vmem>>) semaphore(%arg12 : memref<!tpu.dma_semaphore, #tpu.memory_space<semaphore_mem>>)
    %scan3A_13 = arith.constant 0 : i32
    %scan3A_14 = arith.constant 0 : i32
    %scan3A_15 = arith.constant 64 : i32
    %scan3A_16 = arith.addi %scan3A_14, %scan3A_15 : i32
    %scan3A_17 = arith.constant 1 : i32
    %scan3A_18 = scf.for %scan3A_198 = %scan3A_14 to %scan3A_16 step %scan3A_17 iter_args(%scan3A_199 = %scan3A_13) -> (i32)  : i32 {
      %mul3A_200 = arith.constant 16 : i32
      %mul3A_201 = arith.muli %scan3A_198, %mul3A_200 : i32
      %add3A_202 = arith.constant 1024 : i32
      %add3A_203 = arith.addi %add3A_202, %mul3A_201 : i32
      %get3A = arith.index_cast %add3A_203 : i32 to index
      %get3A_204 = tpu.vector_load %arg6[%get3A] {strides = array<i32>} : memref<13312xi32, #tpu.memory_space<vmem>>, vector<16xi32>,
      %get3A_205 = arith.index_cast %add3A_203 : i32 to index
      %get3A_206 = tpu.vector_load %arg7[%get3A_205] {strides = array<i32>} : memref<13312xi32, #tpu.memory_space<vmem>>, vector<16xi32>,
      %add3A_207 = arith.addi %get3A_204, %get3A_206 : vector<16xi32>
      %mul3A_208 = arith.constant 256 : i32
      %mul3A_209 = arith.muli %scan3A_198, %mul3A_208 : i32
      %add3A_210 = arith.constant 0 : i32
      %add3A_211 = arith.addi %mul3A_209, %add3A_210 : i32
      %add3A_212 = vector.broadcast %add3A_211 : i32 to vector<16xi32>
      %add3A_213 = arith.addi %mul3A_5, %add3A_212 : vector<16xi32>
      %add3A_214 = arith.constant 0 : i32
      %add3A_215 = vector.broadcast %add3A_214 : i32 to vector<16xi32>
      %add3A_216 = arith.addi %add3A_207, %add3A_215 : vector<16xi32>
      tpu.vector_store_idx %arg9[%add3A_213], %add3A_216 : memref<16384xi32, #tpu.memory_space<vmem>>[vector<16xi32>], vector<16xi32>,
      %add3A_217 = arith.constant 1 : i32
      %add3A_218 = arith.addi %mul3A_209, %add3A_217 : i32
      %add3A_219 = vector.broadcast %add3A_218 : i32 to vector<16xi32>
      %add3A_220 = arith.addi %mul3A_5, %add3A_219 : vector<16xi32>
      %add3A_221 = arith.constant 100000 : i32
      %add3A_222 = vector.broadcast %add3A_221 : i32 to vector<16xi32>
      %add3A_223 = arith.addi %add3A_207, %add3A_222 : vector<16xi32>
      tpu.vector_store_idx %arg9[%add3A_220], %add3A_223 : memref<16384xi32, #tpu.memory_space<vmem>>[vector<16xi32>], vector<16xi32>,
      %add3A_224 = arith.constant 2 : i32
      %add3A_225 = arith.addi %mul3A_209, %add3A_224 : i32
      %add3A_226 = vector.broadcast %add3A_225 : i32 to vector<16xi32>
      %add3A_227 = arith.addi %mul3A_5, %add3A_226 : vector<16xi32>
      %add3A_228 = arith.constant 200000 : i32
      %add3A_229 = vector.broadcast %add3A_228 : i32 to vector<16xi32>
      %add3A_230 = arith.addi %add3A_207, %add3A_229 : vector<16xi32>
      tpu.vector_store_idx %arg9[%add3A_227], %add3A_230 : memref<16384xi32, #tpu.memory_space<vmem>>[vector<16xi32>], vector<16xi32>,
      %add3A_231 = arith.constant 3 : i32
      %add3A_232 = arith.addi %mul3A_209, %add3A_231 : i32
      %add3A_233 = vector.broadcast %add3A_232 : i32 to vector<16xi32>
      %add3A_234 = arith.addi %mul3A_5, %add3A_233 : vector<16xi32>
      %add3A_235 = arith.constant 300000 : i32
      %add3A_236 = vector.broadcast %add3A_235 : i32 to vector<16xi32>
      %add3A_237 = arith.addi %add3A_207, %add3A_236 : vector<16xi32>
      tpu.vector_store_idx %arg9[%add3A_234], %add3A_237 : memref<16384xi32, #tpu.memory_space<vmem>>[vector<16xi32>], vector<16xi32>,
      %add3A_238 = arith.constant 4 : i32
      %add3A_239 = arith.addi %mul3A_209, %add3A_238 : i32
      %add3A_240 = vector.broadcast %add3A_239 : i32 to vector<16xi32>
      %add3A_241 = arith.addi %mul3A_5, %add3A_240 : vector<16xi32>
      %add3A_242 = arith.constant 400000 : i32
      %add3A_243 = vector.broadcast %add3A_242 : i32 to vector<16xi32>
      %add3A_244 = arith.addi %add3A_207, %add3A_243 : vector<16xi32>
      tpu.vector_store_idx %arg9[%add3A_241], %add3A_244 : memref<16384xi32, #tpu.memory_space<vmem>>[vector<16xi32>], vector<16xi32>,
      %add3A_245 = arith.constant 5 : i32
      %add3A_246 = arith.addi %mul3A_209, %add3A_245 : i32
      %add3A_247 = vector.broadcast %add3A_246 : i32 to vector<16xi32>
      %add3A_248 = arith.addi %mul3A_5, %add3A_247 : vector<16xi32>
      %add3A_249 = arith.constant 500000 : i32
      %add3A_250 = vector.broadcast %add3A_249 : i32 to vector<16xi32>
      %add3A_251 = arith.addi %add3A_207, %add3A_250 : vector<16xi32>
      tpu.vector_store_idx %arg9[%add3A_248], %add3A_251 : memref<16384xi32, #tpu.memory_space<vmem>>[vector<16xi32>], vector<16xi32>,
      %add3A_252 = arith.constant 6 : i32
      %add3A_253 = arith.addi %mul3A_209, %add3A_252 : i32
      %add3A_254 = vector.broadcast %add3A_253 : i32 to vector<16xi32>
      %add3A_255 = arith.addi %mul3A_5, %add3A_254 : vector<16xi32>
      %add3A_256 = arith.constant 600000 : i32
      %add3A_257 = vector.broadcast %add3A_256 : i32 to vector<16xi32>
      %add3A_258 = arith.addi %add3A_207, %add3A_257 : vector<16xi32>
      tpu.vector_store_idx %arg9[%add3A_255], %add3A_258 : memref<16384xi32, #tpu.memory_space<vmem>>[vector<16xi32>], vector<16xi32>,
      %add3A_259 = arith.constant 7 : i32
      %add3A_260 = arith.addi %mul3A_209, %add3A_259 : i32
      %add3A_261 = vector.broadcast %add3A_260 : i32 to vector<16xi32>
      %add3A_262 = arith.addi %mul3A_5, %add3A_261 : vector<16xi32>
      %add3A_263 = arith.constant 700000 : i32
      %add3A_264 = vector.broadcast %add3A_263 : i32 to vector<16xi32>
      %add3A_265 = arith.addi %add3A_207, %add3A_264 : vector<16xi32>
      tpu.vector_store_idx %arg9[%add3A_262], %add3A_265 : memref<16384xi32, #tpu.memory_space<vmem>>[vector<16xi32>], vector<16xi32>,
      %add3A_266 = arith.constant 8 : i32
      %add3A_267 = arith.addi %mul3A_209, %add3A_266 : i32
      %add3A_268 = vector.broadcast %add3A_267 : i32 to vector<16xi32>
      %add3A_269 = arith.addi %mul3A_5, %add3A_268 : vector<16xi32>
      %add3A_270 = arith.constant 800000 : i32
      %add3A_271 = vector.broadcast %add3A_270 : i32 to vector<16xi32>
      %add3A_272 = arith.addi %add3A_207, %add3A_271 : vector<16xi32>
      tpu.vector_store_idx %arg9[%add3A_269], %add3A_272 : memref<16384xi32, #tpu.memory_space<vmem>>[vector<16xi32>], vector<16xi32>,
      %add3A_273 = arith.constant 9 : i32
      %add3A_274 = arith.addi %mul3A_209, %add3A_273 : i32
      %add3A_275 = vector.broadcast %add3A_274 : i32 to vector<16xi32>
      %add3A_276 = arith.addi %mul3A_5, %add3A_275 : vector<16xi32>
      %add3A_277 = arith.constant 900000 : i32
      %add3A_278 = vector.broadcast %add3A_277 : i32 to vector<16xi32>
      %add3A_279 = arith.addi %add3A_207, %add3A_278 : vector<16xi32>
      tpu.vector_store_idx %arg9[%add3A_276], %add3A_279 : memref<16384xi32, #tpu.memory_space<vmem>>[vector<16xi32>], vector<16xi32>,
      %add3A_280 = arith.constant 10 : i32
      %add3A_281 = arith.addi %mul3A_209, %add3A_280 : i32
      %add3A_282 = vector.broadcast %add3A_281 : i32 to vector<16xi32>
      %add3A_283 = arith.addi %mul3A_5, %add3A_282 : vector<16xi32>
      %add3A_284 = arith.constant 1000000 : i32
      %add3A_285 = vector.broadcast %add3A_284 : i32 to vector<16xi32>
      %add3A_286 = arith.addi %add3A_207, %add3A_285 : vector<16xi32>
      tpu.vector_store_idx %arg9[%add3A_283], %add3A_286 : memref<16384xi32, #tpu.memory_space<vmem>>[vector<16xi32>], vector<16xi32>,
      %add3A_287 = arith.constant 11 : i32
      %add3A_288 = arith.addi %mul3A_209, %add3A_287 : i32
      %add3A_289 = vector.broadcast %add3A_288 : i32 to vector<16xi32>
      %add3A_290 = arith.addi %mul3A_5, %add3A_289 : vector<16xi32>
      %add3A_291 = arith.constant 1100000 : i32
      %add3A_292 = vector.broadcast %add3A_291 : i32 to vector<16xi32>
      %add3A_293 = arith.addi %add3A_207, %add3A_292 : vector<16xi32>
      tpu.vector_store_idx %arg9[%add3A_290], %add3A_293 : memref<16384xi32, #tpu.memory_space<vmem>>[vector<16xi32>], vector<16xi32>,
      %add3A_294 = arith.constant 12 : i32
      %add3A_295 = arith.addi %mul3A_209, %add3A_294 : i32
      %add3A_296 = vector.broadcast %add3A_295 : i32 to vector<16xi32>
      %add3A_297 = arith.addi %mul3A_5, %add3A_296 : vector<16xi32>
      %add3A_298 = arith.constant 1200000 : i32
      %add3A_299 = vector.broadcast %add3A_298 : i32 to vector<16xi32>
      %add3A_300 = arith.addi %add3A_207, %add3A_299 : vector<16xi32>
      tpu.vector_store_idx %arg9[%add3A_297], %add3A_300 : memref<16384xi32, #tpu.memory_space<vmem>>[vector<16xi32>], vector<16xi32>,
      %add3A_301 = arith.constant 13 : i32
      %add3A_302 = arith.addi %mul3A_209, %add3A_301 : i32
      %add3A_303 = vector.broadcast %add3A_302 : i32 to vector<16xi32>
      %add3A_304 = arith.addi %mul3A_5, %add3A_303 : vector<16xi32>
      %add3A_305 = arith.constant 1300000 : i32
      %add3A_306 = vector.broadcast %add3A_305 : i32 to vector<16xi32>
      %add3A_307 = arith.addi %add3A_207, %add3A_306 : vector<16xi32>
      tpu.vector_store_idx %arg9[%add3A_304], %add3A_307 : memref<16384xi32, #tpu.memory_space<vmem>>[vector<16xi32>], vector<16xi32>,
      %add3A_308 = arith.constant 14 : i32
      %add3A_309 = arith.addi %mul3A_209, %add3A_308 : i32
      %add3A_310 = vector.broadcast %add3A_309 : i32 to vector<16xi32>
      %add3A_311 = arith.addi %mul3A_5, %add3A_310 : vector<16xi32>
      %add3A_312 = arith.constant 1400000 : i32
      %add3A_313 = vector.broadcast %add3A_312 : i32 to vector<16xi32>
      %add3A_314 = arith.addi %add3A_207, %add3A_313 : vector<16xi32>
      tpu.vector_store_idx %arg9[%add3A_311], %add3A_314 : memref<16384xi32, #tpu.memory_space<vmem>>[vector<16xi32>], vector<16xi32>,
      %add3A_315 = arith.constant 15 : i32
      %add3A_316 = arith.addi %mul3A_209, %add3A_315 : i32
      %add3A_317 = vector.broadcast %add3A_316 : i32 to vector<16xi32>
      %add3A_318 = arith.addi %mul3A_5, %add3A_317 : vector<16xi32>
      %add3A_319 = arith.constant 1500000 : i32
      %add3A_320 = vector.broadcast %add3A_319 : i32 to vector<16xi32>
      %add3A_321 = arith.addi %add3A_207, %add3A_320 : vector<16xi32>
      tpu.vector_store_idx %arg9[%add3A_318], %add3A_321 : memref<16384xi32, #tpu.memory_space<vmem>>[vector<16xi32>], vector<16xi32>,
      %scan3A_322 = arith.constant 0 : i32
      scf.yield %scan3A_322 : i32
    }
    %scan3A_19 = arith.constant 64 : i32
    %dma_wait3A = arith.constant 0 : i32
    %dma_wait3A_20 = tpu.memref_slice %arg2[%dma_wait3A] : memref<166400000xf32, #tpu.memory_space<hbm>> -> memref<166400000xf32, #tpu.memory_space<hbm>>
    tpu.wait_indirect_dma semaphore(%arg12 : memref<!tpu.dma_semaphore, #tpu.memory_space<semaphore_mem>>) src(%dma_wait3A_20 : memref<166400000xf32, #tpu.memory_space<hbm>>) dst(%arg10 : memref<16384xf32, #tpu.memory_space<vmem>>)
    %dma_start3A_21 = arith.constant 0 : i32
    %dma_start3A_22 = tpu.memref_slice %arg2[%dma_start3A_21] : memref<166400000xf32, #tpu.memory_space<hbm>> -> memref<166400000xf32, #tpu.memory_space<hbm>>
    tpu.enqueue_indirect_dma source(%dma_start3A_22 : memref<166400000xf32, #tpu.memory_space<hbm>>) target(%arg11 : memref<16384xf32, #tpu.memory_space<vmem>>) offsets(%arg9 : memref<16384xi32, #tpu.memory_space<vmem>>) semaphore(%arg13 : memref<!tpu.dma_semaphore, #tpu.memory_space<semaphore_mem>>)
    %add3A_23 = arith.constant 0 : i32
    %add3A_24 = arith.addi %mul3A_2, %add3A_23 : i32
    %mul3A_25 = arith.constant 16 : i32
    %mul3A_26 = arith.muli %add3A_24, %mul3A_25 : i32
    "tpu.region"() ({
      %run_scoped3A = tpu.sem_alloc : memref<!tpu.dma_semaphore, #tpu.memory_space<semaphore_mem>>
      %dma_start3A_198 = tpu.memref_slice %arg5[%mul3A_26] : memref<6815744xf32, #tpu.memory_space<hbm>> -> memref<16384xf32, #tpu.memory_space<hbm>>
      %dma_start3A_199 = tpu.memref_slice %arg5[%mul3A_26] : memref<6815744xf32, #tpu.memory_space<hbm>> -> memref<16384xf32, #tpu.memory_space<hbm>>
      tpu.enqueue_dma source(%arg10 : memref<16384xf32, #tpu.memory_space<vmem>>) target(%dma_start3A_199 : memref<16384xf32, #tpu.memory_space<hbm>>) target_semaphore(%run_scoped3A : memref<!tpu.dma_semaphore, #tpu.memory_space<semaphore_mem>>)
      %dma_wait3A_200 = tpu.memref_slice %arg5[%mul3A_26] : memref<6815744xf32, #tpu.memory_space<hbm>> -> memref<16384xf32, #tpu.memory_space<hbm>>
      %dma_wait3A_201 = tpu.memref_slice %arg5[%mul3A_26] : memref<6815744xf32, #tpu.memory_space<hbm>> -> memref<16384xf32, #tpu.memory_space<hbm>>
      tpu.wait_dma2 semaphore(%run_scoped3A : memref<!tpu.dma_semaphore, #tpu.memory_space<semaphore_mem>>) src(%arg10 : memref<16384xf32, #tpu.memory_space<vmem>>) dst(%dma_wait3A_201 : memref<16384xf32, #tpu.memory_space<hbm>>)
      tpu.yield
    }) : () -> ()
    %scan3A_27 = arith.constant 0 : i32
    %scan3A_28 = arith.constant 0 : i32
    %scan3A_29 = arith.constant 64 : i32
    %scan3A_30 = arith.addi %scan3A_28, %scan3A_29 : i32
    %scan3A_31 = arith.constant 1 : i32
    %scan3A_32 = scf.for %scan3A_198 = %scan3A_28 to %scan3A_30 step %scan3A_31 iter_args(%scan3A_199 = %scan3A_27) -> (i32)  : i32 {
      %mul3A_200 = arith.constant 16 : i32
      %mul3A_201 = arith.muli %scan3A_198, %mul3A_200 : i32
      %add3A_202 = arith.constant 2048 : i32
      %add3A_203 = arith.addi %add3A_202, %mul3A_201 : i32
      %get3A = arith.index_cast %add3A_203 : i32 to index
      %get3A_204 = tpu.vector_load %arg6[%get3A] {strides = array<i32>} : memref<13312xi32, #tpu.memory_space<vmem>>, vector<16xi32>,
      %get3A_205 = arith.index_cast %add3A_203 : i32 to index
      %get3A_206 = tpu.vector_load %arg7[%get3A_205] {strides = array<i32>} : memref<13312xi32, #tpu.memory_space<vmem>>, vector<16xi32>,
      %add3A_207 = arith.addi %get3A_204, %get3A_206 : vector<16xi32>
      %mul3A_208 = arith.constant 256 : i32
      %mul3A_209 = arith.muli %scan3A_198, %mul3A_208 : i32
      %add3A_210 = arith.constant 0 : i32
      %add3A_211 = arith.addi %mul3A_209, %add3A_210 : i32
      %add3A_212 = vector.broadcast %add3A_211 : i32 to vector<16xi32>
      %add3A_213 = arith.addi %mul3A_5, %add3A_212 : vector<16xi32>
      %add3A_214 = arith.constant 0 : i32
      %add3A_215 = vector.broadcast %add3A_214 : i32 to vector<16xi32>
      %add3A_216 = arith.addi %add3A_207, %add3A_215 : vector<16xi32>
      tpu.vector_store_idx %arg8[%add3A_213], %add3A_216 : memref<16384xi32, #tpu.memory_space<vmem>>[vector<16xi32>], vector<16xi32>,
      %add3A_217 = arith.constant 1 : i32
      %add3A_218 = arith.addi %mul3A_209, %add3A_217 : i32
      %add3A_219 = vector.broadcast %add3A_218 : i32 to vector<16xi32>
      %add3A_220 = arith.addi %mul3A_5, %add3A_219 : vector<16xi32>
      %add3A_221 = arith.constant 100000 : i32
      %add3A_222 = vector.broadcast %add3A_221 : i32 to vector<16xi32>
      %add3A_223 = arith.addi %add3A_207, %add3A_222 : vector<16xi32>
      tpu.vector_store_idx %arg8[%add3A_220], %add3A_223 : memref<16384xi32, #tpu.memory_space<vmem>>[vector<16xi32>], vector<16xi32>,
      %add3A_224 = arith.constant 2 : i32
      %add3A_225 = arith.addi %mul3A_209, %add3A_224 : i32
      %add3A_226 = vector.broadcast %add3A_225 : i32 to vector<16xi32>
      %add3A_227 = arith.addi %mul3A_5, %add3A_226 : vector<16xi32>
      %add3A_228 = arith.constant 200000 : i32
      %add3A_229 = vector.broadcast %add3A_228 : i32 to vector<16xi32>
      %add3A_230 = arith.addi %add3A_207, %add3A_229 : vector<16xi32>
      tpu.vector_store_idx %arg8[%add3A_227], %add3A_230 : memref<16384xi32, #tpu.memory_space<vmem>>[vector<16xi32>], vector<16xi32>,
      %add3A_231 = arith.constant 3 : i32
      %add3A_232 = arith.addi %mul3A_209, %add3A_231 : i32
      %add3A_233 = vector.broadcast %add3A_232 : i32 to vector<16xi32>
      %add3A_234 = arith.addi %mul3A_5, %add3A_233 : vector<16xi32>
      %add3A_235 = arith.constant 300000 : i32
      %add3A_236 = vector.broadcast %add3A_235 : i32 to vector<16xi32>
      %add3A_237 = arith.addi %add3A_207, %add3A_236 : vector<16xi32>
      tpu.vector_store_idx %arg8[%add3A_234], %add3A_237 : memref<16384xi32, #tpu.memory_space<vmem>>[vector<16xi32>], vector<16xi32>,
      %add3A_238 = arith.constant 4 : i32
      %add3A_239 = arith.addi %mul3A_209, %add3A_238 : i32
      %add3A_240 = vector.broadcast %add3A_239 : i32 to vector<16xi32>
      %add3A_241 = arith.addi %mul3A_5, %add3A_240 : vector<16xi32>
      %add3A_242 = arith.constant 400000 : i32
      %add3A_243 = vector.broadcast %add3A_242 : i32 to vector<16xi32>
      %add3A_244 = arith.addi %add3A_207, %add3A_243 : vector<16xi32>
      tpu.vector_store_idx %arg8[%add3A_241], %add3A_244 : memref<16384xi32, #tpu.memory_space<vmem>>[vector<16xi32>], vector<16xi32>,
      %add3A_245 = arith.constant 5 : i32
      %add3A_246 = arith.addi %mul3A_209, %add3A_245 : i32
      %add3A_247 = vector.broadcast %add3A_246 : i32 to vector<16xi32>
      %add3A_248 = arith.addi %mul3A_5, %add3A_247 : vector<16xi32>
      %add3A_249 = arith.constant 500000 : i32
      %add3A_250 = vector.broadcast %add3A_249 : i32 to vector<16xi32>
      %add3A_251 = arith.addi %add3A_207, %add3A_250 : vector<16xi32>
      tpu.vector_store_idx %arg8[%add3A_248], %add3A_251 : memref<16384xi32, #tpu.memory_space<vmem>>[vector<16xi32>], vector<16xi32>,
      %add3A_252 = arith.constant 6 : i32
      %add3A_253 = arith.addi %mul3A_209, %add3A_252 : i32
      %add3A_254 = vector.broadcast %add3A_253 : i32 to vector<16xi32>
      %add3A_255 = arith.addi %mul3A_5, %add3A_254 : vector<16xi32>
      %add3A_256 = arith.constant 600000 : i32
      %add3A_257 = vector.broadcast %add3A_256 : i32 to vector<16xi32>
      %add3A_258 = arith.addi %add3A_207, %add3A_257 : vector<16xi32>
      tpu.vector_store_idx %arg8[%add3A_255], %add3A_258 : memref<16384xi32, #tpu.memory_space<vmem>>[vector<16xi32>], vector<16xi32>,
      %add3A_259 = arith.constant 7 : i32
      %add3A_260 = arith.addi %mul3A_209, %add3A_259 : i32
      %add3A_261 = vector.broadcast %add3A_260 : i32 to vector<16xi32>
      %add3A_262 = arith.addi %mul3A_5, %add3A_261 : vector<16xi32>
      %add3A_263 = arith.constant 700000 : i32
      %add3A_264 = vector.broadcast %add3A_263 : i32 to vector<16xi32>
      %add3A_265 = arith.addi %add3A_207, %add3A_264 : vector<16xi32>
      tpu.vector_store_idx %arg8[%add3A_262], %add3A_265 : memref<16384xi32, #tpu.memory_space<vmem>>[vector<16xi32>], vector<16xi32>,
      %add3A_266 = arith.constant 8 : i32
      %add3A_267 = arith.addi %mul3A_209, %add3A_266 : i32
      %add3A_268 = vector.broadcast %add3A_267 : i32 to vector<16xi32>
      %add3A_269 = arith.addi %mul3A_5, %add3A_268 : vector<16xi32>
      %add3A_270 = arith.constant 800000 : i32
      %add3A_271 = vector.broadcast %add3A_270 : i32 to vector<16xi32>
      %add3A_272 = arith.addi %add3A_207, %add3A_271 : vector<16xi32>
      tpu.vector_store_idx %arg8[%add3A_269], %add3A_272 : memref<16384xi32, #tpu.memory_space<vmem>>[vector<16xi32>], vector<16xi32>,
      %add3A_273 = arith.constant 9 : i32
      %add3A_274 = arith.addi %mul3A_209, %add3A_273 : i32
      %add3A_275 = vector.broadcast %add3A_274 : i32 to vector<16xi32>
      %add3A_276 = arith.addi %mul3A_5, %add3A_275 : vector<16xi32>
      %add3A_277 = arith.constant 900000 : i32
      %add3A_278 = vector.broadcast %add3A_277 : i32 to vector<16xi32>
      %add3A_279 = arith.addi %add3A_207, %add3A_278 : vector<16xi32>
      tpu.vector_store_idx %arg8[%add3A_276], %add3A_279 : memref<16384xi32, #tpu.memory_space<vmem>>[vector<16xi32>], vector<16xi32>,
      %add3A_280 = arith.constant 10 : i32
      %add3A_281 = arith.addi %mul3A_209, %add3A_280 : i32
      %add3A_282 = vector.broadcast %add3A_281 : i32 to vector<16xi32>
      %add3A_283 = arith.addi %mul3A_5, %add3A_282 : vector<16xi32>
      %add3A_284 = arith.constant 1000000 : i32
      %add3A_285 = vector.broadcast %add3A_284 : i32 to vector<16xi32>
      %add3A_286 = arith.addi %add3A_207, %add3A_285 : vector<16xi32>
      tpu.vector_store_idx %arg8[%add3A_283], %add3A_286 : memref<16384xi32, #tpu.memory_space<vmem>>[vector<16xi32>], vector<16xi32>,
      %add3A_287 = arith.constant 11 : i32
      %add3A_288 = arith.addi %mul3A_209, %add3A_287 : i32
      %add3A_289 = vector.broadcast %add3A_288 : i32 to vector<16xi32>
      %add3A_290 = arith.addi %mul3A_5, %add3A_289 : vector<16xi32>
      %add3A_291 = arith.constant 1100000 : i32
      %add3A_292 = vector.broadcast %add3A_291 : i32 to vector<16xi32>
      %add3A_293 = arith.addi %add3A_207, %add3A_292 : vector<16xi32>
      tpu.vector_store_idx %arg8[%add3A_290], %add3A_293 : memref<16384xi32, #tpu.memory_space<vmem>>[vector<16xi32>], vector<16xi32>,
      %add3A_294 = arith.constant 12 : i32
      %add3A_295 = arith.addi %mul3A_209, %add3A_294 : i32
      %add3A_296 = vector.broadcast %add3A_295 : i32 to vector<16xi32>
      %add3A_297 = arith.addi %mul3A_5, %add3A_296 : vector<16xi32>
      %add3A_298 = arith.constant 1200000 : i32
      %add3A_299 = vector.broadcast %add3A_298 : i32 to vector<16xi32>
      %add3A_300 = arith.addi %add3A_207, %add3A_299 : vector<16xi32>
      tpu.vector_store_idx %arg8[%add3A_297], %add3A_300 : memref<16384xi32, #tpu.memory_space<vmem>>[vector<16xi32>], vector<16xi32>,
      %add3A_301 = arith.constant 13 : i32
      %add3A_302 = arith.addi %mul3A_209, %add3A_301 : i32
      %add3A_303 = vector.broadcast %add3A_302 : i32 to vector<16xi32>
      %add3A_304 = arith.addi %mul3A_5, %add3A_303 : vector<16xi32>
      %add3A_305 = arith.constant 1300000 : i32
      %add3A_306 = vector.broadcast %add3A_305 : i32 to vector<16xi32>
      %add3A_307 = arith.addi %add3A_207, %add3A_306 : vector<16xi32>
      tpu.vector_store_idx %arg8[%add3A_304], %add3A_307 : memref<16384xi32, #tpu.memory_space<vmem>>[vector<16xi32>], vector<16xi32>,
      %add3A_308 = arith.constant 14 : i32
      %add3A_309 = arith.addi %mul3A_209, %add3A_308 : i32
      %add3A_310 = vector.broadcast %add3A_309 : i32 to vector<16xi32>
      %add3A_311 = arith.addi %mul3A_5, %add3A_310 : vector<16xi32>
      %add3A_312 = arith.constant 1400000 : i32
      %add3A_313 = vector.broadcast %add3A_312 : i32 to vector<16xi32>
      %add3A_314 = arith.addi %add3A_207, %add3A_313 : vector<16xi32>
      tpu.vector_store_idx %arg8[%add3A_311], %add3A_314 : memref<16384xi32, #tpu.memory_space<vmem>>[vector<16xi32>], vector<16xi32>,
      %add3A_315 = arith.constant 15 : i32
      %add3A_316 = arith.addi %mul3A_209, %add3A_315 : i32
      %add3A_317 = vector.broadcast %add3A_316 : i32 to vector<16xi32>
      %add3A_318 = arith.addi %mul3A_5, %add3A_317 : vector<16xi32>
      %add3A_319 = arith.constant 1500000 : i32
      %add3A_320 = vector.broadcast %add3A_319 : i32 to vector<16xi32>
      %add3A_321 = arith.addi %add3A_207, %add3A_320 : vector<16xi32>
      tpu.vector_store_idx %arg8[%add3A_318], %add3A_321 : memref<16384xi32, #tpu.memory_space<vmem>>[vector<16xi32>], vector<16xi32>,
      %scan3A_322 = arith.constant 0 : i32
      scf.yield %scan3A_322 : i32
    }
    %scan3A_33 = arith.constant 64 : i32
    %dma_wait3A_34 = arith.constant 0 : i32
    %dma_wait3A_35 = tpu.memref_slice %arg2[%dma_wait3A_34] : memref<166400000xf32, #tpu.memory_space<hbm>> -> memref<166400000xf32, #tpu.memory_space<hbm>>
    tpu.wait_indirect_dma semaphore(%arg13 : memref<!tpu.dma_semaphore, #tpu.memory_space<semaphore_mem>>) src(%dma_wait3A_35 : memref<166400000xf32, #tpu.memory_space<hbm>>) dst(%arg11 : memref<16384xf32, #tpu.memory_space<vmem>>)
    %dma_start3A_36 = arith.constant 0 : i32
    %dma_start3A_37 = tpu.memref_slice %arg2[%dma_start3A_36] : memref<166400000xf32, #tpu.memory_space<hbm>> -> memref<166400000xf32, #tpu.memory_space<hbm>>
    tpu.enqueue_indirect_dma source(%dma_start3A_37 : memref<166400000xf32, #tpu.memory_space<hbm>>) target(%arg10 : memref<16384xf32, #tpu.memory_space<vmem>>) offsets(%arg8 : memref<16384xi32, #tpu.memory_space<vmem>>) semaphore(%arg12 : memref<!tpu.dma_semaphore, #tpu.memory_space<semaphore_mem>>)
    %add3A_38 = arith.constant 1024 : i32
    %add3A_39 = arith.addi %mul3A_2, %add3A_38 : i32
    %mul3A_40 = arith.constant 16 : i32
    %mul3A_41 = arith.muli %add3A_39, %mul3A_40 : i32
    "tpu.region"() ({
      %run_scoped3A = tpu.sem_alloc : memref<!tpu.dma_semaphore, #tpu.memory_space<semaphore_mem>>
      %dma_start3A_198 = tpu.memref_slice %arg5[%mul3A_41] : memref<6815744xf32, #tpu.memory_space<hbm>> -> memref<16384xf32, #tpu.memory_space<hbm>>
      %dma_start3A_199 = tpu.memref_slice %arg5[%mul3A_41] : memref<6815744xf32, #tpu.memory_space<hbm>> -> memref<16384xf32, #tpu.memory_space<hbm>>
      tpu.enqueue_dma source(%arg11 : memref<16384xf32, #tpu.memory_space<vmem>>) target(%dma_start3A_199 : memref<16384xf32, #tpu.memory_space<hbm>>) target_semaphore(%run_scoped3A : memref<!tpu.dma_semaphore, #tpu.memory_space<semaphore_mem>>)
      %dma_wait3A_200 = tpu.memref_slice %arg5[%mul3A_41] : memref<6815744xf32, #tpu.memory_space<hbm>> -> memref<16384xf32, #tpu.memory_space<hbm>>
      %dma_wait3A_201 = tpu.memref_slice %arg5[%mul3A_41] : memref<6815744xf32, #tpu.memory_space<hbm>> -> memref<16384xf32, #tpu.memory_space<hbm>>
      tpu.wait_dma2 semaphore(%run_scoped3A : memref<!tpu.dma_semaphore, #tpu.memory_space<semaphore_mem>>) src(%arg11 : memref<16384xf32, #tpu.memory_space<vmem>>) dst(%dma_wait3A_201 : memref<16384xf32, #tpu.memory_space<hbm>>)
      tpu.yield
    }) : () -> ()
    %scan3A_42 = arith.constant 0 : i32
    %scan3A_43 = arith.constant 0 : i32
    %scan3A_44 = arith.constant 64 : i32
    %scan3A_45 = arith.addi %scan3A_43, %scan3A_44 : i32
    %scan3A_46 = arith.constant 1 : i32
    %scan3A_47 = scf.for %scan3A_198 = %scan3A_43 to %scan3A_45 step %scan3A_46 iter_args(%scan3A_199 = %scan3A_42) -> (i32)  : i32 {
      %mul3A_200 = arith.constant 16 : i32
      %mul3A_201 = arith.muli %scan3A_198, %mul3A_200 : i32
      %add3A_202 = arith.constant 3072 : i32
      %add3A_203 = arith.addi %add3A_202, %mul3A_201 : i32
      %get3A = arith.index_cast %add3A_203 : i32 to index
      %get3A_204 = tpu.vector_load %arg6[%get3A] {strides = array<i32>} : memref<13312xi32, #tpu.memory_space<vmem>>, vector<16xi32>,
      %get3A_205 = arith.index_cast %add3A_203 : i32 to index
      %get3A_206 = tpu.vector_load %arg7[%get3A_205] {strides = array<i32>} : memref<13312xi32, #tpu.memory_space<vmem>>, vector<16xi32>,
      %add3A_207 = arith.addi %get3A_204, %get3A_206 : vector<16xi32>
      %mul3A_208 = arith.constant 256 : i32
      %mul3A_209 = arith.muli %scan3A_198, %mul3A_208 : i32
      %add3A_210 = arith.constant 0 : i32
      %add3A_211 = arith.addi %mul3A_209, %add3A_210 : i32
      %add3A_212 = vector.broadcast %add3A_211 : i32 to vector<16xi32>
      %add3A_213 = arith.addi %mul3A_5, %add3A_212 : vector<16xi32>
      %add3A_214 = arith.constant 0 : i32
      %add3A_215 = vector.broadcast %add3A_214 : i32 to vector<16xi32>
      %add3A_216 = arith.addi %add3A_207, %add3A_215 : vector<16xi32>
      tpu.vector_store_idx %arg9[%add3A_213], %add3A_216 : memref<16384xi32, #tpu.memory_space<vmem>>[vector<16xi32>], vector<16xi32>,
      %add3A_217 = arith.constant 1 : i32
      %add3A_218 = arith.addi %mul3A_209, %add3A_217 : i32
      %add3A_219 = vector.broadcast %add3A_218 : i32 to vector<16xi32>
      %add3A_220 = arith.addi %mul3A_5, %add3A_219 : vector<16xi32>
      %add3A_221 = arith.constant 100000 : i32
      %add3A_222 = vector.broadcast %add3A_221 : i32 to vector<16xi32>
      %add3A_223 = arith.addi %add3A_207, %add3A_222 : vector<16xi32>
      tpu.vector_store_idx %arg9[%add3A_220], %add3A_223 : memref<16384xi32, #tpu.memory_space<vmem>>[vector<16xi32>], vector<16xi32>,
      %add3A_224 = arith.constant 2 : i32
      %add3A_225 = arith.addi %mul3A_209, %add3A_224 : i32
      %add3A_226 = vector.broadcast %add3A_225 : i32 to vector<16xi32>
      %add3A_227 = arith.addi %mul3A_5, %add3A_226 : vector<16xi32>
      %add3A_228 = arith.constant 200000 : i32
      %add3A_229 = vector.broadcast %add3A_228 : i32 to vector<16xi32>
      %add3A_230 = arith.addi %add3A_207, %add3A_229 : vector<16xi32>
      tpu.vector_store_idx %arg9[%add3A_227], %add3A_230 : memref<16384xi32, #tpu.memory_space<vmem>>[vector<16xi32>], vector<16xi32>,
      %add3A_231 = arith.constant 3 : i32
      %add3A_232 = arith.addi %mul3A_209, %add3A_231 : i32
      %add3A_233 = vector.broadcast %add3A_232 : i32 to vector<16xi32>
      %add3A_234 = arith.addi %mul3A_5, %add3A_233 : vector<16xi32>
      %add3A_235 = arith.constant 300000 : i32
      %add3A_236 = vector.broadcast %add3A_235 : i32 to vector<16xi32>
      %add3A_237 = arith.addi %add3A_207, %add3A_236 : vector<16xi32>
      tpu.vector_store_idx %arg9[%add3A_234], %add3A_237 : memref<16384xi32, #tpu.memory_space<vmem>>[vector<16xi32>], vector<16xi32>,
      %add3A_238 = arith.constant 4 : i32
      %add3A_239 = arith.addi %mul3A_209, %add3A_238 : i32
      %add3A_240 = vector.broadcast %add3A_239 : i32 to vector<16xi32>
      %add3A_241 = arith.addi %mul3A_5, %add3A_240 : vector<16xi32>
      %add3A_242 = arith.constant 400000 : i32
      %add3A_243 = vector.broadcast %add3A_242 : i32 to vector<16xi32>
      %add3A_244 = arith.addi %add3A_207, %add3A_243 : vector<16xi32>
      tpu.vector_store_idx %arg9[%add3A_241], %add3A_244 : memref<16384xi32, #tpu.memory_space<vmem>>[vector<16xi32>], vector<16xi32>,
      %add3A_245 = arith.constant 5 : i32
      %add3A_246 = arith.addi %mul3A_209, %add3A_245 : i32
      %add3A_247 = vector.broadcast %add3A_246 : i32 to vector<16xi32>
      %add3A_248 = arith.addi %mul3A_5, %add3A_247 : vector<16xi32>
      %add3A_249 = arith.constant 500000 : i32
      %add3A_250 = vector.broadcast %add3A_249 : i32 to vector<16xi32>
      %add3A_251 = arith.addi %add3A_207, %add3A_250 : vector<16xi32>
      tpu.vector_store_idx %arg9[%add3A_248], %add3A_251 : memref<16384xi32, #tpu.memory_space<vmem>>[vector<16xi32>], vector<16xi32>,
      %add3A_252 = arith.constant 6 : i32
      %add3A_253 = arith.addi %mul3A_209, %add3A_252 : i32
      %add3A_254 = vector.broadcast %add3A_253 : i32 to vector<16xi32>
      %add3A_255 = arith.addi %mul3A_5, %add3A_254 : vector<16xi32>
      %add3A_256 = arith.constant 600000 : i32
      %add3A_257 = vector.broadcast %add3A_256 : i32 to vector<16xi32>
      %add3A_258 = arith.addi %add3A_207, %add3A_257 : vector<16xi32>
      tpu.vector_store_idx %arg9[%add3A_255], %add3A_258 : memref<16384xi32, #tpu.memory_space<vmem>>[vector<16xi32>], vector<16xi32>,
      %add3A_259 = arith.constant 7 : i32
      %add3A_260 = arith.addi %mul3A_209, %add3A_259 : i32
      %add3A_261 = vector.broadcast %add3A_260 : i32 to vector<16xi32>
      %add3A_262 = arith.addi %mul3A_5, %add3A_261 : vector<16xi32>
      %add3A_263 = arith.constant 700000 : i32
      %add3A_264 = vector.broadcast %add3A_263 : i32 to vector<16xi32>
      %add3A_265 = arith.addi %add3A_207, %add3A_264 : vector<16xi32>
      tpu.vector_store_idx %arg9[%add3A_262], %add3A_265 : memref<16384xi32, #tpu.memory_space<vmem>>[vector<16xi32>], vector<16xi32>,
      %add3A_266 = arith.constant 8 : i32
      %add3A_267 = arith.addi %mul3A_209, %add3A_266 : i32
      %add3A_268 = vector.broadcast %add3A_267 : i32 to vector<16xi32>
      %add3A_269 = arith.addi %mul3A_5, %add3A_268 : vector<16xi32>
      %add3A_270 = arith.constant 800000 : i32
      %add3A_271 = vector.broadcast %add3A_270 : i32 to vector<16xi32>
      %add3A_272 = arith.addi %add3A_207, %add3A_271 : vector<16xi32>
      tpu.vector_store_idx %arg9[%add3A_269], %add3A_272 : memref<16384xi32, #tpu.memory_space<vmem>>[vector<16xi32>], vector<16xi32>,
      %add3A_273 = arith.constant 9 : i32
      %add3A_274 = arith.addi %mul3A_209, %add3A_273 : i32
      %add3A_275 = vector.broadcast %add3A_274 : i32 to vector<16xi32>
      %add3A_276 = arith.addi %mul3A_5, %add3A_275 : vector<16xi32>
      %add3A_277 = arith.constant 900000 : i32
      %add3A_278 = vector.broadcast %add3A_277 : i32 to vector<16xi32>
      %add3A_279 = arith.addi %add3A_207, %add3A_278 : vector<16xi32>
      tpu.vector_store_idx %arg9[%add3A_276], %add3A_279 : memref<16384xi32, #tpu.memory_space<vmem>>[vector<16xi32>], vector<16xi32>,
      %add3A_280 = arith.constant 10 : i32
      %add3A_281 = arith.addi %mul3A_209, %add3A_280 : i32
      %add3A_282 = vector.broadcast %add3A_281 : i32 to vector<16xi32>
      %add3A_283 = arith.addi %mul3A_5, %add3A_282 : vector<16xi32>
      %add3A_284 = arith.constant 1000000 : i32
      %add3A_285 = vector.broadcast %add3A_284 : i32 to vector<16xi32>
      %add3A_286 = arith.addi %add3A_207, %add3A_285 : vector<16xi32>
      tpu.vector_store_idx %arg9[%add3A_283], %add3A_286 : memref<16384xi32, #tpu.memory_space<vmem>>[vector<16xi32>], vector<16xi32>,
      %add3A_287 = arith.constant 11 : i32
      %add3A_288 = arith.addi %mul3A_209, %add3A_287 : i32
      %add3A_289 = vector.broadcast %add3A_288 : i32 to vector<16xi32>
      %add3A_290 = arith.addi %mul3A_5, %add3A_289 : vector<16xi32>
      %add3A_291 = arith.constant 1100000 : i32
      %add3A_292 = vector.broadcast %add3A_291 : i32 to vector<16xi32>
      %add3A_293 = arith.addi %add3A_207, %add3A_292 : vector<16xi32>
      tpu.vector_store_idx %arg9[%add3A_290], %add3A_293 : memref<16384xi32, #tpu.memory_space<vmem>>[vector<16xi32>], vector<16xi32>,
      %add3A_294 = arith.constant 12 : i32
      %add3A_295 = arith.addi %mul3A_209, %add3A_294 : i32
      %add3A_296 = vector.broadcast %add3A_295 : i32 to vector<16xi32>
      %add3A_297 = arith.addi %mul3A_5, %add3A_296 : vector<16xi32>
      %add3A_298 = arith.constant 1200000 : i32
      %add3A_299 = vector.broadcast %add3A_298 : i32 to vector<16xi32>
      %add3A_300 = arith.addi %add3A_207, %add3A_299 : vector<16xi32>
      tpu.vector_store_idx %arg9[%add3A_297], %add3A_300 : memref<16384xi32, #tpu.memory_space<vmem>>[vector<16xi32>], vector<16xi32>,
      %add3A_301 = arith.constant 13 : i32
      %add3A_302 = arith.addi %mul3A_209, %add3A_301 : i32
      %add3A_303 = vector.broadcast %add3A_302 : i32 to vector<16xi32>
      %add3A_304 = arith.addi %mul3A_5, %add3A_303 : vector<16xi32>
      %add3A_305 = arith.constant 1300000 : i32
      %add3A_306 = vector.broadcast %add3A_305 : i32 to vector<16xi32>
      %add3A_307 = arith.addi %add3A_207, %add3A_306 : vector<16xi32>
      tpu.vector_store_idx %arg9[%add3A_304], %add3A_307 : memref<16384xi32, #tpu.memory_space<vmem>>[vector<16xi32>], vector<16xi32>,
      %add3A_308 = arith.constant 14 : i32
      %add3A_309 = arith.addi %mul3A_209, %add3A_308 : i32
      %add3A_310 = vector.broadcast %add3A_309 : i32 to vector<16xi32>
      %add3A_311 = arith.addi %mul3A_5, %add3A_310 : vector<16xi32>
      %add3A_312 = arith.constant 1400000 : i32
      %add3A_313 = vector.broadcast %add3A_312 : i32 to vector<16xi32>
      %add3A_314 = arith.addi %add3A_207, %add3A_313 : vector<16xi32>
      tpu.vector_store_idx %arg9[%add3A_311], %add3A_314 : memref<16384xi32, #tpu.memory_space<vmem>>[vector<16xi32>], vector<16xi32>,
      %add3A_315 = arith.constant 15 : i32
      %add3A_316 = arith.addi %mul3A_209, %add3A_315 : i32
      %add3A_317 = vector.broadcast %add3A_316 : i32 to vector<16xi32>
      %add3A_318 = arith.addi %mul3A_5, %add3A_317 : vector<16xi32>
      %add3A_319 = arith.constant 1500000 : i32
      %add3A_320 = vector.broadcast %add3A_319 : i32 to vector<16xi32>
      %add3A_321 = arith.addi %add3A_207, %add3A_320 : vector<16xi32>
      tpu.vector_store_idx %arg9[%add3A_318], %add3A_321 : memref<16384xi32, #tpu.memory_space<vmem>>[vector<16xi32>], vector<16xi32>,
      %scan3A_322 = arith.constant 0 : i32
      scf.yield %scan3A_322 : i32
    }
    %scan3A_48 = arith.constant 64 : i32
    %dma_wait3A_49 = arith.constant 0 : i32
    %dma_wait3A_50 = tpu.memref_slice %arg2[%dma_wait3A_49] : memref<166400000xf32, #tpu.memory_space<hbm>> -> memref<166400000xf32, #tpu.memory_space<hbm>>
    tpu.wait_indirect_dma semaphore(%arg12 : memref<!tpu.dma_semaphore, #tpu.memory_space<semaphore_mem>>) src(%dma_wait3A_50 : memref<166400000xf32, #tpu.memory_space<hbm>>) dst(%arg10 : memref<16384xf32, #tpu.memory_space<vmem>>)
    %dma_start3A_51 = arith.constant 0 : i32
    %dma_start3A_52 = tpu.memref_slice %arg2[%dma_start3A_51] : memref<166400000xf32, #tpu.memory_space<hbm>> -> memref<166400000xf32, #tpu.memory_space<hbm>>
    tpu.enqueue_indirect_dma source(%dma_start3A_52 : memref<166400000xf32, #tpu.memory_space<hbm>>) target(%arg11 : memref<16384xf32, #tpu.memory_space<vmem>>) offsets(%arg9 : memref<16384xi32, #tpu.memory_space<vmem>>) semaphore(%arg13 : memref<!tpu.dma_semaphore, #tpu.memory_space<semaphore_mem>>)
    %add3A_53 = arith.constant 2048 : i32
    %add3A_54 = arith.addi %mul3A_2, %add3A_53 : i32
    %mul3A_55 = arith.constant 16 : i32
    %mul3A_56 = arith.muli %add3A_54, %mul3A_55 : i32
    "tpu.region"() ({
      %run_scoped3A = tpu.sem_alloc : memref<!tpu.dma_semaphore, #tpu.memory_space<semaphore_mem>>
      %dma_start3A_198 = tpu.memref_slice %arg5[%mul3A_56] : memref<6815744xf32, #tpu.memory_space<hbm>> -> memref<16384xf32, #tpu.memory_space<hbm>>
      %dma_start3A_199 = tpu.memref_slice %arg5[%mul3A_56] : memref<6815744xf32, #tpu.memory_space<hbm>> -> memref<16384xf32, #tpu.memory_space<hbm>>
      tpu.enqueue_dma source(%arg10 : memref<16384xf32, #tpu.memory_space<vmem>>) target(%dma_start3A_199 : memref<16384xf32, #tpu.memory_space<hbm>>) target_semaphore(%run_scoped3A : memref<!tpu.dma_semaphore, #tpu.memory_space<semaphore_mem>>)
      %dma_wait3A_200 = tpu.memref_slice %arg5[%mul3A_56] : memref<6815744xf32, #tpu.memory_space<hbm>> -> memref<16384xf32, #tpu.memory_space<hbm>>
      %dma_wait3A_201 = tpu.memref_slice %arg5[%mul3A_56] : memref<6815744xf32, #tpu.memory_space<hbm>> -> memref<16384xf32, #tpu.memory_space<hbm>>
      tpu.wait_dma2 semaphore(%run_scoped3A : memref<!tpu.dma_semaphore, #tpu.memory_space<semaphore_mem>>) src(%arg10 : memref<16384xf32, #tpu.memory_space<vmem>>) dst(%dma_wait3A_201 : memref<16384xf32, #tpu.memory_space<hbm>>)
      tpu.yield
    }) : () -> ()
    %scan3A_57 = arith.constant 0 : i32
    %scan3A_58 = arith.constant 0 : i32
    %scan3A_59 = arith.constant 64 : i32
    %scan3A_60 = arith.addi %scan3A_58, %scan3A_59 : i32
    %scan3A_61 = arith.constant 1 : i32
    %scan3A_62 = scf.for %scan3A_198 = %scan3A_58 to %scan3A_60 step %scan3A_61 iter_args(%scan3A_199 = %scan3A_57) -> (i32)  : i32 {
      %mul3A_200 = arith.constant 16 : i32
      %mul3A_201 = arith.muli %scan3A_198, %mul3A_200 : i32
      %add3A_202 = arith.constant 4096 : i32
      %add3A_203 = arith.addi %add3A_202, %mul3A_201 : i32
      %get3A = arith.index_cast %add3A_203 : i32 to index
      %get3A_204 = tpu.vector_load %arg6[%get3A] {strides = array<i32>} : memref<13312xi32, #tpu.memory_space<vmem>>, vector<16xi32>,
      %get3A_205 = arith.index_cast %add3A_203 : i32 to index
      %get3A_206 = tpu.vector_load %arg7[%get3A_205] {strides = array<i32>} : memref<13312xi32, #tpu.memory_space<vmem>>, vector<16xi32>,
      %add3A_207 = arith.addi %get3A_204, %get3A_206 : vector<16xi32>
      %mul3A_208 = arith.constant 256 : i32
      %mul3A_209 = arith.muli %scan3A_198, %mul3A_208 : i32
      %add3A_210 = arith.constant 0 : i32
      %add3A_211 = arith.addi %mul3A_209, %add3A_210 : i32
      %add3A_212 = vector.broadcast %add3A_211 : i32 to vector<16xi32>
      %add3A_213 = arith.addi %mul3A_5, %add3A_212 : vector<16xi32>
      %add3A_214 = arith.constant 0 : i32
      %add3A_215 = vector.broadcast %add3A_214 : i32 to vector<16xi32>
      %add3A_216 = arith.addi %add3A_207, %add3A_215 : vector<16xi32>
      tpu.vector_store_idx %arg8[%add3A_213], %add3A_216 : memref<16384xi32, #tpu.memory_space<vmem>>[vector<16xi32>], vector<16xi32>,
      %add3A_217 = arith.constant 1 : i32
      %add3A_218 = arith.addi %mul3A_209, %add3A_217 : i32
      %add3A_219 = vector.broadcast %add3A_218 : i32 to vector<16xi32>
      %add3A_220 = arith.addi %mul3A_5, %add3A_219 : vector<16xi32>
      %add3A_221 = arith.constant 100000 : i32
      %add3A_222 = vector.broadcast %add3A_221 : i32 to vector<16xi32>
      %add3A_223 = arith.addi %add3A_207, %add3A_222 : vector<16xi32>
      tpu.vector_store_idx %arg8[%add3A_220], %add3A_223 : memref<16384xi32, #tpu.memory_space<vmem>>[vector<16xi32>], vector<16xi32>,
      %add3A_224 = arith.constant 2 : i32
      %add3A_225 = arith.addi %mul3A_209, %add3A_224 : i32
      %add3A_226 = vector.broadcast %add3A_225 : i32 to vector<16xi32>
      %add3A_227 = arith.addi %mul3A_5, %add3A_226 : vector<16xi32>
      %add3A_228 = arith.constant 200000 : i32
      %add3A_229 = vector.broadcast %add3A_228 : i32 to vector<16xi32>
      %add3A_230 = arith.addi %add3A_207, %add3A_229 : vector<16xi32>
      tpu.vector_store_idx %arg8[%add3A_227], %add3A_230 : memref<16384xi32, #tpu.memory_space<vmem>>[vector<16xi32>], vector<16xi32>,
      %add3A_231 = arith.constant 3 : i32
      %add3A_232 = arith.addi %mul3A_209, %add3A_231 : i32
      %add3A_233 = vector.broadcast %add3A_232 : i32 to vector<16xi32>
      %add3A_234 = arith.addi %mul3A_5, %add3A_233 : vector<16xi32>
      %add3A_235 = arith.constant 300000 : i32
      %add3A_236 = vector.broadcast %add3A_235 : i32 to vector<16xi32>
      %add3A_237 = arith.addi %add3A_207, %add3A_236 : vector<16xi32>
      tpu.vector_store_idx %arg8[%add3A_234], %add3A_237 : memref<16384xi32, #tpu.memory_space<vmem>>[vector<16xi32>], vector<16xi32>,
      %add3A_238 = arith.constant 4 : i32
      %add3A_239 = arith.addi %mul3A_209, %add3A_238 : i32
      %add3A_240 = vector.broadcast %add3A_239 : i32 to vector<16xi32>
      %add3A_241 = arith.addi %mul3A_5, %add3A_240 : vector<16xi32>
      %add3A_242 = arith.constant 400000 : i32
      %add3A_243 = vector.broadcast %add3A_242 : i32 to vector<16xi32>
      %add3A_244 = arith.addi %add3A_207, %add3A_243 : vector<16xi32>
      tpu.vector_store_idx %arg8[%add3A_241], %add3A_244 : memref<16384xi32, #tpu.memory_space<vmem>>[vector<16xi32>], vector<16xi32>,
      %add3A_245 = arith.constant 5 : i32
      %add3A_246 = arith.addi %mul3A_209, %add3A_245 : i32
      %add3A_247 = vector.broadcast %add3A_246 : i32 to vector<16xi32>
      %add3A_248 = arith.addi %mul3A_5, %add3A_247 : vector<16xi32>
      %add3A_249 = arith.constant 500000 : i32
      %add3A_250 = vector.broadcast %add3A_249 : i32 to vector<16xi32>
      %add3A_251 = arith.addi %add3A_207, %add3A_250 : vector<16xi32>
      tpu.vector_store_idx %arg8[%add3A_248], %add3A_251 : memref<16384xi32, #tpu.memory_space<vmem>>[vector<16xi32>], vector<16xi32>,
      %add3A_252 = arith.constant 6 : i32
      %add3A_253 = arith.addi %mul3A_209, %add3A_252 : i32
      %add3A_254 = vector.broadcast %add3A_253 : i32 to vector<16xi32>
      %add3A_255 = arith.addi %mul3A_5, %add3A_254 : vector<16xi32>
      %add3A_256 = arith.constant 600000 : i32
      %add3A_257 = vector.broadcast %add3A_256 : i32 to vector<16xi32>
      %add3A_258 = arith.addi %add3A_207, %add3A_257 : vector<16xi32>
      tpu.vector_store_idx %arg8[%add3A_255], %add3A_258 : memref<16384xi32, #tpu.memory_space<vmem>>[vector<16xi32>], vector<16xi32>,
      %add3A_259 = arith.constant 7 : i32
      %add3A_260 = arith.addi %mul3A_209, %add3A_259 : i32
      %add3A_261 = vector.broadcast %add3A_260 : i32 to vector<16xi32>
      %add3A_262 = arith.addi %mul3A_5, %add3A_261 : vector<16xi32>
      %add3A_263 = arith.constant 700000 : i32
      %add3A_264 = vector.broadcast %add3A_263 : i32 to vector<16xi32>
      %add3A_265 = arith.addi %add3A_207, %add3A_264 : vector<16xi32>
      tpu.vector_store_idx %arg8[%add3A_262], %add3A_265 : memref<16384xi32, #tpu.memory_space<vmem>>[vector<16xi32>], vector<16xi32>,
      %add3A_266 = arith.constant 8 : i32
      %add3A_267 = arith.addi %mul3A_209, %add3A_266 : i32
      %add3A_268 = vector.broadcast %add3A_267 : i32 to vector<16xi32>
      %add3A_269 = arith.addi %mul3A_5, %add3A_268 : vector<16xi32>
      %add3A_270 = arith.constant 800000 : i32
      %add3A_271 = vector.broadcast %add3A_270 : i32 to vector<16xi32>
      %add3A_272 = arith.addi %add3A_207, %add3A_271 : vector<16xi32>
      tpu.vector_store_idx %arg8[%add3A_269], %add3A_272 : memref<16384xi32, #tpu.memory_space<vmem>>[vector<16xi32>], vector<16xi32>,
      %add3A_273 = arith.constant 9 : i32
      %add3A_274 = arith.addi %mul3A_209, %add3A_273 : i32
      %add3A_275 = vector.broadcast %add3A_274 : i32 to vector<16xi32>
      %add3A_276 = arith.addi %mul3A_5, %add3A_275 : vector<16xi32>
      %add3A_277 = arith.constant 900000 : i32
      %add3A_278 = vector.broadcast %add3A_277 : i32 to vector<16xi32>
      %add3A_279 = arith.addi %add3A_207, %add3A_278 : vector<16xi32>
      tpu.vector_store_idx %arg8[%add3A_276], %add3A_279 : memref<16384xi32, #tpu.memory_space<vmem>>[vector<16xi32>], vector<16xi32>,
      %add3A_280 = arith.constant 10 : i32
      %add3A_281 = arith.addi %mul3A_209, %add3A_280 : i32
      %add3A_282 = vector.broadcast %add3A_281 : i32 to vector<16xi32>
      %add3A_283 = arith.addi %mul3A_5, %add3A_282 : vector<16xi32>
      %add3A_284 = arith.constant 1000000 : i32
      %add3A_285 = vector.broadcast %add3A_284 : i32 to vector<16xi32>
      %add3A_286 = arith.addi %add3A_207, %add3A_285 : vector<16xi32>
      tpu.vector_store_idx %arg8[%add3A_283], %add3A_286 : memref<16384xi32, #tpu.memory_space<vmem>>[vector<16xi32>], vector<16xi32>,
      %add3A_287 = arith.constant 11 : i32
      %add3A_288 = arith.addi %mul3A_209, %add3A_287 : i32
      %add3A_289 = vector.broadcast %add3A_288 : i32 to vector<16xi32>
      %add3A_290 = arith.addi %mul3A_5, %add3A_289 : vector<16xi32>
      %add3A_291 = arith.constant 1100000 : i32
      %add3A_292 = vector.broadcast %add3A_291 : i32 to vector<16xi32>
      %add3A_293 = arith.addi %add3A_207, %add3A_292 : vector<16xi32>
      tpu.vector_store_idx %arg8[%add3A_290], %add3A_293 : memref<16384xi32, #tpu.memory_space<vmem>>[vector<16xi32>], vector<16xi32>,
      %add3A_294 = arith.constant 12 : i32
      %add3A_295 = arith.addi %mul3A_209, %add3A_294 : i32
      %add3A_296 = vector.broadcast %add3A_295 : i32 to vector<16xi32>
      %add3A_297 = arith.addi %mul3A_5, %add3A_296 : vector<16xi32>
      %add3A_298 = arith.constant 1200000 : i32
      %add3A_299 = vector.broadcast %add3A_298 : i32 to vector<16xi32>
      %add3A_300 = arith.addi %add3A_207, %add3A_299 : vector<16xi32>
      tpu.vector_store_idx %arg8[%add3A_297], %add3A_300 : memref<16384xi32, #tpu.memory_space<vmem>>[vector<16xi32>], vector<16xi32>,
      %add3A_301 = arith.constant 13 : i32
      %add3A_302 = arith.addi %mul3A_209, %add3A_301 : i32
      %add3A_303 = vector.broadcast %add3A_302 : i32 to vector<16xi32>
      %add3A_304 = arith.addi %mul3A_5, %add3A_303 : vector<16xi32>
      %add3A_305 = arith.constant 1300000 : i32
      %add3A_306 = vector.broadcast %add3A_305 : i32 to vector<16xi32>
      %add3A_307 = arith.addi %add3A_207, %add3A_306 : vector<16xi32>
      tpu.vector_store_idx %arg8[%add3A_304], %add3A_307 : memref<16384xi32, #tpu.memory_space<vmem>>[vector<16xi32>], vector<16xi32>,
      %add3A_308 = arith.constant 14 : i32
      %add3A_309 = arith.addi %mul3A_209, %add3A_308 : i32
      %add3A_310 = vector.broadcast %add3A_309 : i32 to vector<16xi32>
      %add3A_311 = arith.addi %mul3A_5, %add3A_310 : vector<16xi32>
      %add3A_312 = arith.constant 1400000 : i32
      %add3A_313 = vector.broadcast %add3A_312 : i32 to vector<16xi32>
      %add3A_314 = arith.addi %add3A_207, %add3A_313 : vector<16xi32>
      tpu.vector_store_idx %arg8[%add3A_311], %add3A_314 : memref<16384xi32, #tpu.memory_space<vmem>>[vector<16xi32>], vector<16xi32>,
      %add3A_315 = arith.constant 15 : i32
      %add3A_316 = arith.addi %mul3A_209, %add3A_315 : i32
      %add3A_317 = vector.broadcast %add3A_316 : i32 to vector<16xi32>
      %add3A_318 = arith.addi %mul3A_5, %add3A_317 : vector<16xi32>
      %add3A_319 = arith.constant 1500000 : i32
      %add3A_320 = vector.broadcast %add3A_319 : i32 to vector<16xi32>
      %add3A_321 = arith.addi %add3A_207, %add3A_320 : vector<16xi32>
      tpu.vector_store_idx %arg8[%add3A_318], %add3A_321 : memref<16384xi32, #tpu.memory_space<vmem>>[vector<16xi32>], vector<16xi32>,
      %scan3A_322 = arith.constant 0 : i32
      scf.yield %scan3A_322 : i32
    }
    %scan3A_63 = arith.constant 64 : i32
    %dma_wait3A_64 = arith.constant 0 : i32
    %dma_wait3A_65 = tpu.memref_slice %arg2[%dma_wait3A_64] : memref<166400000xf32, #tpu.memory_space<hbm>> -> memref<166400000xf32, #tpu.memory_space<hbm>>
    tpu.wait_indirect_dma semaphore(%arg13 : memref<!tpu.dma_semaphore, #tpu.memory_space<semaphore_mem>>) src(%dma_wait3A_65 : memref<166400000xf32, #tpu.memory_space<hbm>>) dst(%arg11 : memref<16384xf32, #tpu.memory_space<vmem>>)
    %dma_start3A_66 = arith.constant 0 : i32
    %dma_start3A_67 = tpu.memref_slice %arg2[%dma_start3A_66] : memref<166400000xf32, #tpu.memory_space<hbm>> -> memref<166400000xf32, #tpu.memory_space<hbm>>
    tpu.enqueue_indirect_dma source(%dma_start3A_67 : memref<166400000xf32, #tpu.memory_space<hbm>>) target(%arg10 : memref<16384xf32, #tpu.memory_space<vmem>>) offsets(%arg8 : memref<16384xi32, #tpu.memory_space<vmem>>) semaphore(%arg12 : memref<!tpu.dma_semaphore, #tpu.memory_space<semaphore_mem>>)
    %add3A_68 = arith.constant 3072 : i32
    %add3A_69 = arith.addi %mul3A_2, %add3A_68 : i32
    %mul3A_70 = arith.constant 16 : i32
    %mul3A_71 = arith.muli %add3A_69, %mul3A_70 : i32
    "tpu.region"() ({
      %run_scoped3A = tpu.sem_alloc : memref<!tpu.dma_semaphore, #tpu.memory_space<semaphore_mem>>
      %dma_start3A_198 = tpu.memref_slice %arg5[%mul3A_71] : memref<6815744xf32, #tpu.memory_space<hbm>> -> memref<16384xf32, #tpu.memory_space<hbm>>
      %dma_start3A_199 = tpu.memref_slice %arg5[%mul3A_71] : memref<6815744xf32, #tpu.memory_space<hbm>> -> memref<16384xf32, #tpu.memory_space<hbm>>
      tpu.enqueue_dma source(%arg11 : memref<16384xf32, #tpu.memory_space<vmem>>) target(%dma_start3A_199 : memref<16384xf32, #tpu.memory_space<hbm>>) target_semaphore(%run_scoped3A : memref<!tpu.dma_semaphore, #tpu.memory_space<semaphore_mem>>)
      %dma_wait3A_200 = tpu.memref_slice %arg5[%mul3A_71] : memref<6815744xf32, #tpu.memory_space<hbm>> -> memref<16384xf32, #tpu.memory_space<hbm>>
      %dma_wait3A_201 = tpu.memref_slice %arg5[%mul3A_71] : memref<6815744xf32, #tpu.memory_space<hbm>> -> memref<16384xf32, #tpu.memory_space<hbm>>
      tpu.wait_dma2 semaphore(%run_scoped3A : memref<!tpu.dma_semaphore, #tpu.memory_space<semaphore_mem>>) src(%arg11 : memref<16384xf32, #tpu.memory_space<vmem>>) dst(%dma_wait3A_201 : memref<16384xf32, #tpu.memory_space<hbm>>)
      tpu.yield
    }) : () -> ()
    %scan3A_72 = arith.constant 0 : i32
    %scan3A_73 = arith.constant 0 : i32
    %scan3A_74 = arith.constant 64 : i32
    %scan3A_75 = arith.addi %scan3A_73, %scan3A_74 : i32
    %scan3A_76 = arith.constant 1 : i32
    %scan3A_77 = scf.for %scan3A_198 = %scan3A_73 to %scan3A_75 step %scan3A_76 iter_args(%scan3A_199 = %scan3A_72) -> (i32)  : i32 {
      %mul3A_200 = arith.constant 16 : i32
      %mul3A_201 = arith.muli %scan3A_198, %mul3A_200 : i32
      %add3A_202 = arith.constant 5120 : i32
      %add3A_203 = arith.addi %add3A_202, %mul3A_201 : i32
      %get3A = arith.index_cast %add3A_203 : i32 to index
      %get3A_204 = tpu.vector_load %arg6[%get3A] {strides = array<i32>} : memref<13312xi32, #tpu.memory_space<vmem>>, vector<16xi32>,
      %get3A_205 = arith.index_cast %add3A_203 : i32 to index
      %get3A_206 = tpu.vector_load %arg7[%get3A_205] {strides = array<i32>} : memref<13312xi32, #tpu.memory_space<vmem>>, vector<16xi32>,
      %add3A_207 = arith.addi %get3A_204, %get3A_206 : vector<16xi32>
      %mul3A_208 = arith.constant 256 : i32
      %mul3A_209 = arith.muli %scan3A_198, %mul3A_208 : i32
      %add3A_210 = arith.constant 0 : i32
      %add3A_211 = arith.addi %mul3A_209, %add3A_210 : i32
      %add3A_212 = vector.broadcast %add3A_211 : i32 to vector<16xi32>
      %add3A_213 = arith.addi %mul3A_5, %add3A_212 : vector<16xi32>
      %add3A_214 = arith.constant 0 : i32
      %add3A_215 = vector.broadcast %add3A_214 : i32 to vector<16xi32>
      %add3A_216 = arith.addi %add3A_207, %add3A_215 : vector<16xi32>
      tpu.vector_store_idx %arg9[%add3A_213], %add3A_216 : memref<16384xi32, #tpu.memory_space<vmem>>[vector<16xi32>], vector<16xi32>,
      %add3A_217 = arith.constant 1 : i32
      %add3A_218 = arith.addi %mul3A_209, %add3A_217 : i32
      %add3A_219 = vector.broadcast %add3A_218 : i32 to vector<16xi32>
      %add3A_220 = arith.addi %mul3A_5, %add3A_219 : vector<16xi32>
      %add3A_221 = arith.constant 100000 : i32
      %add3A_222 = vector.broadcast %add3A_221 : i32 to vector<16xi32>
      %add3A_223 = arith.addi %add3A_207, %add3A_222 : vector<16xi32>
      tpu.vector_store_idx %arg9[%add3A_220], %add3A_223 : memref<16384xi32, #tpu.memory_space<vmem>>[vector<16xi32>], vector<16xi32>,
      %add3A_224 = arith.constant 2 : i32
      %add3A_225 = arith.addi %mul3A_209, %add3A_224 : i32
      %add3A_226 = vector.broadcast %add3A_225 : i32 to vector<16xi32>
      %add3A_227 = arith.addi %mul3A_5, %add3A_226 : vector<16xi32>
      %add3A_228 = arith.constant 200000 : i32
      %add3A_229 = vector.broadcast %add3A_228 : i32 to vector<16xi32>
      %add3A_230 = arith.addi %add3A_207, %add3A_229 : vector<16xi32>
      tpu.vector_store_idx %arg9[%add3A_227], %add3A_230 : memref<16384xi32, #tpu.memory_space<vmem>>[vector<16xi32>], vector<16xi32>,
      %add3A_231 = arith.constant 3 : i32
      %add3A_232 = arith.addi %mul3A_209, %add3A_231 : i32
      %add3A_233 = vector.broadcast %add3A_232 : i32 to vector<16xi32>
      %add3A_234 = arith.addi %mul3A_5, %add3A_233 : vector<16xi32>
      %add3A_235 = arith.constant 300000 : i32
      %add3A_236 = vector.broadcast %add3A_235 : i32 to vector<16xi32>
      %add3A_237 = arith.addi %add3A_207, %add3A_236 : vector<16xi32>
      tpu.vector_store_idx %arg9[%add3A_234], %add3A_237 : memref<16384xi32, #tpu.memory_space<vmem>>[vector<16xi32>], vector<16xi32>,
      %add3A_238 = arith.constant 4 : i32
      %add3A_239 = arith.addi %mul3A_209, %add3A_238 : i32
      %add3A_240 = vector.broadcast %add3A_239 : i32 to vector<16xi32>
      %add3A_241 = arith.addi %mul3A_5, %add3A_240 : vector<16xi32>
      %add3A_242 = arith.constant 400000 : i32
      %add3A_243 = vector.broadcast %add3A_242 : i32 to vector<16xi32>
      %add3A_244 = arith.addi %add3A_207, %add3A_243 : vector<16xi32>
      tpu.vector_store_idx %arg9[%add3A_241], %add3A_244 : memref<16384xi32, #tpu.memory_space<vmem>>[vector<16xi32>], vector<16xi32>,
      %add3A_245 = arith.constant 5 : i32
      %add3A_246 = arith.addi %mul3A_209, %add3A_245 : i32
      %add3A_247 = vector.broadcast %add3A_246 : i32 to vector<16xi32>
      %add3A_248 = arith.addi %mul3A_5, %add3A_247 : vector<16xi32>
      %add3A_249 = arith.constant 500000 : i32
      %add3A_250 = vector.broadcast %add3A_249 : i32 to vector<16xi32>
      %add3A_251 = arith.addi %add3A_207, %add3A_250 : vector<16xi32>
      tpu.vector_store_idx %arg9[%add3A_248], %add3A_251 : memref<16384xi32, #tpu.memory_space<vmem>>[vector<16xi32>], vector<16xi32>,
      %add3A_252 = arith.constant 6 : i32
      %add3A_253 = arith.addi %mul3A_209, %add3A_252 : i32
      %add3A_254 = vector.broadcast %add3A_253 : i32 to vector<16xi32>
      %add3A_255 = arith.addi %mul3A_5, %add3A_254 : vector<16xi32>
      %add3A_256 = arith.constant 600000 : i32
      %add3A_257 = vector.broadcast %add3A_256 : i32 to vector<16xi32>
      %add3A_258 = arith.addi %add3A_207, %add3A_257 : vector<16xi32>
      tpu.vector_store_idx %arg9[%add3A_255], %add3A_258 : memref<16384xi32, #tpu.memory_space<vmem>>[vector<16xi32>], vector<16xi32>,
      %add3A_259 = arith.constant 7 : i32
      %add3A_260 = arith.addi %mul3A_209, %add3A_259 : i32
      %add3A_261 = vector.broadcast %add3A_260 : i32 to vector<16xi32>
      %add3A_262 = arith.addi %mul3A_5, %add3A_261 : vector<16xi32>
      %add3A_263 = arith.constant 700000 : i32
      %add3A_264 = vector.broadcast %add3A_263 : i32 to vector<16xi32>
      %add3A_265 = arith.addi %add3A_207, %add3A_264 : vector<16xi32>
      tpu.vector_store_idx %arg9[%add3A_262], %add3A_265 : memref<16384xi32, #tpu.memory_space<vmem>>[vector<16xi32>], vector<16xi32>,
      %add3A_266 = arith.constant 8 : i32
      %add3A_267 = arith.addi %mul3A_209, %add3A_266 : i32
      %add3A_268 = vector.broadcast %add3A_267 : i32 to vector<16xi32>
      %add3A_269 = arith.addi %mul3A_5, %add3A_268 : vector<16xi32>
      %add3A_270 = arith.constant 800000 : i32
      %add3A_271 = vector.broadcast %add3A_270 : i32 to vector<16xi32>
      %add3A_272 = arith.addi %add3A_207, %add3A_271 : vector<16xi32>
      tpu.vector_store_idx %arg9[%add3A_269], %add3A_272 : memref<16384xi32, #tpu.memory_space<vmem>>[vector<16xi32>], vector<16xi32>,
      %add3A_273 = arith.constant 9 : i32
      %add3A_274 = arith.addi %mul3A_209, %add3A_273 : i32
      %add3A_275 = vector.broadcast %add3A_274 : i32 to vector<16xi32>
      %add3A_276 = arith.addi %mul3A_5, %add3A_275 : vector<16xi32>
      %add3A_277 = arith.constant 900000 : i32
      %add3A_278 = vector.broadcast %add3A_277 : i32 to vector<16xi32>
      %add3A_279 = arith.addi %add3A_207, %add3A_278 : vector<16xi32>
      tpu.vector_store_idx %arg9[%add3A_276], %add3A_279 : memref<16384xi32, #tpu.memory_space<vmem>>[vector<16xi32>], vector<16xi32>,
      %add3A_280 = arith.constant 10 : i32
      %add3A_281 = arith.addi %mul3A_209, %add3A_280 : i32
      %add3A_282 = vector.broadcast %add3A_281 : i32 to vector<16xi32>
      %add3A_283 = arith.addi %mul3A_5, %add3A_282 : vector<16xi32>
      %add3A_284 = arith.constant 1000000 : i32
      %add3A_285 = vector.broadcast %add3A_284 : i32 to vector<16xi32>
      %add3A_286 = arith.addi %add3A_207, %add3A_285 : vector<16xi32>
      tpu.vector_store_idx %arg9[%add3A_283], %add3A_286 : memref<16384xi32, #tpu.memory_space<vmem>>[vector<16xi32>], vector<16xi32>,
      %add3A_287 = arith.constant 11 : i32
      %add3A_288 = arith.addi %mul3A_209, %add3A_287 : i32
      %add3A_289 = vector.broadcast %add3A_288 : i32 to vector<16xi32>
      %add3A_290 = arith.addi %mul3A_5, %add3A_289 : vector<16xi32>
      %add3A_291 = arith.constant 1100000 : i32
      %add3A_292 = vector.broadcast %add3A_291 : i32 to vector<16xi32>
      %add3A_293 = arith.addi %add3A_207, %add3A_292 : vector<16xi32>
      tpu.vector_store_idx %arg9[%add3A_290], %add3A_293 : memref<16384xi32, #tpu.memory_space<vmem>>[vector<16xi32>], vector<16xi32>,
      %add3A_294 = arith.constant 12 : i32
      %add3A_295 = arith.addi %mul3A_209, %add3A_294 : i32
      %add3A_296 = vector.broadcast %add3A_295 : i32 to vector<16xi32>
      %add3A_297 = arith.addi %mul3A_5, %add3A_296 : vector<16xi32>
      %add3A_298 = arith.constant 1200000 : i32
      %add3A_299 = vector.broadcast %add3A_298 : i32 to vector<16xi32>
      %add3A_300 = arith.addi %add3A_207, %add3A_299 : vector<16xi32>
      tpu.vector_store_idx %arg9[%add3A_297], %add3A_300 : memref<16384xi32, #tpu.memory_space<vmem>>[vector<16xi32>], vector<16xi32>,
      %add3A_301 = arith.constant 13 : i32
      %add3A_302 = arith.addi %mul3A_209, %add3A_301 : i32
      %add3A_303 = vector.broadcast %add3A_302 : i32 to vector<16xi32>
      %add3A_304 = arith.addi %mul3A_5, %add3A_303 : vector<16xi32>
      %add3A_305 = arith.constant 1300000 : i32
      %add3A_306 = vector.broadcast %add3A_305 : i32 to vector<16xi32>
      %add3A_307 = arith.addi %add3A_207, %add3A_306 : vector<16xi32>
      tpu.vector_store_idx %arg9[%add3A_304], %add3A_307 : memref<16384xi32, #tpu.memory_space<vmem>>[vector<16xi32>], vector<16xi32>,
      %add3A_308 = arith.constant 14 : i32
      %add3A_309 = arith.addi %mul3A_209, %add3A_308 : i32
      %add3A_310 = vector.broadcast %add3A_309 : i32 to vector<16xi32>
      %add3A_311 = arith.addi %mul3A_5, %add3A_310 : vector<16xi32>
      %add3A_312 = arith.constant 1400000 : i32
      %add3A_313 = vector.broadcast %add3A_312 : i32 to vector<16xi32>
      %add3A_314 = arith.addi %add3A_207, %add3A_313 : vector<16xi32>
      tpu.vector_store_idx %arg9[%add3A_311], %add3A_314 : memref<16384xi32, #tpu.memory_space<vmem>>[vector<16xi32>], vector<16xi32>,
      %add3A_315 = arith.constant 15 : i32
      %add3A_316 = arith.addi %mul3A_209, %add3A_315 : i32
      %add3A_317 = vector.broadcast %add3A_316 : i32 to vector<16xi32>
      %add3A_318 = arith.addi %mul3A_5, %add3A_317 : vector<16xi32>
      %add3A_319 = arith.constant 1500000 : i32
      %add3A_320 = vector.broadcast %add3A_319 : i32 to vector<16xi32>
      %add3A_321 = arith.addi %add3A_207, %add3A_320 : vector<16xi32>
      tpu.vector_store_idx %arg9[%add3A_318], %add3A_321 : memref<16384xi32, #tpu.memory_space<vmem>>[vector<16xi32>], vector<16xi32>,
      %scan3A_322 = arith.constant 0 : i32
      scf.yield %scan3A_322 : i32
    }
    %scan3A_78 = arith.constant 64 : i32
    %dma_wait3A_79 = arith.constant 0 : i32
    %dma_wait3A_80 = tpu.memref_slice %arg2[%dma_wait3A_79] : memref<166400000xf32, #tpu.memory_space<hbm>> -> memref<166400000xf32, #tpu.memory_space<hbm>>
    tpu.wait_indirect_dma semaphore(%arg12 : memref<!tpu.dma_semaphore, #tpu.memory_space<semaphore_mem>>) src(%dma_wait3A_80 : memref<166400000xf32, #tpu.memory_space<hbm>>) dst(%arg10 : memref<16384xf32, #tpu.memory_space<vmem>>)
    %dma_start3A_81 = arith.constant 0 : i32
    %dma_start3A_82 = tpu.memref_slice %arg2[%dma_start3A_81] : memref<166400000xf32, #tpu.memory_space<hbm>> -> memref<166400000xf32, #tpu.memory_space<hbm>>
    tpu.enqueue_indirect_dma source(%dma_start3A_82 : memref<166400000xf32, #tpu.memory_space<hbm>>) target(%arg11 : memref<16384xf32, #tpu.memory_space<vmem>>) offsets(%arg9 : memref<16384xi32, #tpu.memory_space<vmem>>) semaphore(%arg13 : memref<!tpu.dma_semaphore, #tpu.memory_space<semaphore_mem>>)
    %add3A_83 = arith.constant 4096 : i32
    %add3A_84 = arith.addi %mul3A_2, %add3A_83 : i32
    %mul3A_85 = arith.constant 16 : i32
    %mul3A_86 = arith.muli %add3A_84, %mul3A_85 : i32
    "tpu.region"() ({
      %run_scoped3A = tpu.sem_alloc : memref<!tpu.dma_semaphore, #tpu.memory_space<semaphore_mem>>
      %dma_start3A_198 = tpu.memref_slice %arg5[%mul3A_86] : memref<6815744xf32, #tpu.memory_space<hbm>> -> memref<16384xf32, #tpu.memory_space<hbm>>
      %dma_start3A_199 = tpu.memref_slice %arg5[%mul3A_86] : memref<6815744xf32, #tpu.memory_space<hbm>> -> memref<16384xf32, #tpu.memory_space<hbm>>
      tpu.enqueue_dma source(%arg10 : memref<16384xf32, #tpu.memory_space<vmem>>) target(%dma_start3A_199 : memref<16384xf32, #tpu.memory_space<hbm>>) target_semaphore(%run_scoped3A : memref<!tpu.dma_semaphore, #tpu.memory_space<semaphore_mem>>)
      %dma_wait3A_200 = tpu.memref_slice %arg5[%mul3A_86] : memref<6815744xf32, #tpu.memory_space<hbm>> -> memref<16384xf32, #tpu.memory_space<hbm>>
      %dma_wait3A_201 = tpu.memref_slice %arg5[%mul3A_86] : memref<6815744xf32, #tpu.memory_space<hbm>> -> memref<16384xf32, #tpu.memory_space<hbm>>
      tpu.wait_dma2 semaphore(%run_scoped3A : memref<!tpu.dma_semaphore, #tpu.memory_space<semaphore_mem>>) src(%arg10 : memref<16384xf32, #tpu.memory_space<vmem>>) dst(%dma_wait3A_201 : memref<16384xf32, #tpu.memory_space<hbm>>)
      tpu.yield
    }) : () -> ()
    %scan3A_87 = arith.constant 0 : i32
    %scan3A_88 = arith.constant 0 : i32
    %scan3A_89 = arith.constant 64 : i32
    %scan3A_90 = arith.addi %scan3A_88, %scan3A_89 : i32
    %scan3A_91 = arith.constant 1 : i32
    %scan3A_92 = scf.for %scan3A_198 = %scan3A_88 to %scan3A_90 step %scan3A_91 iter_args(%scan3A_199 = %scan3A_87) -> (i32)  : i32 {
      %mul3A_200 = arith.constant 16 : i32
      %mul3A_201 = arith.muli %scan3A_198, %mul3A_200 : i32
      %add3A_202 = arith.constant 6144 : i32
      %add3A_203 = arith.addi %add3A_202, %mul3A_201 : i32
      %get3A = arith.index_cast %add3A_203 : i32 to index
      %get3A_204 = tpu.vector_load %arg6[%get3A] {strides = array<i32>} : memref<13312xi32, #tpu.memory_space<vmem>>, vector<16xi32>,
      %get3A_205 = arith.index_cast %add3A_203 : i32 to index
      %get3A_206 = tpu.vector_load %arg7[%get3A_205] {strides = array<i32>} : memref<13312xi32, #tpu.memory_space<vmem>>, vector<16xi32>,
      %add3A_207 = arith.addi %get3A_204, %get3A_206 : vector<16xi32>
      %mul3A_208 = arith.constant 256 : i32
      %mul3A_209 = arith.muli %scan3A_198, %mul3A_208 : i32
      %add3A_210 = arith.constant 0 : i32
      %add3A_211 = arith.addi %mul3A_209, %add3A_210 : i32
      %add3A_212 = vector.broadcast %add3A_211 : i32 to vector<16xi32>
      %add3A_213 = arith.addi %mul3A_5, %add3A_212 : vector<16xi32>
      %add3A_214 = arith.constant 0 : i32
      %add3A_215 = vector.broadcast %add3A_214 : i32 to vector<16xi32>
      %add3A_216 = arith.addi %add3A_207, %add3A_215 : vector<16xi32>
      tpu.vector_store_idx %arg8[%add3A_213], %add3A_216 : memref<16384xi32, #tpu.memory_space<vmem>>[vector<16xi32>], vector<16xi32>,
      %add3A_217 = arith.constant 1 : i32
      %add3A_218 = arith.addi %mul3A_209, %add3A_217 : i32
      %add3A_219 = vector.broadcast %add3A_218 : i32 to vector<16xi32>
      %add3A_220 = arith.addi %mul3A_5, %add3A_219 : vector<16xi32>
      %add3A_221 = arith.constant 100000 : i32
      %add3A_222 = vector.broadcast %add3A_221 : i32 to vector<16xi32>
      %add3A_223 = arith.addi %add3A_207, %add3A_222 : vector<16xi32>
      tpu.vector_store_idx %arg8[%add3A_220], %add3A_223 : memref<16384xi32, #tpu.memory_space<vmem>>[vector<16xi32>], vector<16xi32>,
      %add3A_224 = arith.constant 2 : i32
      %add3A_225 = arith.addi %mul3A_209, %add3A_224 : i32
      %add3A_226 = vector.broadcast %add3A_225 : i32 to vector<16xi32>
      %add3A_227 = arith.addi %mul3A_5, %add3A_226 : vector<16xi32>
      %add3A_228 = arith.constant 200000 : i32
      %add3A_229 = vector.broadcast %add3A_228 : i32 to vector<16xi32>
      %add3A_230 = arith.addi %add3A_207, %add3A_229 : vector<16xi32>
      tpu.vector_store_idx %arg8[%add3A_227], %add3A_230 : memref<16384xi32, #tpu.memory_space<vmem>>[vector<16xi32>], vector<16xi32>,
      %add3A_231 = arith.constant 3 : i32
      %add3A_232 = arith.addi %mul3A_209, %add3A_231 : i32
      %add3A_233 = vector.broadcast %add3A_232 : i32 to vector<16xi32>
      %add3A_234 = arith.addi %mul3A_5, %add3A_233 : vector<16xi32>
      %add3A_235 = arith.constant 300000 : i32
      %add3A_236 = vector.broadcast %add3A_235 : i32 to vector<16xi32>
      %add3A_237 = arith.addi %add3A_207, %add3A_236 : vector<16xi32>
      tpu.vector_store_idx %arg8[%add3A_234], %add3A_237 : memref<16384xi32, #tpu.memory_space<vmem>>[vector<16xi32>], vector<16xi32>,
      %add3A_238 = arith.constant 4 : i32
      %add3A_239 = arith.addi %mul3A_209, %add3A_238 : i32
      %add3A_240 = vector.broadcast %add3A_239 : i32 to vector<16xi32>
      %add3A_241 = arith.addi %mul3A_5, %add3A_240 : vector<16xi32>
      %add3A_242 = arith.constant 400000 : i32
      %add3A_243 = vector.broadcast %add3A_242 : i32 to vector<16xi32>
      %add3A_244 = arith.addi %add3A_207, %add3A_243 : vector<16xi32>
      tpu.vector_store_idx %arg8[%add3A_241], %add3A_244 : memref<16384xi32, #tpu.memory_space<vmem>>[vector<16xi32>], vector<16xi32>,
      %add3A_245 = arith.constant 5 : i32
      %add3A_246 = arith.addi %mul3A_209, %add3A_245 : i32
      %add3A_247 = vector.broadcast %add3A_246 : i32 to vector<16xi32>
      %add3A_248 = arith.addi %mul3A_5, %add3A_247 : vector<16xi32>
      %add3A_249 = arith.constant 500000 : i32
      %add3A_250 = vector.broadcast %add3A_249 : i32 to vector<16xi32>
      %add3A_251 = arith.addi %add3A_207, %add3A_250 : vector<16xi32>
      tpu.vector_store_idx %arg8[%add3A_248], %add3A_251 : memref<16384xi32, #tpu.memory_space<vmem>>[vector<16xi32>], vector<16xi32>,
      %add3A_252 = arith.constant 6 : i32
      %add3A_253 = arith.addi %mul3A_209, %add3A_252 : i32
      %add3A_254 = vector.broadcast %add3A_253 : i32 to vector<16xi32>
      %add3A_255 = arith.addi %mul3A_5, %add3A_254 : vector<16xi32>
      %add3A_256 = arith.constant 600000 : i32
      %add3A_257 = vector.broadcast %add3A_256 : i32 to vector<16xi32>
      %add3A_258 = arith.addi %add3A_207, %add3A_257 : vector<16xi32>
      tpu.vector_store_idx %arg8[%add3A_255], %add3A_258 : memref<16384xi32, #tpu.memory_space<vmem>>[vector<16xi32>], vector<16xi32>,
      %add3A_259 = arith.constant 7 : i32
      %add3A_260 = arith.addi %mul3A_209, %add3A_259 : i32
      %add3A_261 = vector.broadcast %add3A_260 : i32 to vector<16xi32>
      %add3A_262 = arith.addi %mul3A_5, %add3A_261 : vector<16xi32>
      %add3A_263 = arith.constant 700000 : i32
      %add3A_264 = vector.broadcast %add3A_263 : i32 to vector<16xi32>
      %add3A_265 = arith.addi %add3A_207, %add3A_264 : vector<16xi32>
      tpu.vector_store_idx %arg8[%add3A_262], %add3A_265 : memref<16384xi32, #tpu.memory_space<vmem>>[vector<16xi32>], vector<16xi32>,
      %add3A_266 = arith.constant 8 : i32
      %add3A_267 = arith.addi %mul3A_209, %add3A_266 : i32
      %add3A_268 = vector.broadcast %add3A_267 : i32 to vector<16xi32>
      %add3A_269 = arith.addi %mul3A_5, %add3A_268 : vector<16xi32>
      %add3A_270 = arith.constant 800000 : i32
      %add3A_271 = vector.broadcast %add3A_270 : i32 to vector<16xi32>
      %add3A_272 = arith.addi %add3A_207, %add3A_271 : vector<16xi32>
      tpu.vector_store_idx %arg8[%add3A_269], %add3A_272 : memref<16384xi32, #tpu.memory_space<vmem>>[vector<16xi32>], vector<16xi32>,
      %add3A_273 = arith.constant 9 : i32
      %add3A_274 = arith.addi %mul3A_209, %add3A_273 : i32
      %add3A_275 = vector.broadcast %add3A_274 : i32 to vector<16xi32>
      %add3A_276 = arith.addi %mul3A_5, %add3A_275 : vector<16xi32>
      %add3A_277 = arith.constant 900000 : i32
      %add3A_278 = vector.broadcast %add3A_277 : i32 to vector<16xi32>
      %add3A_279 = arith.addi %add3A_207, %add3A_278 : vector<16xi32>
      tpu.vector_store_idx %arg8[%add3A_276], %add3A_279 : memref<16384xi32, #tpu.memory_space<vmem>>[vector<16xi32>], vector<16xi32>,
      %add3A_280 = arith.constant 10 : i32
      %add3A_281 = arith.addi %mul3A_209, %add3A_280 : i32
      %add3A_282 = vector.broadcast %add3A_281 : i32 to vector<16xi32>
      %add3A_283 = arith.addi %mul3A_5, %add3A_282 : vector<16xi32>
      %add3A_284 = arith.constant 1000000 : i32
      %add3A_285 = vector.broadcast %add3A_284 : i32 to vector<16xi32>
      %add3A_286 = arith.addi %add3A_207, %add3A_285 : vector<16xi32>
      tpu.vector_store_idx %arg8[%add3A_283], %add3A_286 : memref<16384xi32, #tpu.memory_space<vmem>>[vector<16xi32>], vector<16xi32>,
      %add3A_287 = arith.constant 11 : i32
      %add3A_288 = arith.addi %mul3A_209, %add3A_287 : i32
      %add3A_289 = vector.broadcast %add3A_288 : i32 to vector<16xi32>
      %add3A_290 = arith.addi %mul3A_5, %add3A_289 : vector<16xi32>
      %add3A_291 = arith.constant 1100000 : i32
      %add3A_292 = vector.broadcast %add3A_291 : i32 to vector<16xi32>
      %add3A_293 = arith.addi %add3A_207, %add3A_292 : vector<16xi32>
      tpu.vector_store_idx %arg8[%add3A_290], %add3A_293 : memref<16384xi32, #tpu.memory_space<vmem>>[vector<16xi32>], vector<16xi32>,
      %add3A_294 = arith.constant 12 : i32
      %add3A_295 = arith.addi %mul3A_209, %add3A_294 : i32
      %add3A_296 = vector.broadcast %add3A_295 : i32 to vector<16xi32>
      %add3A_297 = arith.addi %mul3A_5, %add3A_296 : vector<16xi32>
      %add3A_298 = arith.constant 1200000 : i32
      %add3A_299 = vector.broadcast %add3A_298 : i32 to vector<16xi32>
      %add3A_300 = arith.addi %add3A_207, %add3A_299 : vector<16xi32>
      tpu.vector_store_idx %arg8[%add3A_297], %add3A_300 : memref<16384xi32, #tpu.memory_space<vmem>>[vector<16xi32>], vector<16xi32>,
      %add3A_301 = arith.constant 13 : i32
      %add3A_302 = arith.addi %mul3A_209, %add3A_301 : i32
      %add3A_303 = vector.broadcast %add3A_302 : i32 to vector<16xi32>
      %add3A_304 = arith.addi %mul3A_5, %add3A_303 : vector<16xi32>
      %add3A_305 = arith.constant 1300000 : i32
      %add3A_306 = vector.broadcast %add3A_305 : i32 to vector<16xi32>
      %add3A_307 = arith.addi %add3A_207, %add3A_306 : vector<16xi32>
      tpu.vector_store_idx %arg8[%add3A_304], %add3A_307 : memref<16384xi32, #tpu.memory_space<vmem>>[vector<16xi32>], vector<16xi32>,
      %add3A_308 = arith.constant 14 : i32
      %add3A_309 = arith.addi %mul3A_209, %add3A_308 : i32
      %add3A_310 = vector.broadcast %add3A_309 : i32 to vector<16xi32>
      %add3A_311 = arith.addi %mul3A_5, %add3A_310 : vector<16xi32>
      %add3A_312 = arith.constant 1400000 : i32
      %add3A_313 = vector.broadcast %add3A_312 : i32 to vector<16xi32>
      %add3A_314 = arith.addi %add3A_207, %add3A_313 : vector<16xi32>
      tpu.vector_store_idx %arg8[%add3A_311], %add3A_314 : memref<16384xi32, #tpu.memory_space<vmem>>[vector<16xi32>], vector<16xi32>,
      %add3A_315 = arith.constant 15 : i32
      %add3A_316 = arith.addi %mul3A_209, %add3A_315 : i32
      %add3A_317 = vector.broadcast %add3A_316 : i32 to vector<16xi32>
      %add3A_318 = arith.addi %mul3A_5, %add3A_317 : vector<16xi32>
      %add3A_319 = arith.constant 1500000 : i32
      %add3A_320 = vector.broadcast %add3A_319 : i32 to vector<16xi32>
      %add3A_321 = arith.addi %add3A_207, %add3A_320 : vector<16xi32>
      tpu.vector_store_idx %arg8[%add3A_318], %add3A_321 : memref<16384xi32, #tpu.memory_space<vmem>>[vector<16xi32>], vector<16xi32>,
      %scan3A_322 = arith.constant 0 : i32
      scf.yield %scan3A_322 : i32
    }
    %scan3A_93 = arith.constant 64 : i32
    %dma_wait3A_94 = arith.constant 0 : i32
    %dma_wait3A_95 = tpu.memref_slice %arg2[%dma_wait3A_94] : memref<166400000xf32, #tpu.memory_space<hbm>> -> memref<166400000xf32, #tpu.memory_space<hbm>>
    tpu.wait_indirect_dma semaphore(%arg13 : memref<!tpu.dma_semaphore, #tpu.memory_space<semaphore_mem>>) src(%dma_wait3A_95 : memref<166400000xf32, #tpu.memory_space<hbm>>) dst(%arg11 : memref<16384xf32, #tpu.memory_space<vmem>>)
    %dma_start3A_96 = arith.constant 0 : i32
    %dma_start3A_97 = tpu.memref_slice %arg2[%dma_start3A_96] : memref<166400000xf32, #tpu.memory_space<hbm>> -> memref<166400000xf32, #tpu.memory_space<hbm>>
    tpu.enqueue_indirect_dma source(%dma_start3A_97 : memref<166400000xf32, #tpu.memory_space<hbm>>) target(%arg10 : memref<16384xf32, #tpu.memory_space<vmem>>) offsets(%arg8 : memref<16384xi32, #tpu.memory_space<vmem>>) semaphore(%arg12 : memref<!tpu.dma_semaphore, #tpu.memory_space<semaphore_mem>>)
    %add3A_98 = arith.constant 5120 : i32
    %add3A_99 = arith.addi %mul3A_2, %add3A_98 : i32
    %mul3A_100 = arith.constant 16 : i32
    %mul3A_101 = arith.muli %add3A_99, %mul3A_100 : i32
    "tpu.region"() ({
      %run_scoped3A = tpu.sem_alloc : memref<!tpu.dma_semaphore, #tpu.memory_space<semaphore_mem>>
      %dma_start3A_198 = tpu.memref_slice %arg5[%mul3A_101] : memref<6815744xf32, #tpu.memory_space<hbm>> -> memref<16384xf32, #tpu.memory_space<hbm>>
      %dma_start3A_199 = tpu.memref_slice %arg5[%mul3A_101] : memref<6815744xf32, #tpu.memory_space<hbm>> -> memref<16384xf32, #tpu.memory_space<hbm>>
      tpu.enqueue_dma source(%arg11 : memref<16384xf32, #tpu.memory_space<vmem>>) target(%dma_start3A_199 : memref<16384xf32, #tpu.memory_space<hbm>>) target_semaphore(%run_scoped3A : memref<!tpu.dma_semaphore, #tpu.memory_space<semaphore_mem>>)
      %dma_wait3A_200 = tpu.memref_slice %arg5[%mul3A_101] : memref<6815744xf32, #tpu.memory_space<hbm>> -> memref<16384xf32, #tpu.memory_space<hbm>>
      %dma_wait3A_201 = tpu.memref_slice %arg5[%mul3A_101] : memref<6815744xf32, #tpu.memory_space<hbm>> -> memref<16384xf32, #tpu.memory_space<hbm>>
      tpu.wait_dma2 semaphore(%run_scoped3A : memref<!tpu.dma_semaphore, #tpu.memory_space<semaphore_mem>>) src(%arg11 : memref<16384xf32, #tpu.memory_space<vmem>>) dst(%dma_wait3A_201 : memref<16384xf32, #tpu.memory_space<hbm>>)
      tpu.yield
    }) : () -> ()
    %scan3A_102 = arith.constant 0 : i32
    %scan3A_103 = arith.constant 0 : i32
    %scan3A_104 = arith.constant 64 : i32
    %scan3A_105 = arith.addi %scan3A_103, %scan3A_104 : i32
    %scan3A_106 = arith.constant 1 : i32
    %scan3A_107 = scf.for %scan3A_198 = %scan3A_103 to %scan3A_105 step %scan3A_106 iter_args(%scan3A_199 = %scan3A_102) -> (i32)  : i32 {
      %mul3A_200 = arith.constant 16 : i32
      %mul3A_201 = arith.muli %scan3A_198, %mul3A_200 : i32
      %add3A_202 = arith.constant 7168 : i32
      %add3A_203 = arith.addi %add3A_202, %mul3A_201 : i32
      %get3A = arith.index_cast %add3A_203 : i32 to index
      %get3A_204 = tpu.vector_load %arg6[%get3A] {strides = array<i32>} : memref<13312xi32, #tpu.memory_space<vmem>>, vector<16xi32>,
      %get3A_205 = arith.index_cast %add3A_203 : i32 to index
      %get3A_206 = tpu.vector_load %arg7[%get3A_205] {strides = array<i32>} : memref<13312xi32, #tpu.memory_space<vmem>>, vector<16xi32>,
      %add3A_207 = arith.addi %get3A_204, %get3A_206 : vector<16xi32>
      %mul3A_208 = arith.constant 256 : i32
      %mul3A_209 = arith.muli %scan3A_198, %mul3A_208 : i32
      %add3A_210 = arith.constant 0 : i32
      %add3A_211 = arith.addi %mul3A_209, %add3A_210 : i32
      %add3A_212 = vector.broadcast %add3A_211 : i32 to vector<16xi32>
      %add3A_213 = arith.addi %mul3A_5, %add3A_212 : vector<16xi32>
      %add3A_214 = arith.constant 0 : i32
      %add3A_215 = vector.broadcast %add3A_214 : i32 to vector<16xi32>
      %add3A_216 = arith.addi %add3A_207, %add3A_215 : vector<16xi32>
      tpu.vector_store_idx %arg9[%add3A_213], %add3A_216 : memref<16384xi32, #tpu.memory_space<vmem>>[vector<16xi32>], vector<16xi32>,
      %add3A_217 = arith.constant 1 : i32
      %add3A_218 = arith.addi %mul3A_209, %add3A_217 : i32
      %add3A_219 = vector.broadcast %add3A_218 : i32 to vector<16xi32>
      %add3A_220 = arith.addi %mul3A_5, %add3A_219 : vector<16xi32>
      %add3A_221 = arith.constant 100000 : i32
      %add3A_222 = vector.broadcast %add3A_221 : i32 to vector<16xi32>
      %add3A_223 = arith.addi %add3A_207, %add3A_222 : vector<16xi32>
      tpu.vector_store_idx %arg9[%add3A_220], %add3A_223 : memref<16384xi32, #tpu.memory_space<vmem>>[vector<16xi32>], vector<16xi32>,
      %add3A_224 = arith.constant 2 : i32
      %add3A_225 = arith.addi %mul3A_209, %add3A_224 : i32
      %add3A_226 = vector.broadcast %add3A_225 : i32 to vector<16xi32>
      %add3A_227 = arith.addi %mul3A_5, %add3A_226 : vector<16xi32>
      %add3A_228 = arith.constant 200000 : i32
      %add3A_229 = vector.broadcast %add3A_228 : i32 to vector<16xi32>
      %add3A_230 = arith.addi %add3A_207, %add3A_229 : vector<16xi32>
      tpu.vector_store_idx %arg9[%add3A_227], %add3A_230 : memref<16384xi32, #tpu.memory_space<vmem>>[vector<16xi32>], vector<16xi32>,
      %add3A_231 = arith.constant 3 : i32
      %add3A_232 = arith.addi %mul3A_209, %add3A_231 : i32
      %add3A_233 = vector.broadcast %add3A_232 : i32 to vector<16xi32>
      %add3A_234 = arith.addi %mul3A_5, %add3A_233 : vector<16xi32>
      %add3A_235 = arith.constant 300000 : i32
      %add3A_236 = vector.broadcast %add3A_235 : i32 to vector<16xi32>
      %add3A_237 = arith.addi %add3A_207, %add3A_236 : vector<16xi32>
      tpu.vector_store_idx %arg9[%add3A_234], %add3A_237 : memref<16384xi32, #tpu.memory_space<vmem>>[vector<16xi32>], vector<16xi32>,
      %add3A_238 = arith.constant 4 : i32
      %add3A_239 = arith.addi %mul3A_209, %add3A_238 : i32
      %add3A_240 = vector.broadcast %add3A_239 : i32 to vector<16xi32>
      %add3A_241 = arith.addi %mul3A_5, %add3A_240 : vector<16xi32>
      %add3A_242 = arith.constant 400000 : i32
      %add3A_243 = vector.broadcast %add3A_242 : i32 to vector<16xi32>
      %add3A_244 = arith.addi %add3A_207, %add3A_243 : vector<16xi32>
      tpu.vector_store_idx %arg9[%add3A_241], %add3A_244 : memref<16384xi32, #tpu.memory_space<vmem>>[vector<16xi32>], vector<16xi32>,
      %add3A_245 = arith.constant 5 : i32
      %add3A_246 = arith.addi %mul3A_209, %add3A_245 : i32
      %add3A_247 = vector.broadcast %add3A_246 : i32 to vector<16xi32>
      %add3A_248 = arith.addi %mul3A_5, %add3A_247 : vector<16xi32>
      %add3A_249 = arith.constant 500000 : i32
      %add3A_250 = vector.broadcast %add3A_249 : i32 to vector<16xi32>
      %add3A_251 = arith.addi %add3A_207, %add3A_250 : vector<16xi32>
      tpu.vector_store_idx %arg9[%add3A_248], %add3A_251 : memref<16384xi32, #tpu.memory_space<vmem>>[vector<16xi32>], vector<16xi32>,
      %add3A_252 = arith.constant 6 : i32
      %add3A_253 = arith.addi %mul3A_209, %add3A_252 : i32
      %add3A_254 = vector.broadcast %add3A_253 : i32 to vector<16xi32>
      %add3A_255 = arith.addi %mul3A_5, %add3A_254 : vector<16xi32>
      %add3A_256 = arith.constant 600000 : i32
      %add3A_257 = vector.broadcast %add3A_256 : i32 to vector<16xi32>
      %add3A_258 = arith.addi %add3A_207, %add3A_257 : vector<16xi32>
      tpu.vector_store_idx %arg9[%add3A_255], %add3A_258 : memref<16384xi32, #tpu.memory_space<vmem>>[vector<16xi32>], vector<16xi32>,
      %add3A_259 = arith.constant 7 : i32
      %add3A_260 = arith.addi %mul3A_209, %add3A_259 : i32
      %add3A_261 = vector.broadcast %add3A_260 : i32 to vector<16xi32>
      %add3A_262 = arith.addi %mul3A_5, %add3A_261 : vector<16xi32>
      %add3A_263 = arith.constant 700000 : i32
      %add3A_264 = vector.broadcast %add3A_263 : i32 to vector<16xi32>
      %add3A_265 = arith.addi %add3A_207, %add3A_264 : vector<16xi32>
      tpu.vector_store_idx %arg9[%add3A_262], %add3A_265 : memref<16384xi32, #tpu.memory_space<vmem>>[vector<16xi32>], vector<16xi32>,
      %add3A_266 = arith.constant 8 : i32
      %add3A_267 = arith.addi %mul3A_209, %add3A_266 : i32
      %add3A_268 = vector.broadcast %add3A_267 : i32 to vector<16xi32>
      %add3A_269 = arith.addi %mul3A_5, %add3A_268 : vector<16xi32>
      %add3A_270 = arith.constant 800000 : i32
      %add3A_271 = vector.broadcast %add3A_270 : i32 to vector<16xi32>
      %add3A_272 = arith.addi %add3A_207, %add3A_271 : vector<16xi32>
      tpu.vector_store_idx %arg9[%add3A_269], %add3A_272 : memref<16384xi32, #tpu.memory_space<vmem>>[vector<16xi32>], vector<16xi32>,
      %add3A_273 = arith.constant 9 : i32
      %add3A_274 = arith.addi %mul3A_209, %add3A_273 : i32
      %add3A_275 = vector.broadcast %add3A_274 : i32 to vector<16xi32>
      %add3A_276 = arith.addi %mul3A_5, %add3A_275 : vector<16xi32>
      %add3A_277 = arith.constant 900000 : i32
      %add3A_278 = vector.broadcast %add3A_277 : i32 to vector<16xi32>
      %add3A_279 = arith.addi %add3A_207, %add3A_278 : vector<16xi32>
      tpu.vector_store_idx %arg9[%add3A_276], %add3A_279 : memref<16384xi32, #tpu.memory_space<vmem>>[vector<16xi32>], vector<16xi32>,
      %add3A_280 = arith.constant 10 : i32
      %add3A_281 = arith.addi %mul3A_209, %add3A_280 : i32
      %add3A_282 = vector.broadcast %add3A_281 : i32 to vector<16xi32>
      %add3A_283 = arith.addi %mul3A_5, %add3A_282 : vector<16xi32>
      %add3A_284 = arith.constant 1000000 : i32
      %add3A_285 = vector.broadcast %add3A_284 : i32 to vector<16xi32>
      %add3A_286 = arith.addi %add3A_207, %add3A_285 : vector<16xi32>
      tpu.vector_store_idx %arg9[%add3A_283], %add3A_286 : memref<16384xi32, #tpu.memory_space<vmem>>[vector<16xi32>], vector<16xi32>,
      %add3A_287 = arith.constant 11 : i32
      %add3A_288 = arith.addi %mul3A_209, %add3A_287 : i32
      %add3A_289 = vector.broadcast %add3A_288 : i32 to vector<16xi32>
      %add3A_290 = arith.addi %mul3A_5, %add3A_289 : vector<16xi32>
      %add3A_291 = arith.constant 1100000 : i32
      %add3A_292 = vector.broadcast %add3A_291 : i32 to vector<16xi32>
      %add3A_293 = arith.addi %add3A_207, %add3A_292 : vector<16xi32>
      tpu.vector_store_idx %arg9[%add3A_290], %add3A_293 : memref<16384xi32, #tpu.memory_space<vmem>>[vector<16xi32>], vector<16xi32>,
      %add3A_294 = arith.constant 12 : i32
      %add3A_295 = arith.addi %mul3A_209, %add3A_294 : i32
      %add3A_296 = vector.broadcast %add3A_295 : i32 to vector<16xi32>
      %add3A_297 = arith.addi %mul3A_5, %add3A_296 : vector<16xi32>
      %add3A_298 = arith.constant 1200000 : i32
      %add3A_299 = vector.broadcast %add3A_298 : i32 to vector<16xi32>
      %add3A_300 = arith.addi %add3A_207, %add3A_299 : vector<16xi32>
      tpu.vector_store_idx %arg9[%add3A_297], %add3A_300 : memref<16384xi32, #tpu.memory_space<vmem>>[vector<16xi32>], vector<16xi32>,
      %add3A_301 = arith.constant 13 : i32
      %add3A_302 = arith.addi %mul3A_209, %add3A_301 : i32
      %add3A_303 = vector.broadcast %add3A_302 : i32 to vector<16xi32>
      %add3A_304 = arith.addi %mul3A_5, %add3A_303 : vector<16xi32>
      %add3A_305 = arith.constant 1300000 : i32
      %add3A_306 = vector.broadcast %add3A_305 : i32 to vector<16xi32>
      %add3A_307 = arith.addi %add3A_207, %add3A_306 : vector<16xi32>
      tpu.vector_store_idx %arg9[%add3A_304], %add3A_307 : memref<16384xi32, #tpu.memory_space<vmem>>[vector<16xi32>], vector<16xi32>,
      %add3A_308 = arith.constant 14 : i32
      %add3A_309 = arith.addi %mul3A_209, %add3A_308 : i32
      %add3A_310 = vector.broadcast %add3A_309 : i32 to vector<16xi32>
      %add3A_311 = arith.addi %mul3A_5, %add3A_310 : vector<16xi32>
      %add3A_312 = arith.constant 1400000 : i32
      %add3A_313 = vector.broadcast %add3A_312 : i32 to vector<16xi32>
      %add3A_314 = arith.addi %add3A_207, %add3A_313 : vector<16xi32>
      tpu.vector_store_idx %arg9[%add3A_311], %add3A_314 : memref<16384xi32, #tpu.memory_space<vmem>>[vector<16xi32>], vector<16xi32>,
      %add3A_315 = arith.constant 15 : i32
      %add3A_316 = arith.addi %mul3A_209, %add3A_315 : i32
      %add3A_317 = vector.broadcast %add3A_316 : i32 to vector<16xi32>
      %add3A_318 = arith.addi %mul3A_5, %add3A_317 : vector<16xi32>
      %add3A_319 = arith.constant 1500000 : i32
      %add3A_320 = vector.broadcast %add3A_319 : i32 to vector<16xi32>
      %add3A_321 = arith.addi %add3A_207, %add3A_320 : vector<16xi32>
      tpu.vector_store_idx %arg9[%add3A_318], %add3A_321 : memref<16384xi32, #tpu.memory_space<vmem>>[vector<16xi32>], vector<16xi32>,
      %scan3A_322 = arith.constant 0 : i32
      scf.yield %scan3A_322 : i32
    }
    %scan3A_108 = arith.constant 64 : i32
    %dma_wait3A_109 = arith.constant 0 : i32
    %dma_wait3A_110 = tpu.memref_slice %arg2[%dma_wait3A_109] : memref<166400000xf32, #tpu.memory_space<hbm>> -> memref<166400000xf32, #tpu.memory_space<hbm>>
    tpu.wait_indirect_dma semaphore(%arg12 : memref<!tpu.dma_semaphore, #tpu.memory_space<semaphore_mem>>) src(%dma_wait3A_110 : memref<166400000xf32, #tpu.memory_space<hbm>>) dst(%arg10 : memref<16384xf32, #tpu.memory_space<vmem>>)
    %dma_start3A_111 = arith.constant 0 : i32
    %dma_start3A_112 = tpu.memref_slice %arg2[%dma_start3A_111] : memref<166400000xf32, #tpu.memory_space<hbm>> -> memref<166400000xf32, #tpu.memory_space<hbm>>
    tpu.enqueue_indirect_dma source(%dma_start3A_112 : memref<166400000xf32, #tpu.memory_space<hbm>>) target(%arg11 : memref<16384xf32, #tpu.memory_space<vmem>>) offsets(%arg9 : memref<16384xi32, #tpu.memory_space<vmem>>) semaphore(%arg13 : memref<!tpu.dma_semaphore, #tpu.memory_space<semaphore_mem>>)
    %add3A_113 = arith.constant 6144 : i32
    %add3A_114 = arith.addi %mul3A_2, %add3A_113 : i32
    %mul3A_115 = arith.constant 16 : i32
    %mul3A_116 = arith.muli %add3A_114, %mul3A_115 : i32
    "tpu.region"() ({
      %run_scoped3A = tpu.sem_alloc : memref<!tpu.dma_semaphore, #tpu.memory_space<semaphore_mem>>
      %dma_start3A_198 = tpu.memref_slice %arg5[%mul3A_116] : memref<6815744xf32, #tpu.memory_space<hbm>> -> memref<16384xf32, #tpu.memory_space<hbm>>
      %dma_start3A_199 = tpu.memref_slice %arg5[%mul3A_116] : memref<6815744xf32, #tpu.memory_space<hbm>> -> memref<16384xf32, #tpu.memory_space<hbm>>
      tpu.enqueue_dma source(%arg10 : memref<16384xf32, #tpu.memory_space<vmem>>) target(%dma_start3A_199 : memref<16384xf32, #tpu.memory_space<hbm>>) target_semaphore(%run_scoped3A : memref<!tpu.dma_semaphore, #tpu.memory_space<semaphore_mem>>)
      %dma_wait3A_200 = tpu.memref_slice %arg5[%mul3A_116] : memref<6815744xf32, #tpu.memory_space<hbm>> -> memref<16384xf32, #tpu.memory_space<hbm>>
      %dma_wait3A_201 = tpu.memref_slice %arg5[%mul3A_116] : memref<6815744xf32, #tpu.memory_space<hbm>> -> memref<16384xf32, #tpu.memory_space<hbm>>
      tpu.wait_dma2 semaphore(%run_scoped3A : memref<!tpu.dma_semaphore, #tpu.memory_space<semaphore_mem>>) src(%arg10 : memref<16384xf32, #tpu.memory_space<vmem>>) dst(%dma_wait3A_201 : memref<16384xf32, #tpu.memory_space<hbm>>)
      tpu.yield
    }) : () -> ()
    %scan3A_117 = arith.constant 0 : i32
    %scan3A_118 = arith.constant 0 : i32
    %scan3A_119 = arith.constant 64 : i32
    %scan3A_120 = arith.addi %scan3A_118, %scan3A_119 : i32
    %scan3A_121 = arith.constant 1 : i32
    %scan3A_122 = scf.for %scan3A_198 = %scan3A_118 to %scan3A_120 step %scan3A_121 iter_args(%scan3A_199 = %scan3A_117) -> (i32)  : i32 {
      %mul3A_200 = arith.constant 16 : i32
      %mul3A_201 = arith.muli %scan3A_198, %mul3A_200 : i32
      %add3A_202 = arith.constant 8192 : i32
      %add3A_203 = arith.addi %add3A_202, %mul3A_201 : i32
      %get3A = arith.index_cast %add3A_203 : i32 to index
      %get3A_204 = tpu.vector_load %arg6[%get3A] {strides = array<i32>} : memref<13312xi32, #tpu.memory_space<vmem>>, vector<16xi32>,
      %get3A_205 = arith.index_cast %add3A_203 : i32 to index
      %get3A_206 = tpu.vector_load %arg7[%get3A_205] {strides = array<i32>} : memref<13312xi32, #tpu.memory_space<vmem>>, vector<16xi32>,
      %add3A_207 = arith.addi %get3A_204, %get3A_206 : vector<16xi32>
      %mul3A_208 = arith.constant 256 : i32
      %mul3A_209 = arith.muli %scan3A_198, %mul3A_208 : i32
      %add3A_210 = arith.constant 0 : i32
      %add3A_211 = arith.addi %mul3A_209, %add3A_210 : i32
      %add3A_212 = vector.broadcast %add3A_211 : i32 to vector<16xi32>
      %add3A_213 = arith.addi %mul3A_5, %add3A_212 : vector<16xi32>
      %add3A_214 = arith.constant 0 : i32
      %add3A_215 = vector.broadcast %add3A_214 : i32 to vector<16xi32>
      %add3A_216 = arith.addi %add3A_207, %add3A_215 : vector<16xi32>
      tpu.vector_store_idx %arg8[%add3A_213], %add3A_216 : memref<16384xi32, #tpu.memory_space<vmem>>[vector<16xi32>], vector<16xi32>,
      %add3A_217 = arith.constant 1 : i32
      %add3A_218 = arith.addi %mul3A_209, %add3A_217 : i32
      %add3A_219 = vector.broadcast %add3A_218 : i32 to vector<16xi32>
      %add3A_220 = arith.addi %mul3A_5, %add3A_219 : vector<16xi32>
      %add3A_221 = arith.constant 100000 : i32
      %add3A_222 = vector.broadcast %add3A_221 : i32 to vector<16xi32>
      %add3A_223 = arith.addi %add3A_207, %add3A_222 : vector<16xi32>
      tpu.vector_store_idx %arg8[%add3A_220], %add3A_223 : memref<16384xi32, #tpu.memory_space<vmem>>[vector<16xi32>], vector<16xi32>,
      %add3A_224 = arith.constant 2 : i32
      %add3A_225 = arith.addi %mul3A_209, %add3A_224 : i32
      %add3A_226 = vector.broadcast %add3A_225 : i32 to vector<16xi32>
      %add3A_227 = arith.addi %mul3A_5, %add3A_226 : vector<16xi32>
      %add3A_228 = arith.constant 200000 : i32
      %add3A_229 = vector.broadcast %add3A_228 : i32 to vector<16xi32>
      %add3A_230 = arith.addi %add3A_207, %add3A_229 : vector<16xi32>
      tpu.vector_store_idx %arg8[%add3A_227], %add3A_230 : memref<16384xi32, #tpu.memory_space<vmem>>[vector<16xi32>], vector<16xi32>,
      %add3A_231 = arith.constant 3 : i32
      %add3A_232 = arith.addi %mul3A_209, %add3A_231 : i32
      %add3A_233 = vector.broadcast %add3A_232 : i32 to vector<16xi32>
      %add3A_234 = arith.addi %mul3A_5, %add3A_233 : vector<16xi32>
      %add3A_235 = arith.constant 300000 : i32
      %add3A_236 = vector.broadcast %add3A_235 : i32 to vector<16xi32>
      %add3A_237 = arith.addi %add3A_207, %add3A_236 : vector<16xi32>
      tpu.vector_store_idx %arg8[%add3A_234], %add3A_237 : memref<16384xi32, #tpu.memory_space<vmem>>[vector<16xi32>], vector<16xi32>,
      %add3A_238 = arith.constant 4 : i32
      %add3A_239 = arith.addi %mul3A_209, %add3A_238 : i32
      %add3A_240 = vector.broadcast %add3A_239 : i32 to vector<16xi32>
      %add3A_241 = arith.addi %mul3A_5, %add3A_240 : vector<16xi32>
      %add3A_242 = arith.constant 400000 : i32
      %add3A_243 = vector.broadcast %add3A_242 : i32 to vector<16xi32>
      %add3A_244 = arith.addi %add3A_207, %add3A_243 : vector<16xi32>
      tpu.vector_store_idx %arg8[%add3A_241], %add3A_244 : memref<16384xi32, #tpu.memory_space<vmem>>[vector<16xi32>], vector<16xi32>,
      %add3A_245 = arith.constant 5 : i32
      %add3A_246 = arith.addi %mul3A_209, %add3A_245 : i32
      %add3A_247 = vector.broadcast %add3A_246 : i32 to vector<16xi32>
      %add3A_248 = arith.addi %mul3A_5, %add3A_247 : vector<16xi32>
      %add3A_249 = arith.constant 500000 : i32
      %add3A_250 = vector.broadcast %add3A_249 : i32 to vector<16xi32>
      %add3A_251 = arith.addi %add3A_207, %add3A_250 : vector<16xi32>
      tpu.vector_store_idx %arg8[%add3A_248], %add3A_251 : memref<16384xi32, #tpu.memory_space<vmem>>[vector<16xi32>], vector<16xi32>,
      %add3A_252 = arith.constant 6 : i32
      %add3A_253 = arith.addi %mul3A_209, %add3A_252 : i32
      %add3A_254 = vector.broadcast %add3A_253 : i32 to vector<16xi32>
      %add3A_255 = arith.addi %mul3A_5, %add3A_254 : vector<16xi32>
      %add3A_256 = arith.constant 600000 : i32
      %add3A_257 = vector.broadcast %add3A_256 : i32 to vector<16xi32>
      %add3A_258 = arith.addi %add3A_207, %add3A_257 : vector<16xi32>
      tpu.vector_store_idx %arg8[%add3A_255], %add3A_258 : memref<16384xi32, #tpu.memory_space<vmem>>[vector<16xi32>], vector<16xi32>,
      %add3A_259 = arith.constant 7 : i32
      %add3A_260 = arith.addi %mul3A_209, %add3A_259 : i32
      %add3A_261 = vector.broadcast %add3A_260 : i32 to vector<16xi32>
      %add3A_262 = arith.addi %mul3A_5, %add3A_261 : vector<16xi32>
      %add3A_263 = arith.constant 700000 : i32
      %add3A_264 = vector.broadcast %add3A_263 : i32 to vector<16xi32>
      %add3A_265 = arith.addi %add3A_207, %add3A_264 : vector<16xi32>
      tpu.vector_store_idx %arg8[%add3A_262], %add3A_265 : memref<16384xi32, #tpu.memory_space<vmem>>[vector<16xi32>], vector<16xi32>,
      %add3A_266 = arith.constant 8 : i32
      %add3A_267 = arith.addi %mul3A_209, %add3A_266 : i32
      %add3A_268 = vector.broadcast %add3A_267 : i32 to vector<16xi32>
      %add3A_269 = arith.addi %mul3A_5, %add3A_268 : vector<16xi32>
      %add3A_270 = arith.constant 800000 : i32
      %add3A_271 = vector.broadcast %add3A_270 : i32 to vector<16xi32>
      %add3A_272 = arith.addi %add3A_207, %add3A_271 : vector<16xi32>
      tpu.vector_store_idx %arg8[%add3A_269], %add3A_272 : memref<16384xi32, #tpu.memory_space<vmem>>[vector<16xi32>], vector<16xi32>,
      %add3A_273 = arith.constant 9 : i32
      %add3A_274 = arith.addi %mul3A_209, %add3A_273 : i32
      %add3A_275 = vector.broadcast %add3A_274 : i32 to vector<16xi32>
      %add3A_276 = arith.addi %mul3A_5, %add3A_275 : vector<16xi32>
      %add3A_277 = arith.constant 900000 : i32
      %add3A_278 = vector.broadcast %add3A_277 : i32 to vector<16xi32>
      %add3A_279 = arith.addi %add3A_207, %add3A_278 : vector<16xi32>
      tpu.vector_store_idx %arg8[%add3A_276], %add3A_279 : memref<16384xi32, #tpu.memory_space<vmem>>[vector<16xi32>], vector<16xi32>,
      %add3A_280 = arith.constant 10 : i32
      %add3A_281 = arith.addi %mul3A_209, %add3A_280 : i32
      %add3A_282 = vector.broadcast %add3A_281 : i32 to vector<16xi32>
      %add3A_283 = arith.addi %mul3A_5, %add3A_282 : vector<16xi32>
      %add3A_284 = arith.constant 1000000 : i32
      %add3A_285 = vector.broadcast %add3A_284 : i32 to vector<16xi32>
      %add3A_286 = arith.addi %add3A_207, %add3A_285 : vector<16xi32>
      tpu.vector_store_idx %arg8[%add3A_283], %add3A_286 : memref<16384xi32, #tpu.memory_space<vmem>>[vector<16xi32>], vector<16xi32>,
      %add3A_287 = arith.constant 11 : i32
      %add3A_288 = arith.addi %mul3A_209, %add3A_287 : i32
      %add3A_289 = vector.broadcast %add3A_288 : i32 to vector<16xi32>
      %add3A_290 = arith.addi %mul3A_5, %add3A_289 : vector<16xi32>
      %add3A_291 = arith.constant 1100000 : i32
      %add3A_292 = vector.broadcast %add3A_291 : i32 to vector<16xi32>
      %add3A_293 = arith.addi %add3A_207, %add3A_292 : vector<16xi32>
      tpu.vector_store_idx %arg8[%add3A_290], %add3A_293 : memref<16384xi32, #tpu.memory_space<vmem>>[vector<16xi32>], vector<16xi32>,
      %add3A_294 = arith.constant 12 : i32
      %add3A_295 = arith.addi %mul3A_209, %add3A_294 : i32
      %add3A_296 = vector.broadcast %add3A_295 : i32 to vector<16xi32>
      %add3A_297 = arith.addi %mul3A_5, %add3A_296 : vector<16xi32>
      %add3A_298 = arith.constant 1200000 : i32
      %add3A_299 = vector.broadcast %add3A_298 : i32 to vector<16xi32>
      %add3A_300 = arith.addi %add3A_207, %add3A_299 : vector<16xi32>
      tpu.vector_store_idx %arg8[%add3A_297], %add3A_300 : memref<16384xi32, #tpu.memory_space<vmem>>[vector<16xi32>], vector<16xi32>,
      %add3A_301 = arith.constant 13 : i32
      %add3A_302 = arith.addi %mul3A_209, %add3A_301 : i32
      %add3A_303 = vector.broadcast %add3A_302 : i32 to vector<16xi32>
      %add3A_304 = arith.addi %mul3A_5, %add3A_303 : vector<16xi32>
      %add3A_305 = arith.constant 1300000 : i32
      %add3A_306 = vector.broadcast %add3A_305 : i32 to vector<16xi32>
      %add3A_307 = arith.addi %add3A_207, %add3A_306 : vector<16xi32>
      tpu.vector_store_idx %arg8[%add3A_304], %add3A_307 : memref<16384xi32, #tpu.memory_space<vmem>>[vector<16xi32>], vector<16xi32>,
      %add3A_308 = arith.constant 14 : i32
      %add3A_309 = arith.addi %mul3A_209, %add3A_308 : i32
      %add3A_310 = vector.broadcast %add3A_309 : i32 to vector<16xi32>
      %add3A_311 = arith.addi %mul3A_5, %add3A_310 : vector<16xi32>
      %add3A_312 = arith.constant 1400000 : i32
      %add3A_313 = vector.broadcast %add3A_312 : i32 to vector<16xi32>
      %add3A_314 = arith.addi %add3A_207, %add3A_313 : vector<16xi32>
      tpu.vector_store_idx %arg8[%add3A_311], %add3A_314 : memref<16384xi32, #tpu.memory_space<vmem>>[vector<16xi32>], vector<16xi32>,
      %add3A_315 = arith.constant 15 : i32
      %add3A_316 = arith.addi %mul3A_209, %add3A_315 : i32
      %add3A_317 = vector.broadcast %add3A_316 : i32 to vector<16xi32>
      %add3A_318 = arith.addi %mul3A_5, %add3A_317 : vector<16xi32>
      %add3A_319 = arith.constant 1500000 : i32
      %add3A_320 = vector.broadcast %add3A_319 : i32 to vector<16xi32>
      %add3A_321 = arith.addi %add3A_207, %add3A_320 : vector<16xi32>
      tpu.vector_store_idx %arg8[%add3A_318], %add3A_321 : memref<16384xi32, #tpu.memory_space<vmem>>[vector<16xi32>], vector<16xi32>,
      %scan3A_322 = arith.constant 0 : i32
      scf.yield %scan3A_322 : i32
    }
    %scan3A_123 = arith.constant 64 : i32
    %dma_wait3A_124 = arith.constant 0 : i32
    %dma_wait3A_125 = tpu.memref_slice %arg2[%dma_wait3A_124] : memref<166400000xf32, #tpu.memory_space<hbm>> -> memref<166400000xf32, #tpu.memory_space<hbm>>
    tpu.wait_indirect_dma semaphore(%arg13 : memref<!tpu.dma_semaphore, #tpu.memory_space<semaphore_mem>>) src(%dma_wait3A_125 : memref<166400000xf32, #tpu.memory_space<hbm>>) dst(%arg11 : memref<16384xf32, #tpu.memory_space<vmem>>)
    %dma_start3A_126 = arith.constant 0 : i32
    %dma_start3A_127 = tpu.memref_slice %arg2[%dma_start3A_126] : memref<166400000xf32, #tpu.memory_space<hbm>> -> memref<166400000xf32, #tpu.memory_space<hbm>>
    tpu.enqueue_indirect_dma source(%dma_start3A_127 : memref<166400000xf32, #tpu.memory_space<hbm>>) target(%arg10 : memref<16384xf32, #tpu.memory_space<vmem>>) offsets(%arg8 : memref<16384xi32, #tpu.memory_space<vmem>>) semaphore(%arg12 : memref<!tpu.dma_semaphore, #tpu.memory_space<semaphore_mem>>)
    %add3A_128 = arith.constant 7168 : i32
    %add3A_129 = arith.addi %mul3A_2, %add3A_128 : i32
    %mul3A_130 = arith.constant 16 : i32
    %mul3A_131 = arith.muli %add3A_129, %mul3A_130 : i32
    "tpu.region"() ({
      %run_scoped3A = tpu.sem_alloc : memref<!tpu.dma_semaphore, #tpu.memory_space<semaphore_mem>>
      %dma_start3A_198 = tpu.memref_slice %arg5[%mul3A_131] : memref<6815744xf32, #tpu.memory_space<hbm>> -> memref<16384xf32, #tpu.memory_space<hbm>>
      %dma_start3A_199 = tpu.memref_slice %arg5[%mul3A_131] : memref<6815744xf32, #tpu.memory_space<hbm>> -> memref<16384xf32, #tpu.memory_space<hbm>>
      tpu.enqueue_dma source(%arg11 : memref<16384xf32, #tpu.memory_space<vmem>>) target(%dma_start3A_199 : memref<16384xf32, #tpu.memory_space<hbm>>) target_semaphore(%run_scoped3A : memref<!tpu.dma_semaphore, #tpu.memory_space<semaphore_mem>>)
      %dma_wait3A_200 = tpu.memref_slice %arg5[%mul3A_131] : memref<6815744xf32, #tpu.memory_space<hbm>> -> memref<16384xf32, #tpu.memory_space<hbm>>
      %dma_wait3A_201 = tpu.memref_slice %arg5[%mul3A_131] : memref<6815744xf32, #tpu.memory_space<hbm>> -> memref<16384xf32, #tpu.memory_space<hbm>>
      tpu.wait_dma2 semaphore(%run_scoped3A : memref<!tpu.dma_semaphore, #tpu.memory_space<semaphore_mem>>) src(%arg11 : memref<16384xf32, #tpu.memory_space<vmem>>) dst(%dma_wait3A_201 : memref<16384xf32, #tpu.memory_space<hbm>>)
      tpu.yield
    }) : () -> ()
    %scan3A_132 = arith.constant 0 : i32
    %scan3A_133 = arith.constant 0 : i32
    %scan3A_134 = arith.constant 64 : i32
    %scan3A_135 = arith.addi %scan3A_133, %scan3A_134 : i32
    %scan3A_136 = arith.constant 1 : i32
    %scan3A_137 = scf.for %scan3A_198 = %scan3A_133 to %scan3A_135 step %scan3A_136 iter_args(%scan3A_199 = %scan3A_132) -> (i32)  : i32 {
      %mul3A_200 = arith.constant 16 : i32
      %mul3A_201 = arith.muli %scan3A_198, %mul3A_200 : i32
      %add3A_202 = arith.constant 9216 : i32
      %add3A_203 = arith.addi %add3A_202, %mul3A_201 : i32
      %get3A = arith.index_cast %add3A_203 : i32 to index
      %get3A_204 = tpu.vector_load %arg6[%get3A] {strides = array<i32>} : memref<13312xi32, #tpu.memory_space<vmem>>, vector<16xi32>,
      %get3A_205 = arith.index_cast %add3A_203 : i32 to index
      %get3A_206 = tpu.vector_load %arg7[%get3A_205] {strides = array<i32>} : memref<13312xi32, #tpu.memory_space<vmem>>, vector<16xi32>,
      %add3A_207 = arith.addi %get3A_204, %get3A_206 : vector<16xi32>
      %mul3A_208 = arith.constant 256 : i32
      %mul3A_209 = arith.muli %scan3A_198, %mul3A_208 : i32
      %add3A_210 = arith.constant 0 : i32
      %add3A_211 = arith.addi %mul3A_209, %add3A_210 : i32
      %add3A_212 = vector.broadcast %add3A_211 : i32 to vector<16xi32>
      %add3A_213 = arith.addi %mul3A_5, %add3A_212 : vector<16xi32>
      %add3A_214 = arith.constant 0 : i32
      %add3A_215 = vector.broadcast %add3A_214 : i32 to vector<16xi32>
      %add3A_216 = arith.addi %add3A_207, %add3A_215 : vector<16xi32>
      tpu.vector_store_idx %arg9[%add3A_213], %add3A_216 : memref<16384xi32, #tpu.memory_space<vmem>>[vector<16xi32>], vector<16xi32>,
      %add3A_217 = arith.constant 1 : i32
      %add3A_218 = arith.addi %mul3A_209, %add3A_217 : i32
      %add3A_219 = vector.broadcast %add3A_218 : i32 to vector<16xi32>
      %add3A_220 = arith.addi %mul3A_5, %add3A_219 : vector<16xi32>
      %add3A_221 = arith.constant 100000 : i32
      %add3A_222 = vector.broadcast %add3A_221 : i32 to vector<16xi32>
      %add3A_223 = arith.addi %add3A_207, %add3A_222 : vector<16xi32>
      tpu.vector_store_idx %arg9[%add3A_220], %add3A_223 : memref<16384xi32, #tpu.memory_space<vmem>>[vector<16xi32>], vector<16xi32>,
      %add3A_224 = arith.constant 2 : i32
      %add3A_225 = arith.addi %mul3A_209, %add3A_224 : i32
      %add3A_226 = vector.broadcast %add3A_225 : i32 to vector<16xi32>
      %add3A_227 = arith.addi %mul3A_5, %add3A_226 : vector<16xi32>
      %add3A_228 = arith.constant 200000 : i32
      %add3A_229 = vector.broadcast %add3A_228 : i32 to vector<16xi32>
      %add3A_230 = arith.addi %add3A_207, %add3A_229 : vector<16xi32>
      tpu.vector_store_idx %arg9[%add3A_227], %add3A_230 : memref<16384xi32, #tpu.memory_space<vmem>>[vector<16xi32>], vector<16xi32>,
      %add3A_231 = arith.constant 3 : i32
      %add3A_232 = arith.addi %mul3A_209, %add3A_231 : i32
      %add3A_233 = vector.broadcast %add3A_232 : i32 to vector<16xi32>
      %add3A_234 = arith.addi %mul3A_5, %add3A_233 : vector<16xi32>
      %add3A_235 = arith.constant 300000 : i32
      %add3A_236 = vector.broadcast %add3A_235 : i32 to vector<16xi32>
      %add3A_237 = arith.addi %add3A_207, %add3A_236 : vector<16xi32>
      tpu.vector_store_idx %arg9[%add3A_234], %add3A_237 : memref<16384xi32, #tpu.memory_space<vmem>>[vector<16xi32>], vector<16xi32>,
      %add3A_238 = arith.constant 4 : i32
      %add3A_239 = arith.addi %mul3A_209, %add3A_238 : i32
      %add3A_240 = vector.broadcast %add3A_239 : i32 to vector<16xi32>
      %add3A_241 = arith.addi %mul3A_5, %add3A_240 : vector<16xi32>
      %add3A_242 = arith.constant 400000 : i32
      %add3A_243 = vector.broadcast %add3A_242 : i32 to vector<16xi32>
      %add3A_244 = arith.addi %add3A_207, %add3A_243 : vector<16xi32>
      tpu.vector_store_idx %arg9[%add3A_241], %add3A_244 : memref<16384xi32, #tpu.memory_space<vmem>>[vector<16xi32>], vector<16xi32>,
      %add3A_245 = arith.constant 5 : i32
      %add3A_246 = arith.addi %mul3A_209, %add3A_245 : i32
      %add3A_247 = vector.broadcast %add3A_246 : i32 to vector<16xi32>
      %add3A_248 = arith.addi %mul3A_5, %add3A_247 : vector<16xi32>
      %add3A_249 = arith.constant 500000 : i32
      %add3A_250 = vector.broadcast %add3A_249 : i32 to vector<16xi32>
      %add3A_251 = arith.addi %add3A_207, %add3A_250 : vector<16xi32>
      tpu.vector_store_idx %arg9[%add3A_248], %add3A_251 : memref<16384xi32, #tpu.memory_space<vmem>>[vector<16xi32>], vector<16xi32>,
      %add3A_252 = arith.constant 6 : i32
      %add3A_253 = arith.addi %mul3A_209, %add3A_252 : i32
      %add3A_254 = vector.broadcast %add3A_253 : i32 to vector<16xi32>
      %add3A_255 = arith.addi %mul3A_5, %add3A_254 : vector<16xi32>
      %add3A_256 = arith.constant 600000 : i32
      %add3A_257 = vector.broadcast %add3A_256 : i32 to vector<16xi32>
      %add3A_258 = arith.addi %add3A_207, %add3A_257 : vector<16xi32>
      tpu.vector_store_idx %arg9[%add3A_255], %add3A_258 : memref<16384xi32, #tpu.memory_space<vmem>>[vector<16xi32>], vector<16xi32>,
      %add3A_259 = arith.constant 7 : i32
      %add3A_260 = arith.addi %mul3A_209, %add3A_259 : i32
      %add3A_261 = vector.broadcast %add3A_260 : i32 to vector<16xi32>
      %add3A_262 = arith.addi %mul3A_5, %add3A_261 : vector<16xi32>
      %add3A_263 = arith.constant 700000 : i32
      %add3A_264 = vector.broadcast %add3A_263 : i32 to vector<16xi32>
      %add3A_265 = arith.addi %add3A_207, %add3A_264 : vector<16xi32>
      tpu.vector_store_idx %arg9[%add3A_262], %add3A_265 : memref<16384xi32, #tpu.memory_space<vmem>>[vector<16xi32>], vector<16xi32>,
      %add3A_266 = arith.constant 8 : i32
      %add3A_267 = arith.addi %mul3A_209, %add3A_266 : i32
      %add3A_268 = vector.broadcast %add3A_267 : i32 to vector<16xi32>
      %add3A_269 = arith.addi %mul3A_5, %add3A_268 : vector<16xi32>
      %add3A_270 = arith.constant 800000 : i32
      %add3A_271 = vector.broadcast %add3A_270 : i32 to vector<16xi32>
      %add3A_272 = arith.addi %add3A_207, %add3A_271 : vector<16xi32>
      tpu.vector_store_idx %arg9[%add3A_269], %add3A_272 : memref<16384xi32, #tpu.memory_space<vmem>>[vector<16xi32>], vector<16xi32>,
      %add3A_273 = arith.constant 9 : i32
      %add3A_274 = arith.addi %mul3A_209, %add3A_273 : i32
      %add3A_275 = vector.broadcast %add3A_274 : i32 to vector<16xi32>
      %add3A_276 = arith.addi %mul3A_5, %add3A_275 : vector<16xi32>
      %add3A_277 = arith.constant 900000 : i32
      %add3A_278 = vector.broadcast %add3A_277 : i32 to vector<16xi32>
      %add3A_279 = arith.addi %add3A_207, %add3A_278 : vector<16xi32>
      tpu.vector_store_idx %arg9[%add3A_276], %add3A_279 : memref<16384xi32, #tpu.memory_space<vmem>>[vector<16xi32>], vector<16xi32>,
      %add3A_280 = arith.constant 10 : i32
      %add3A_281 = arith.addi %mul3A_209, %add3A_280 : i32
      %add3A_282 = vector.broadcast %add3A_281 : i32 to vector<16xi32>
      %add3A_283 = arith.addi %mul3A_5, %add3A_282 : vector<16xi32>
      %add3A_284 = arith.constant 1000000 : i32
      %add3A_285 = vector.broadcast %add3A_284 : i32 to vector<16xi32>
      %add3A_286 = arith.addi %add3A_207, %add3A_285 : vector<16xi32>
      tpu.vector_store_idx %arg9[%add3A_283], %add3A_286 : memref<16384xi32, #tpu.memory_space<vmem>>[vector<16xi32>], vector<16xi32>,
      %add3A_287 = arith.constant 11 : i32
      %add3A_288 = arith.addi %mul3A_209, %add3A_287 : i32
      %add3A_289 = vector.broadcast %add3A_288 : i32 to vector<16xi32>
      %add3A_290 = arith.addi %mul3A_5, %add3A_289 : vector<16xi32>
      %add3A_291 = arith.constant 1100000 : i32
      %add3A_292 = vector.broadcast %add3A_291 : i32 to vector<16xi32>
      %add3A_293 = arith.addi %add3A_207, %add3A_292 : vector<16xi32>
      tpu.vector_store_idx %arg9[%add3A_290], %add3A_293 : memref<16384xi32, #tpu.memory_space<vmem>>[vector<16xi32>], vector<16xi32>,
      %add3A_294 = arith.constant 12 : i32
      %add3A_295 = arith.addi %mul3A_209, %add3A_294 : i32
      %add3A_296 = vector.broadcast %add3A_295 : i32 to vector<16xi32>
      %add3A_297 = arith.addi %mul3A_5, %add3A_296 : vector<16xi32>
      %add3A_298 = arith.constant 1200000 : i32
      %add3A_299 = vector.broadcast %add3A_298 : i32 to vector<16xi32>
      %add3A_300 = arith.addi %add3A_207, %add3A_299 : vector<16xi32>
      tpu.vector_store_idx %arg9[%add3A_297], %add3A_300 : memref<16384xi32, #tpu.memory_space<vmem>>[vector<16xi32>], vector<16xi32>,
      %add3A_301 = arith.constant 13 : i32
      %add3A_302 = arith.addi %mul3A_209, %add3A_301 : i32
      %add3A_303 = vector.broadcast %add3A_302 : i32 to vector<16xi32>
      %add3A_304 = arith.addi %mul3A_5, %add3A_303 : vector<16xi32>
      %add3A_305 = arith.constant 1300000 : i32
      %add3A_306 = vector.broadcast %add3A_305 : i32 to vector<16xi32>
      %add3A_307 = arith.addi %add3A_207, %add3A_306 : vector<16xi32>
      tpu.vector_store_idx %arg9[%add3A_304], %add3A_307 : memref<16384xi32, #tpu.memory_space<vmem>>[vector<16xi32>], vector<16xi32>,
      %add3A_308 = arith.constant 14 : i32
      %add3A_309 = arith.addi %mul3A_209, %add3A_308 : i32
      %add3A_310 = vector.broadcast %add3A_309 : i32 to vector<16xi32>
      %add3A_311 = arith.addi %mul3A_5, %add3A_310 : vector<16xi32>
      %add3A_312 = arith.constant 1400000 : i32
      %add3A_313 = vector.broadcast %add3A_312 : i32 to vector<16xi32>
      %add3A_314 = arith.addi %add3A_207, %add3A_313 : vector<16xi32>
      tpu.vector_store_idx %arg9[%add3A_311], %add3A_314 : memref<16384xi32, #tpu.memory_space<vmem>>[vector<16xi32>], vector<16xi32>,
      %add3A_315 = arith.constant 15 : i32
      %add3A_316 = arith.addi %mul3A_209, %add3A_315 : i32
      %add3A_317 = vector.broadcast %add3A_316 : i32 to vector<16xi32>
      %add3A_318 = arith.addi %mul3A_5, %add3A_317 : vector<16xi32>
      %add3A_319 = arith.constant 1500000 : i32
      %add3A_320 = vector.broadcast %add3A_319 : i32 to vector<16xi32>
      %add3A_321 = arith.addi %add3A_207, %add3A_320 : vector<16xi32>
      tpu.vector_store_idx %arg9[%add3A_318], %add3A_321 : memref<16384xi32, #tpu.memory_space<vmem>>[vector<16xi32>], vector<16xi32>,
      %scan3A_322 = arith.constant 0 : i32
      scf.yield %scan3A_322 : i32
    }
    %scan3A_138 = arith.constant 64 : i32
    %dma_wait3A_139 = arith.constant 0 : i32
    %dma_wait3A_140 = tpu.memref_slice %arg2[%dma_wait3A_139] : memref<166400000xf32, #tpu.memory_space<hbm>> -> memref<166400000xf32, #tpu.memory_space<hbm>>
    tpu.wait_indirect_dma semaphore(%arg12 : memref<!tpu.dma_semaphore, #tpu.memory_space<semaphore_mem>>) src(%dma_wait3A_140 : memref<166400000xf32, #tpu.memory_space<hbm>>) dst(%arg10 : memref<16384xf32, #tpu.memory_space<vmem>>)
    %dma_start3A_141 = arith.constant 0 : i32
    %dma_start3A_142 = tpu.memref_slice %arg2[%dma_start3A_141] : memref<166400000xf32, #tpu.memory_space<hbm>> -> memref<166400000xf32, #tpu.memory_space<hbm>>
    tpu.enqueue_indirect_dma source(%dma_start3A_142 : memref<166400000xf32, #tpu.memory_space<hbm>>) target(%arg11 : memref<16384xf32, #tpu.memory_space<vmem>>) offsets(%arg9 : memref<16384xi32, #tpu.memory_space<vmem>>) semaphore(%arg13 : memref<!tpu.dma_semaphore, #tpu.memory_space<semaphore_mem>>)
    %add3A_143 = arith.constant 8192 : i32
    %add3A_144 = arith.addi %mul3A_2, %add3A_143 : i32
    %mul3A_145 = arith.constant 16 : i32
    %mul3A_146 = arith.muli %add3A_144, %mul3A_145 : i32
    "tpu.region"() ({
      %run_scoped3A = tpu.sem_alloc : memref<!tpu.dma_semaphore, #tpu.memory_space<semaphore_mem>>
      %dma_start3A_198 = tpu.memref_slice %arg5[%mul3A_146] : memref<6815744xf32, #tpu.memory_space<hbm>> -> memref<16384xf32, #tpu.memory_space<hbm>>
      %dma_start3A_199 = tpu.memref_slice %arg5[%mul3A_146] : memref<6815744xf32, #tpu.memory_space<hbm>> -> memref<16384xf32, #tpu.memory_space<hbm>>
      tpu.enqueue_dma source(%arg10 : memref<16384xf32, #tpu.memory_space<vmem>>) target(%dma_start3A_199 : memref<16384xf32, #tpu.memory_space<hbm>>) target_semaphore(%run_scoped3A : memref<!tpu.dma_semaphore, #tpu.memory_space<semaphore_mem>>)
      %dma_wait3A_200 = tpu.memref_slice %arg5[%mul3A_146] : memref<6815744xf32, #tpu.memory_space<hbm>> -> memref<16384xf32, #tpu.memory_space<hbm>>
      %dma_wait3A_201 = tpu.memref_slice %arg5[%mul3A_146] : memref<6815744xf32, #tpu.memory_space<hbm>> -> memref<16384xf32, #tpu.memory_space<hbm>>
      tpu.wait_dma2 semaphore(%run_scoped3A : memref<!tpu.dma_semaphore, #tpu.memory_space<semaphore_mem>>) src(%arg10 : memref<16384xf32, #tpu.memory_space<vmem>>) dst(%dma_wait3A_201 : memref<16384xf32, #tpu.memory_space<hbm>>)
      tpu.yield
    }) : () -> ()
    %scan3A_147 = arith.constant 0 : i32
    %scan3A_148 = arith.constant 0 : i32
    %scan3A_149 = arith.constant 64 : i32
    %scan3A_150 = arith.addi %scan3A_148, %scan3A_149 : i32
    %scan3A_151 = arith.constant 1 : i32
    %scan3A_152 = scf.for %scan3A_198 = %scan3A_148 to %scan3A_150 step %scan3A_151 iter_args(%scan3A_199 = %scan3A_147) -> (i32)  : i32 {
      %mul3A_200 = arith.constant 16 : i32
      %mul3A_201 = arith.muli %scan3A_198, %mul3A_200 : i32
      %add3A_202 = arith.constant 10240 : i32
      %add3A_203 = arith.addi %add3A_202, %mul3A_201 : i32
      %get3A = arith.index_cast %add3A_203 : i32 to index
      %get3A_204 = tpu.vector_load %arg6[%get3A] {strides = array<i32>} : memref<13312xi32, #tpu.memory_space<vmem>>, vector<16xi32>,
      %get3A_205 = arith.index_cast %add3A_203 : i32 to index
      %get3A_206 = tpu.vector_load %arg7[%get3A_205] {strides = array<i32>} : memref<13312xi32, #tpu.memory_space<vmem>>, vector<16xi32>,
      %add3A_207 = arith.addi %get3A_204, %get3A_206 : vector<16xi32>
      %mul3A_208 = arith.constant 256 : i32
      %mul3A_209 = arith.muli %scan3A_198, %mul3A_208 : i32
      %add3A_210 = arith.constant 0 : i32
      %add3A_211 = arith.addi %mul3A_209, %add3A_210 : i32
      %add3A_212 = vector.broadcast %add3A_211 : i32 to vector<16xi32>
      %add3A_213 = arith.addi %mul3A_5, %add3A_212 : vector<16xi32>
      %add3A_214 = arith.constant 0 : i32
      %add3A_215 = vector.broadcast %add3A_214 : i32 to vector<16xi32>
      %add3A_216 = arith.addi %add3A_207, %add3A_215 : vector<16xi32>
      tpu.vector_store_idx %arg8[%add3A_213], %add3A_216 : memref<16384xi32, #tpu.memory_space<vmem>>[vector<16xi32>], vector<16xi32>,
      %add3A_217 = arith.constant 1 : i32
      %add3A_218 = arith.addi %mul3A_209, %add3A_217 : i32
      %add3A_219 = vector.broadcast %add3A_218 : i32 to vector<16xi32>
      %add3A_220 = arith.addi %mul3A_5, %add3A_219 : vector<16xi32>
      %add3A_221 = arith.constant 100000 : i32
      %add3A_222 = vector.broadcast %add3A_221 : i32 to vector<16xi32>
      %add3A_223 = arith.addi %add3A_207, %add3A_222 : vector<16xi32>
      tpu.vector_store_idx %arg8[%add3A_220], %add3A_223 : memref<16384xi32, #tpu.memory_space<vmem>>[vector<16xi32>], vector<16xi32>,
      %add3A_224 = arith.constant 2 : i32
      %add3A_225 = arith.addi %mul3A_209, %add3A_224 : i32
      %add3A_226 = vector.broadcast %add3A_225 : i32 to vector<16xi32>
      %add3A_227 = arith.addi %mul3A_5, %add3A_226 : vector<16xi32>
      %add3A_228 = arith.constant 200000 : i32
      %add3A_229 = vector.broadcast %add3A_228 : i32 to vector<16xi32>
      %add3A_230 = arith.addi %add3A_207, %add3A_229 : vector<16xi32>
      tpu.vector_store_idx %arg8[%add3A_227], %add3A_230 : memref<16384xi32, #tpu.memory_space<vmem>>[vector<16xi32>], vector<16xi32>,
      %add3A_231 = arith.constant 3 : i32
      %add3A_232 = arith.addi %mul3A_209, %add3A_231 : i32
      %add3A_233 = vector.broadcast %add3A_232 : i32 to vector<16xi32>
      %add3A_234 = arith.addi %mul3A_5, %add3A_233 : vector<16xi32>
      %add3A_235 = arith.constant 300000 : i32
      %add3A_236 = vector.broadcast %add3A_235 : i32 to vector<16xi32>
      %add3A_237 = arith.addi %add3A_207, %add3A_236 : vector<16xi32>
      tpu.vector_store_idx %arg8[%add3A_234], %add3A_237 : memref<16384xi32, #tpu.memory_space<vmem>>[vector<16xi32>], vector<16xi32>,
      %add3A_238 = arith.constant 4 : i32
      %add3A_239 = arith.addi %mul3A_209, %add3A_238 : i32
      %add3A_240 = vector.broadcast %add3A_239 : i32 to vector<16xi32>
      %add3A_241 = arith.addi %mul3A_5, %add3A_240 : vector<16xi32>
      %add3A_242 = arith.constant 400000 : i32
      %add3A_243 = vector.broadcast %add3A_242 : i32 to vector<16xi32>
      %add3A_244 = arith.addi %add3A_207, %add3A_243 : vector<16xi32>
      tpu.vector_store_idx %arg8[%add3A_241], %add3A_244 : memref<16384xi32, #tpu.memory_space<vmem>>[vector<16xi32>], vector<16xi32>,
      %add3A_245 = arith.constant 5 : i32
      %add3A_246 = arith.addi %mul3A_209, %add3A_245 : i32
      %add3A_247 = vector.broadcast %add3A_246 : i32 to vector<16xi32>
      %add3A_248 = arith.addi %mul3A_5, %add3A_247 : vector<16xi32>
      %add3A_249 = arith.constant 500000 : i32
      %add3A_250 = vector.broadcast %add3A_249 : i32 to vector<16xi32>
      %add3A_251 = arith.addi %add3A_207, %add3A_250 : vector<16xi32>
      tpu.vector_store_idx %arg8[%add3A_248], %add3A_251 : memref<16384xi32, #tpu.memory_space<vmem>>[vector<16xi32>], vector<16xi32>,
      %add3A_252 = arith.constant 6 : i32
      %add3A_253 = arith.addi %mul3A_209, %add3A_252 : i32
      %add3A_254 = vector.broadcast %add3A_253 : i32 to vector<16xi32>
      %add3A_255 = arith.addi %mul3A_5, %add3A_254 : vector<16xi32>
      %add3A_256 = arith.constant 600000 : i32
      %add3A_257 = vector.broadcast %add3A_256 : i32 to vector<16xi32>
      %add3A_258 = arith.addi %add3A_207, %add3A_257 : vector<16xi32>
      tpu.vector_store_idx %arg8[%add3A_255], %add3A_258 : memref<16384xi32, #tpu.memory_space<vmem>>[vector<16xi32>], vector<16xi32>,
      %add3A_259 = arith.constant 7 : i32
      %add3A_260 = arith.addi %mul3A_209, %add3A_259 : i32
      %add3A_261 = vector.broadcast %add3A_260 : i32 to vector<16xi32>
      %add3A_262 = arith.addi %mul3A_5, %add3A_261 : vector<16xi32>
      %add3A_263 = arith.constant 700000 : i32
      %add3A_264 = vector.broadcast %add3A_263 : i32 to vector<16xi32>
      %add3A_265 = arith.addi %add3A_207, %add3A_264 : vector<16xi32>
      tpu.vector_store_idx %arg8[%add3A_262], %add3A_265 : memref<16384xi32, #tpu.memory_space<vmem>>[vector<16xi32>], vector<16xi32>,
      %add3A_266 = arith.constant 8 : i32
      %add3A_267 = arith.addi %mul3A_209, %add3A_266 : i32
      %add3A_268 = vector.broadcast %add3A_267 : i32 to vector<16xi32>
      %add3A_269 = arith.addi %mul3A_5, %add3A_268 : vector<16xi32>
      %add3A_270 = arith.constant 800000 : i32
      %add3A_271 = vector.broadcast %add3A_270 : i32 to vector<16xi32>
      %add3A_272 = arith.addi %add3A_207, %add3A_271 : vector<16xi32>
      tpu.vector_store_idx %arg8[%add3A_269], %add3A_272 : memref<16384xi32, #tpu.memory_space<vmem>>[vector<16xi32>], vector<16xi32>,
      %add3A_273 = arith.constant 9 : i32
      %add3A_274 = arith.addi %mul3A_209, %add3A_273 : i32
      %add3A_275 = vector.broadcast %add3A_274 : i32 to vector<16xi32>
      %add3A_276 = arith.addi %mul3A_5, %add3A_275 : vector<16xi32>
      %add3A_277 = arith.constant 900000 : i32
      %add3A_278 = vector.broadcast %add3A_277 : i32 to vector<16xi32>
      %add3A_279 = arith.addi %add3A_207, %add3A_278 : vector<16xi32>
      tpu.vector_store_idx %arg8[%add3A_276], %add3A_279 : memref<16384xi32, #tpu.memory_space<vmem>>[vector<16xi32>], vector<16xi32>,
      %add3A_280 = arith.constant 10 : i32
      %add3A_281 = arith.addi %mul3A_209, %add3A_280 : i32
      %add3A_282 = vector.broadcast %add3A_281 : i32 to vector<16xi32>
      %add3A_283 = arith.addi %mul3A_5, %add3A_282 : vector<16xi32>
      %add3A_284 = arith.constant 1000000 : i32
      %add3A_285 = vector.broadcast %add3A_284 : i32 to vector<16xi32>
      %add3A_286 = arith.addi %add3A_207, %add3A_285 : vector<16xi32>
      tpu.vector_store_idx %arg8[%add3A_283], %add3A_286 : memref<16384xi32, #tpu.memory_space<vmem>>[vector<16xi32>], vector<16xi32>,
      %add3A_287 = arith.constant 11 : i32
      %add3A_288 = arith.addi %mul3A_209, %add3A_287 : i32
      %add3A_289 = vector.broadcast %add3A_288 : i32 to vector<16xi32>
      %add3A_290 = arith.addi %mul3A_5, %add3A_289 : vector<16xi32>
      %add3A_291 = arith.constant 1100000 : i32
      %add3A_292 = vector.broadcast %add3A_291 : i32 to vector<16xi32>
      %add3A_293 = arith.addi %add3A_207, %add3A_292 : vector<16xi32>
      tpu.vector_store_idx %arg8[%add3A_290], %add3A_293 : memref<16384xi32, #tpu.memory_space<vmem>>[vector<16xi32>], vector<16xi32>,
      %add3A_294 = arith.constant 12 : i32
      %add3A_295 = arith.addi %mul3A_209, %add3A_294 : i32
      %add3A_296 = vector.broadcast %add3A_295 : i32 to vector<16xi32>
      %add3A_297 = arith.addi %mul3A_5, %add3A_296 : vector<16xi32>
      %add3A_298 = arith.constant 1200000 : i32
      %add3A_299 = vector.broadcast %add3A_298 : i32 to vector<16xi32>
      %add3A_300 = arith.addi %add3A_207, %add3A_299 : vector<16xi32>
      tpu.vector_store_idx %arg8[%add3A_297], %add3A_300 : memref<16384xi32, #tpu.memory_space<vmem>>[vector<16xi32>], vector<16xi32>,
      %add3A_301 = arith.constant 13 : i32
      %add3A_302 = arith.addi %mul3A_209, %add3A_301 : i32
      %add3A_303 = vector.broadcast %add3A_302 : i32 to vector<16xi32>
      %add3A_304 = arith.addi %mul3A_5, %add3A_303 : vector<16xi32>
      %add3A_305 = arith.constant 1300000 : i32
      %add3A_306 = vector.broadcast %add3A_305 : i32 to vector<16xi32>
      %add3A_307 = arith.addi %add3A_207, %add3A_306 : vector<16xi32>
      tpu.vector_store_idx %arg8[%add3A_304], %add3A_307 : memref<16384xi32, #tpu.memory_space<vmem>>[vector<16xi32>], vector<16xi32>,
      %add3A_308 = arith.constant 14 : i32
      %add3A_309 = arith.addi %mul3A_209, %add3A_308 : i32
      %add3A_310 = vector.broadcast %add3A_309 : i32 to vector<16xi32>
      %add3A_311 = arith.addi %mul3A_5, %add3A_310 : vector<16xi32>
      %add3A_312 = arith.constant 1400000 : i32
      %add3A_313 = vector.broadcast %add3A_312 : i32 to vector<16xi32>
      %add3A_314 = arith.addi %add3A_207, %add3A_313 : vector<16xi32>
      tpu.vector_store_idx %arg8[%add3A_311], %add3A_314 : memref<16384xi32, #tpu.memory_space<vmem>>[vector<16xi32>], vector<16xi32>,
      %add3A_315 = arith.constant 15 : i32
      %add3A_316 = arith.addi %mul3A_209, %add3A_315 : i32
      %add3A_317 = vector.broadcast %add3A_316 : i32 to vector<16xi32>
      %add3A_318 = arith.addi %mul3A_5, %add3A_317 : vector<16xi32>
      %add3A_319 = arith.constant 1500000 : i32
      %add3A_320 = vector.broadcast %add3A_319 : i32 to vector<16xi32>
      %add3A_321 = arith.addi %add3A_207, %add3A_320 : vector<16xi32>
      tpu.vector_store_idx %arg8[%add3A_318], %add3A_321 : memref<16384xi32, #tpu.memory_space<vmem>>[vector<16xi32>], vector<16xi32>,
      %scan3A_322 = arith.constant 0 : i32
      scf.yield %scan3A_322 : i32
    }
    %scan3A_153 = arith.constant 64 : i32
    %dma_wait3A_154 = arith.constant 0 : i32
    %dma_wait3A_155 = tpu.memref_slice %arg2[%dma_wait3A_154] : memref<166400000xf32, #tpu.memory_space<hbm>> -> memref<166400000xf32, #tpu.memory_space<hbm>>
    tpu.wait_indirect_dma semaphore(%arg13 : memref<!tpu.dma_semaphore, #tpu.memory_space<semaphore_mem>>) src(%dma_wait3A_155 : memref<166400000xf32, #tpu.memory_space<hbm>>) dst(%arg11 : memref<16384xf32, #tpu.memory_space<vmem>>)
    %dma_start3A_156 = arith.constant 0 : i32
    %dma_start3A_157 = tpu.memref_slice %arg2[%dma_start3A_156] : memref<166400000xf32, #tpu.memory_space<hbm>> -> memref<166400000xf32, #tpu.memory_space<hbm>>
    tpu.enqueue_indirect_dma source(%dma_start3A_157 : memref<166400000xf32, #tpu.memory_space<hbm>>) target(%arg10 : memref<16384xf32, #tpu.memory_space<vmem>>) offsets(%arg8 : memref<16384xi32, #tpu.memory_space<vmem>>) semaphore(%arg12 : memref<!tpu.dma_semaphore, #tpu.memory_space<semaphore_mem>>)
    %add3A_158 = arith.constant 9216 : i32
    %add3A_159 = arith.addi %mul3A_2, %add3A_158 : i32
    %mul3A_160 = arith.constant 16 : i32
    %mul3A_161 = arith.muli %add3A_159, %mul3A_160 : i32
    "tpu.region"() ({
      %run_scoped3A = tpu.sem_alloc : memref<!tpu.dma_semaphore, #tpu.memory_space<semaphore_mem>>
      %dma_start3A_198 = tpu.memref_slice %arg5[%mul3A_161] : memref<6815744xf32, #tpu.memory_space<hbm>> -> memref<16384xf32, #tpu.memory_space<hbm>>
      %dma_start3A_199 = tpu.memref_slice %arg5[%mul3A_161] : memref<6815744xf32, #tpu.memory_space<hbm>> -> memref<16384xf32, #tpu.memory_space<hbm>>
      tpu.enqueue_dma source(%arg11 : memref<16384xf32, #tpu.memory_space<vmem>>) target(%dma_start3A_199 : memref<16384xf32, #tpu.memory_space<hbm>>) target_semaphore(%run_scoped3A : memref<!tpu.dma_semaphore, #tpu.memory_space<semaphore_mem>>)
      %dma_wait3A_200 = tpu.memref_slice %arg5[%mul3A_161] : memref<6815744xf32, #tpu.memory_space<hbm>> -> memref<16384xf32, #tpu.memory_space<hbm>>
      %dma_wait3A_201 = tpu.memref_slice %arg5[%mul3A_161] : memref<6815744xf32, #tpu.memory_space<hbm>> -> memref<16384xf32, #tpu.memory_space<hbm>>
      tpu.wait_dma2 semaphore(%run_scoped3A : memref<!tpu.dma_semaphore, #tpu.memory_space<semaphore_mem>>) src(%arg11 : memref<16384xf32, #tpu.memory_space<vmem>>) dst(%dma_wait3A_201 : memref<16384xf32, #tpu.memory_space<hbm>>)
      tpu.yield
    }) : () -> ()
    %scan3A_162 = arith.constant 0 : i32
    %scan3A_163 = arith.constant 0 : i32
    %scan3A_164 = arith.constant 64 : i32
    %scan3A_165 = arith.addi %scan3A_163, %scan3A_164 : i32
    %scan3A_166 = arith.constant 1 : i32
    %scan3A_167 = scf.for %scan3A_198 = %scan3A_163 to %scan3A_165 step %scan3A_166 iter_args(%scan3A_199 = %scan3A_162) -> (i32)  : i32 {
      %mul3A_200 = arith.constant 16 : i32
      %mul3A_201 = arith.muli %scan3A_198, %mul3A_200 : i32
      %add3A_202 = arith.constant 11264 : i32
      %add3A_203 = arith.addi %add3A_202, %mul3A_201 : i32
      %get3A = arith.index_cast %add3A_203 : i32 to index
      %get3A_204 = tpu.vector_load %arg6[%get3A] {strides = array<i32>} : memref<13312xi32, #tpu.memory_space<vmem>>, vector<16xi32>,
      %get3A_205 = arith.index_cast %add3A_203 : i32 to index
      %get3A_206 = tpu.vector_load %arg7[%get3A_205] {strides = array<i32>} : memref<13312xi32, #tpu.memory_space<vmem>>, vector<16xi32>,
      %add3A_207 = arith.addi %get3A_204, %get3A_206 : vector<16xi32>
      %mul3A_208 = arith.constant 256 : i32
      %mul3A_209 = arith.muli %scan3A_198, %mul3A_208 : i32
      %add3A_210 = arith.constant 0 : i32
      %add3A_211 = arith.addi %mul3A_209, %add3A_210 : i32
      %add3A_212 = vector.broadcast %add3A_211 : i32 to vector<16xi32>
      %add3A_213 = arith.addi %mul3A_5, %add3A_212 : vector<16xi32>
      %add3A_214 = arith.constant 0 : i32
      %add3A_215 = vector.broadcast %add3A_214 : i32 to vector<16xi32>
      %add3A_216 = arith.addi %add3A_207, %add3A_215 : vector<16xi32>
      tpu.vector_store_idx %arg9[%add3A_213], %add3A_216 : memref<16384xi32, #tpu.memory_space<vmem>>[vector<16xi32>], vector<16xi32>,
      %add3A_217 = arith.constant 1 : i32
      %add3A_218 = arith.addi %mul3A_209, %add3A_217 : i32
      %add3A_219 = vector.broadcast %add3A_218 : i32 to vector<16xi32>
      %add3A_220 = arith.addi %mul3A_5, %add3A_219 : vector<16xi32>
      %add3A_221 = arith.constant 100000 : i32
      %add3A_222 = vector.broadcast %add3A_221 : i32 to vector<16xi32>
      %add3A_223 = arith.addi %add3A_207, %add3A_222 : vector<16xi32>
      tpu.vector_store_idx %arg9[%add3A_220], %add3A_223 : memref<16384xi32, #tpu.memory_space<vmem>>[vector<16xi32>], vector<16xi32>,
      %add3A_224 = arith.constant 2 : i32
      %add3A_225 = arith.addi %mul3A_209, %add3A_224 : i32
      %add3A_226 = vector.broadcast %add3A_225 : i32 to vector<16xi32>
      %add3A_227 = arith.addi %mul3A_5, %add3A_226 : vector<16xi32>
      %add3A_228 = arith.constant 200000 : i32
      %add3A_229 = vector.broadcast %add3A_228 : i32 to vector<16xi32>
      %add3A_230 = arith.addi %add3A_207, %add3A_229 : vector<16xi32>
      tpu.vector_store_idx %arg9[%add3A_227], %add3A_230 : memref<16384xi32, #tpu.memory_space<vmem>>[vector<16xi32>], vector<16xi32>,
      %add3A_231 = arith.constant 3 : i32
      %add3A_232 = arith.addi %mul3A_209, %add3A_231 : i32
      %add3A_233 = vector.broadcast %add3A_232 : i32 to vector<16xi32>
      %add3A_234 = arith.addi %mul3A_5, %add3A_233 : vector<16xi32>
      %add3A_235 = arith.constant 300000 : i32
      %add3A_236 = vector.broadcast %add3A_235 : i32 to vector<16xi32>
      %add3A_237 = arith.addi %add3A_207, %add3A_236 : vector<16xi32>
      tpu.vector_store_idx %arg9[%add3A_234], %add3A_237 : memref<16384xi32, #tpu.memory_space<vmem>>[vector<16xi32>], vector<16xi32>,
      %add3A_238 = arith.constant 4 : i32
      %add3A_239 = arith.addi %mul3A_209, %add3A_238 : i32
      %add3A_240 = vector.broadcast %add3A_239 : i32 to vector<16xi32>
      %add3A_241 = arith.addi %mul3A_5, %add3A_240 : vector<16xi32>
      %add3A_242 = arith.constant 400000 : i32
      %add3A_243 = vector.broadcast %add3A_242 : i32 to vector<16xi32>
      %add3A_244 = arith.addi %add3A_207, %add3A_243 : vector<16xi32>
      tpu.vector_store_idx %arg9[%add3A_241], %add3A_244 : memref<16384xi32, #tpu.memory_space<vmem>>[vector<16xi32>], vector<16xi32>,
      %add3A_245 = arith.constant 5 : i32
      %add3A_246 = arith.addi %mul3A_209, %add3A_245 : i32
      %add3A_247 = vector.broadcast %add3A_246 : i32 to vector<16xi32>
      %add3A_248 = arith.addi %mul3A_5, %add3A_247 : vector<16xi32>
      %add3A_249 = arith.constant 500000 : i32
      %add3A_250 = vector.broadcast %add3A_249 : i32 to vector<16xi32>
      %add3A_251 = arith.addi %add3A_207, %add3A_250 : vector<16xi32>
      tpu.vector_store_idx %arg9[%add3A_248], %add3A_251 : memref<16384xi32, #tpu.memory_space<vmem>>[vector<16xi32>], vector<16xi32>,
      %add3A_252 = arith.constant 6 : i32
      %add3A_253 = arith.addi %mul3A_209, %add3A_252 : i32
      %add3A_254 = vector.broadcast %add3A_253 : i32 to vector<16xi32>
      %add3A_255 = arith.addi %mul3A_5, %add3A_254 : vector<16xi32>
      %add3A_256 = arith.constant 600000 : i32
      %add3A_257 = vector.broadcast %add3A_256 : i32 to vector<16xi32>
      %add3A_258 = arith.addi %add3A_207, %add3A_257 : vector<16xi32>
      tpu.vector_store_idx %arg9[%add3A_255], %add3A_258 : memref<16384xi32, #tpu.memory_space<vmem>>[vector<16xi32>], vector<16xi32>,
      %add3A_259 = arith.constant 7 : i32
      %add3A_260 = arith.addi %mul3A_209, %add3A_259 : i32
      %add3A_261 = vector.broadcast %add3A_260 : i32 to vector<16xi32>
      %add3A_262 = arith.addi %mul3A_5, %add3A_261 : vector<16xi32>
      %add3A_263 = arith.constant 700000 : i32
      %add3A_264 = vector.broadcast %add3A_263 : i32 to vector<16xi32>
      %add3A_265 = arith.addi %add3A_207, %add3A_264 : vector<16xi32>
      tpu.vector_store_idx %arg9[%add3A_262], %add3A_265 : memref<16384xi32, #tpu.memory_space<vmem>>[vector<16xi32>], vector<16xi32>,
      %add3A_266 = arith.constant 8 : i32
      %add3A_267 = arith.addi %mul3A_209, %add3A_266 : i32
      %add3A_268 = vector.broadcast %add3A_267 : i32 to vector<16xi32>
      %add3A_269 = arith.addi %mul3A_5, %add3A_268 : vector<16xi32>
      %add3A_270 = arith.constant 800000 : i32
      %add3A_271 = vector.broadcast %add3A_270 : i32 to vector<16xi32>
      %add3A_272 = arith.addi %add3A_207, %add3A_271 : vector<16xi32>
      tpu.vector_store_idx %arg9[%add3A_269], %add3A_272 : memref<16384xi32, #tpu.memory_space<vmem>>[vector<16xi32>], vector<16xi32>,
      %add3A_273 = arith.constant 9 : i32
      %add3A_274 = arith.addi %mul3A_209, %add3A_273 : i32
      %add3A_275 = vector.broadcast %add3A_274 : i32 to vector<16xi32>
      %add3A_276 = arith.addi %mul3A_5, %add3A_275 : vector<16xi32>
      %add3A_277 = arith.constant 900000 : i32
      %add3A_278 = vector.broadcast %add3A_277 : i32 to vector<16xi32>
      %add3A_279 = arith.addi %add3A_207, %add3A_278 : vector<16xi32>
      tpu.vector_store_idx %arg9[%add3A_276], %add3A_279 : memref<16384xi32, #tpu.memory_space<vmem>>[vector<16xi32>], vector<16xi32>,
      %add3A_280 = arith.constant 10 : i32
      %add3A_281 = arith.addi %mul3A_209, %add3A_280 : i32
      %add3A_282 = vector.broadcast %add3A_281 : i32 to vector<16xi32>
      %add3A_283 = arith.addi %mul3A_5, %add3A_282 : vector<16xi32>
      %add3A_284 = arith.constant 1000000 : i32
      %add3A_285 = vector.broadcast %add3A_284 : i32 to vector<16xi32>
      %add3A_286 = arith.addi %add3A_207, %add3A_285 : vector<16xi32>
      tpu.vector_store_idx %arg9[%add3A_283], %add3A_286 : memref<16384xi32, #tpu.memory_space<vmem>>[vector<16xi32>], vector<16xi32>,
      %add3A_287 = arith.constant 11 : i32
      %add3A_288 = arith.addi %mul3A_209, %add3A_287 : i32
      %add3A_289 = vector.broadcast %add3A_288 : i32 to vector<16xi32>
      %add3A_290 = arith.addi %mul3A_5, %add3A_289 : vector<16xi32>
      %add3A_291 = arith.constant 1100000 : i32
      %add3A_292 = vector.broadcast %add3A_291 : i32 to vector<16xi32>
      %add3A_293 = arith.addi %add3A_207, %add3A_292 : vector<16xi32>
      tpu.vector_store_idx %arg9[%add3A_290], %add3A_293 : memref<16384xi32, #tpu.memory_space<vmem>>[vector<16xi32>], vector<16xi32>,
      %add3A_294 = arith.constant 12 : i32
      %add3A_295 = arith.addi %mul3A_209, %add3A_294 : i32
      %add3A_296 = vector.broadcast %add3A_295 : i32 to vector<16xi32>
      %add3A_297 = arith.addi %mul3A_5, %add3A_296 : vector<16xi32>
      %add3A_298 = arith.constant 1200000 : i32
      %add3A_299 = vector.broadcast %add3A_298 : i32 to vector<16xi32>
      %add3A_300 = arith.addi %add3A_207, %add3A_299 : vector<16xi32>
      tpu.vector_store_idx %arg9[%add3A_297], %add3A_300 : memref<16384xi32, #tpu.memory_space<vmem>>[vector<16xi32>], vector<16xi32>,
      %add3A_301 = arith.constant 13 : i32
      %add3A_302 = arith.addi %mul3A_209, %add3A_301 : i32
      %add3A_303 = vector.broadcast %add3A_302 : i32 to vector<16xi32>
      %add3A_304 = arith.addi %mul3A_5, %add3A_303 : vector<16xi32>
      %add3A_305 = arith.constant 1300000 : i32
      %add3A_306 = vector.broadcast %add3A_305 : i32 to vector<16xi32>
      %add3A_307 = arith.addi %add3A_207, %add3A_306 : vector<16xi32>
      tpu.vector_store_idx %arg9[%add3A_304], %add3A_307 : memref<16384xi32, #tpu.memory_space<vmem>>[vector<16xi32>], vector<16xi32>,
      %add3A_308 = arith.constant 14 : i32
      %add3A_309 = arith.addi %mul3A_209, %add3A_308 : i32
      %add3A_310 = vector.broadcast %add3A_309 : i32 to vector<16xi32>
      %add3A_311 = arith.addi %mul3A_5, %add3A_310 : vector<16xi32>
      %add3A_312 = arith.constant 1400000 : i32
      %add3A_313 = vector.broadcast %add3A_312 : i32 to vector<16xi32>
      %add3A_314 = arith.addi %add3A_207, %add3A_313 : vector<16xi32>
      tpu.vector_store_idx %arg9[%add3A_311], %add3A_314 : memref<16384xi32, #tpu.memory_space<vmem>>[vector<16xi32>], vector<16xi32>,
      %add3A_315 = arith.constant 15 : i32
      %add3A_316 = arith.addi %mul3A_209, %add3A_315 : i32
      %add3A_317 = vector.broadcast %add3A_316 : i32 to vector<16xi32>
      %add3A_318 = arith.addi %mul3A_5, %add3A_317 : vector<16xi32>
      %add3A_319 = arith.constant 1500000 : i32
      %add3A_320 = vector.broadcast %add3A_319 : i32 to vector<16xi32>
      %add3A_321 = arith.addi %add3A_207, %add3A_320 : vector<16xi32>
      tpu.vector_store_idx %arg9[%add3A_318], %add3A_321 : memref<16384xi32, #tpu.memory_space<vmem>>[vector<16xi32>], vector<16xi32>,
      %scan3A_322 = arith.constant 0 : i32
      scf.yield %scan3A_322 : i32
    }
    %scan3A_168 = arith.constant 64 : i32
    %dma_wait3A_169 = arith.constant 0 : i32
    %dma_wait3A_170 = tpu.memref_slice %arg2[%dma_wait3A_169] : memref<166400000xf32, #tpu.memory_space<hbm>> -> memref<166400000xf32, #tpu.memory_space<hbm>>
    tpu.wait_indirect_dma semaphore(%arg12 : memref<!tpu.dma_semaphore, #tpu.memory_space<semaphore_mem>>) src(%dma_wait3A_170 : memref<166400000xf32, #tpu.memory_space<hbm>>) dst(%arg10 : memref<16384xf32, #tpu.memory_space<vmem>>)
    %dma_start3A_171 = arith.constant 0 : i32
    %dma_start3A_172 = tpu.memref_slice %arg2[%dma_start3A_171] : memref<166400000xf32, #tpu.memory_space<hbm>> -> memref<166400000xf32, #tpu.memory_space<hbm>>
    tpu.enqueue_indirect_dma source(%dma_start3A_172 : memref<166400000xf32, #tpu.memory_space<hbm>>) target(%arg11 : memref<16384xf32, #tpu.memory_space<vmem>>) offsets(%arg9 : memref<16384xi32, #tpu.memory_space<vmem>>) semaphore(%arg13 : memref<!tpu.dma_semaphore, #tpu.memory_space<semaphore_mem>>)
    %add3A_173 = arith.constant 10240 : i32
    %add3A_174 = arith.addi %mul3A_2, %add3A_173 : i32
    %mul3A_175 = arith.constant 16 : i32
    %mul3A_176 = arith.muli %add3A_174, %mul3A_175 : i32
    "tpu.region"() ({
      %run_scoped3A = tpu.sem_alloc : memref<!tpu.dma_semaphore, #tpu.memory_space<semaphore_mem>>
      %dma_start3A_198 = tpu.memref_slice %arg5[%mul3A_176] : memref<6815744xf32, #tpu.memory_space<hbm>> -> memref<16384xf32, #tpu.memory_space<hbm>>
      %dma_start3A_199 = tpu.memref_slice %arg5[%mul3A_176] : memref<6815744xf32, #tpu.memory_space<hbm>> -> memref<16384xf32, #tpu.memory_space<hbm>>
      tpu.enqueue_dma source(%arg10 : memref<16384xf32, #tpu.memory_space<vmem>>) target(%dma_start3A_199 : memref<16384xf32, #tpu.memory_space<hbm>>) target_semaphore(%run_scoped3A : memref<!tpu.dma_semaphore, #tpu.memory_space<semaphore_mem>>)
      %dma_wait3A_200 = tpu.memref_slice %arg5[%mul3A_176] : memref<6815744xf32, #tpu.memory_space<hbm>> -> memref<16384xf32, #tpu.memory_space<hbm>>
      %dma_wait3A_201 = tpu.memref_slice %arg5[%mul3A_176] : memref<6815744xf32, #tpu.memory_space<hbm>> -> memref<16384xf32, #tpu.memory_space<hbm>>
      tpu.wait_dma2 semaphore(%run_scoped3A : memref<!tpu.dma_semaphore, #tpu.memory_space<semaphore_mem>>) src(%arg10 : memref<16384xf32, #tpu.memory_space<vmem>>) dst(%dma_wait3A_201 : memref<16384xf32, #tpu.memory_space<hbm>>)
      tpu.yield
    }) : () -> ()
    %scan3A_177 = arith.constant 0 : i32
    %scan3A_178 = arith.constant 0 : i32
    %scan3A_179 = arith.constant 64 : i32
    %scan3A_180 = arith.addi %scan3A_178, %scan3A_179 : i32
    %scan3A_181 = arith.constant 1 : i32
    %scan3A_182 = scf.for %scan3A_198 = %scan3A_178 to %scan3A_180 step %scan3A_181 iter_args(%scan3A_199 = %scan3A_177) -> (i32)  : i32 {
      %mul3A_200 = arith.constant 16 : i32
      %mul3A_201 = arith.muli %scan3A_198, %mul3A_200 : i32
      %add3A_202 = arith.constant 12288 : i32
      %add3A_203 = arith.addi %add3A_202, %mul3A_201 : i32
      %get3A = arith.index_cast %add3A_203 : i32 to index
      %get3A_204 = tpu.vector_load %arg6[%get3A] {strides = array<i32>} : memref<13312xi32, #tpu.memory_space<vmem>>, vector<16xi32>,
      %get3A_205 = arith.index_cast %add3A_203 : i32 to index
      %get3A_206 = tpu.vector_load %arg7[%get3A_205] {strides = array<i32>} : memref<13312xi32, #tpu.memory_space<vmem>>, vector<16xi32>,
      %add3A_207 = arith.addi %get3A_204, %get3A_206 : vector<16xi32>
      %mul3A_208 = arith.constant 256 : i32
      %mul3A_209 = arith.muli %scan3A_198, %mul3A_208 : i32
      %add3A_210 = arith.constant 0 : i32
      %add3A_211 = arith.addi %mul3A_209, %add3A_210 : i32
      %add3A_212 = vector.broadcast %add3A_211 : i32 to vector<16xi32>
      %add3A_213 = arith.addi %mul3A_5, %add3A_212 : vector<16xi32>
      %add3A_214 = arith.constant 0 : i32
      %add3A_215 = vector.broadcast %add3A_214 : i32 to vector<16xi32>
      %add3A_216 = arith.addi %add3A_207, %add3A_215 : vector<16xi32>
      tpu.vector_store_idx %arg8[%add3A_213], %add3A_216 : memref<16384xi32, #tpu.memory_space<vmem>>[vector<16xi32>], vector<16xi32>,
      %add3A_217 = arith.constant 1 : i32
      %add3A_218 = arith.addi %mul3A_209, %add3A_217 : i32
      %add3A_219 = vector.broadcast %add3A_218 : i32 to vector<16xi32>
      %add3A_220 = arith.addi %mul3A_5, %add3A_219 : vector<16xi32>
      %add3A_221 = arith.constant 100000 : i32
      %add3A_222 = vector.broadcast %add3A_221 : i32 to vector<16xi32>
      %add3A_223 = arith.addi %add3A_207, %add3A_222 : vector<16xi32>
      tpu.vector_store_idx %arg8[%add3A_220], %add3A_223 : memref<16384xi32, #tpu.memory_space<vmem>>[vector<16xi32>], vector<16xi32>,
      %add3A_224 = arith.constant 2 : i32
      %add3A_225 = arith.addi %mul3A_209, %add3A_224 : i32
      %add3A_226 = vector.broadcast %add3A_225 : i32 to vector<16xi32>
      %add3A_227 = arith.addi %mul3A_5, %add3A_226 : vector<16xi32>
      %add3A_228 = arith.constant 200000 : i32
      %add3A_229 = vector.broadcast %add3A_228 : i32 to vector<16xi32>
      %add3A_230 = arith.addi %add3A_207, %add3A_229 : vector<16xi32>
      tpu.vector_store_idx %arg8[%add3A_227], %add3A_230 : memref<16384xi32, #tpu.memory_space<vmem>>[vector<16xi32>], vector<16xi32>,
      %add3A_231 = arith.constant 3 : i32
      %add3A_232 = arith.addi %mul3A_209, %add3A_231 : i32
      %add3A_233 = vector.broadcast %add3A_232 : i32 to vector<16xi32>
      %add3A_234 = arith.addi %mul3A_5, %add3A_233 : vector<16xi32>
      %add3A_235 = arith.constant 300000 : i32
      %add3A_236 = vector.broadcast %add3A_235 : i32 to vector<16xi32>
      %add3A_237 = arith.addi %add3A_207, %add3A_236 : vector<16xi32>
      tpu.vector_store_idx %arg8[%add3A_234], %add3A_237 : memref<16384xi32, #tpu.memory_space<vmem>>[vector<16xi32>], vector<16xi32>,
      %add3A_238 = arith.constant 4 : i32
      %add3A_239 = arith.addi %mul3A_209, %add3A_238 : i32
      %add3A_240 = vector.broadcast %add3A_239 : i32 to vector<16xi32>
      %add3A_241 = arith.addi %mul3A_5, %add3A_240 : vector<16xi32>
      %add3A_242 = arith.constant 400000 : i32
      %add3A_243 = vector.broadcast %add3A_242 : i32 to vector<16xi32>
      %add3A_244 = arith.addi %add3A_207, %add3A_243 : vector<16xi32>
      tpu.vector_store_idx %arg8[%add3A_241], %add3A_244 : memref<16384xi32, #tpu.memory_space<vmem>>[vector<16xi32>], vector<16xi32>,
      %add3A_245 = arith.constant 5 : i32
      %add3A_246 = arith.addi %mul3A_209, %add3A_245 : i32
      %add3A_247 = vector.broadcast %add3A_246 : i32 to vector<16xi32>
      %add3A_248 = arith.addi %mul3A_5, %add3A_247 : vector<16xi32>
      %add3A_249 = arith.constant 500000 : i32
      %add3A_250 = vector.broadcast %add3A_249 : i32 to vector<16xi32>
      %add3A_251 = arith.addi %add3A_207, %add3A_250 : vector<16xi32>
      tpu.vector_store_idx %arg8[%add3A_248], %add3A_251 : memref<16384xi32, #tpu.memory_space<vmem>>[vector<16xi32>], vector<16xi32>,
      %add3A_252 = arith.constant 6 : i32
      %add3A_253 = arith.addi %mul3A_209, %add3A_252 : i32
      %add3A_254 = vector.broadcast %add3A_253 : i32 to vector<16xi32>
      %add3A_255 = arith.addi %mul3A_5, %add3A_254 : vector<16xi32>
      %add3A_256 = arith.constant 600000 : i32
      %add3A_257 = vector.broadcast %add3A_256 : i32 to vector<16xi32>
      %add3A_258 = arith.addi %add3A_207, %add3A_257 : vector<16xi32>
      tpu.vector_store_idx %arg8[%add3A_255], %add3A_258 : memref<16384xi32, #tpu.memory_space<vmem>>[vector<16xi32>], vector<16xi32>,
      %add3A_259 = arith.constant 7 : i32
      %add3A_260 = arith.addi %mul3A_209, %add3A_259 : i32
      %add3A_261 = vector.broadcast %add3A_260 : i32 to vector<16xi32>
      %add3A_262 = arith.addi %mul3A_5, %add3A_261 : vector<16xi32>
      %add3A_263 = arith.constant 700000 : i32
      %add3A_264 = vector.broadcast %add3A_263 : i32 to vector<16xi32>
      %add3A_265 = arith.addi %add3A_207, %add3A_264 : vector<16xi32>
      tpu.vector_store_idx %arg8[%add3A_262], %add3A_265 : memref<16384xi32, #tpu.memory_space<vmem>>[vector<16xi32>], vector<16xi32>,
      %add3A_266 = arith.constant 8 : i32
      %add3A_267 = arith.addi %mul3A_209, %add3A_266 : i32
      %add3A_268 = vector.broadcast %add3A_267 : i32 to vector<16xi32>
      %add3A_269 = arith.addi %mul3A_5, %add3A_268 : vector<16xi32>
      %add3A_270 = arith.constant 800000 : i32
      %add3A_271 = vector.broadcast %add3A_270 : i32 to vector<16xi32>
      %add3A_272 = arith.addi %add3A_207, %add3A_271 : vector<16xi32>
      tpu.vector_store_idx %arg8[%add3A_269], %add3A_272 : memref<16384xi32, #tpu.memory_space<vmem>>[vector<16xi32>], vector<16xi32>,
      %add3A_273 = arith.constant 9 : i32
      %add3A_274 = arith.addi %mul3A_209, %add3A_273 : i32
      %add3A_275 = vector.broadcast %add3A_274 : i32 to vector<16xi32>
      %add3A_276 = arith.addi %mul3A_5, %add3A_275 : vector<16xi32>
      %add3A_277 = arith.constant 900000 : i32
      %add3A_278 = vector.broadcast %add3A_277 : i32 to vector<16xi32>
      %add3A_279 = arith.addi %add3A_207, %add3A_278 : vector<16xi32>
      tpu.vector_store_idx %arg8[%add3A_276], %add3A_279 : memref<16384xi32, #tpu.memory_space<vmem>>[vector<16xi32>], vector<16xi32>,
      %add3A_280 = arith.constant 10 : i32
      %add3A_281 = arith.addi %mul3A_209, %add3A_280 : i32
      %add3A_282 = vector.broadcast %add3A_281 : i32 to vector<16xi32>
      %add3A_283 = arith.addi %mul3A_5, %add3A_282 : vector<16xi32>
      %add3A_284 = arith.constant 1000000 : i32
      %add3A_285 = vector.broadcast %add3A_284 : i32 to vector<16xi32>
      %add3A_286 = arith.addi %add3A_207, %add3A_285 : vector<16xi32>
      tpu.vector_store_idx %arg8[%add3A_283], %add3A_286 : memref<16384xi32, #tpu.memory_space<vmem>>[vector<16xi32>], vector<16xi32>,
      %add3A_287 = arith.constant 11 : i32
      %add3A_288 = arith.addi %mul3A_209, %add3A_287 : i32
      %add3A_289 = vector.broadcast %add3A_288 : i32 to vector<16xi32>
      %add3A_290 = arith.addi %mul3A_5, %add3A_289 : vector<16xi32>
      %add3A_291 = arith.constant 1100000 : i32
      %add3A_292 = vector.broadcast %add3A_291 : i32 to vector<16xi32>
      %add3A_293 = arith.addi %add3A_207, %add3A_292 : vector<16xi32>
      tpu.vector_store_idx %arg8[%add3A_290], %add3A_293 : memref<16384xi32, #tpu.memory_space<vmem>>[vector<16xi32>], vector<16xi32>,
      %add3A_294 = arith.constant 12 : i32
      %add3A_295 = arith.addi %mul3A_209, %add3A_294 : i32
      %add3A_296 = vector.broadcast %add3A_295 : i32 to vector<16xi32>
      %add3A_297 = arith.addi %mul3A_5, %add3A_296 : vector<16xi32>
      %add3A_298 = arith.constant 1200000 : i32
      %add3A_299 = vector.broadcast %add3A_298 : i32 to vector<16xi32>
      %add3A_300 = arith.addi %add3A_207, %add3A_299 : vector<16xi32>
      tpu.vector_store_idx %arg8[%add3A_297], %add3A_300 : memref<16384xi32, #tpu.memory_space<vmem>>[vector<16xi32>], vector<16xi32>,
      %add3A_301 = arith.constant 13 : i32
      %add3A_302 = arith.addi %mul3A_209, %add3A_301 : i32
      %add3A_303 = vector.broadcast %add3A_302 : i32 to vector<16xi32>
      %add3A_304 = arith.addi %mul3A_5, %add3A_303 : vector<16xi32>
      %add3A_305 = arith.constant 1300000 : i32
      %add3A_306 = vector.broadcast %add3A_305 : i32 to vector<16xi32>
      %add3A_307 = arith.addi %add3A_207, %add3A_306 : vector<16xi32>
      tpu.vector_store_idx %arg8[%add3A_304], %add3A_307 : memref<16384xi32, #tpu.memory_space<vmem>>[vector<16xi32>], vector<16xi32>,
      %add3A_308 = arith.constant 14 : i32
      %add3A_309 = arith.addi %mul3A_209, %add3A_308 : i32
      %add3A_310 = vector.broadcast %add3A_309 : i32 to vector<16xi32>
      %add3A_311 = arith.addi %mul3A_5, %add3A_310 : vector<16xi32>
      %add3A_312 = arith.constant 1400000 : i32
      %add3A_313 = vector.broadcast %add3A_312 : i32 to vector<16xi32>
      %add3A_314 = arith.addi %add3A_207, %add3A_313 : vector<16xi32>
      tpu.vector_store_idx %arg8[%add3A_311], %add3A_314 : memref<16384xi32, #tpu.memory_space<vmem>>[vector<16xi32>], vector<16xi32>,
      %add3A_315 = arith.constant 15 : i32
      %add3A_316 = arith.addi %mul3A_209, %add3A_315 : i32
      %add3A_317 = vector.broadcast %add3A_316 : i32 to vector<16xi32>
      %add3A_318 = arith.addi %mul3A_5, %add3A_317 : vector<16xi32>
      %add3A_319 = arith.constant 1500000 : i32
      %add3A_320 = vector.broadcast %add3A_319 : i32 to vector<16xi32>
      %add3A_321 = arith.addi %add3A_207, %add3A_320 : vector<16xi32>
      tpu.vector_store_idx %arg8[%add3A_318], %add3A_321 : memref<16384xi32, #tpu.memory_space<vmem>>[vector<16xi32>], vector<16xi32>,
      %scan3A_322 = arith.constant 0 : i32
      scf.yield %scan3A_322 : i32
    }
    %scan3A_183 = arith.constant 64 : i32
    %dma_wait3A_184 = arith.constant 0 : i32
    %dma_wait3A_185 = tpu.memref_slice %arg2[%dma_wait3A_184] : memref<166400000xf32, #tpu.memory_space<hbm>> -> memref<166400000xf32, #tpu.memory_space<hbm>>
    tpu.wait_indirect_dma semaphore(%arg13 : memref<!tpu.dma_semaphore, #tpu.memory_space<semaphore_mem>>) src(%dma_wait3A_185 : memref<166400000xf32, #tpu.memory_space<hbm>>) dst(%arg11 : memref<16384xf32, #tpu.memory_space<vmem>>)
    %dma_start3A_186 = arith.constant 0 : i32
    %dma_start3A_187 = tpu.memref_slice %arg2[%dma_start3A_186] : memref<166400000xf32, #tpu.memory_space<hbm>> -> memref<166400000xf32, #tpu.memory_space<hbm>>
    tpu.enqueue_indirect_dma source(%dma_start3A_187 : memref<166400000xf32, #tpu.memory_space<hbm>>) target(%arg10 : memref<16384xf32, #tpu.memory_space<vmem>>) offsets(%arg8 : memref<16384xi32, #tpu.memory_space<vmem>>) semaphore(%arg12 : memref<!tpu.dma_semaphore, #tpu.memory_space<semaphore_mem>>)
    %add3A_188 = arith.constant 11264 : i32
    %add3A_189 = arith.addi %mul3A_2, %add3A_188 : i32
    %mul3A_190 = arith.constant 16 : i32
    %mul3A_191 = arith.muli %add3A_189, %mul3A_190 : i32
    "tpu.region"() ({
      %run_scoped3A = tpu.sem_alloc : memref<!tpu.dma_semaphore, #tpu.memory_space<semaphore_mem>>
      %dma_start3A_198 = tpu.memref_slice %arg5[%mul3A_191] : memref<6815744xf32, #tpu.memory_space<hbm>> -> memref<16384xf32, #tpu.memory_space<hbm>>
      %dma_start3A_199 = tpu.memref_slice %arg5[%mul3A_191] : memref<6815744xf32, #tpu.memory_space<hbm>> -> memref<16384xf32, #tpu.memory_space<hbm>>
      tpu.enqueue_dma source(%arg11 : memref<16384xf32, #tpu.memory_space<vmem>>) target(%dma_start3A_199 : memref<16384xf32, #tpu.memory_space<hbm>>) target_semaphore(%run_scoped3A : memref<!tpu.dma_semaphore, #tpu.memory_space<semaphore_mem>>)
      %dma_wait3A_200 = tpu.memref_slice %arg5[%mul3A_191] : memref<6815744xf32, #tpu.memory_space<hbm>> -> memref<16384xf32, #tpu.memory_space<hbm>>
      %dma_wait3A_201 = tpu.memref_slice %arg5[%mul3A_191] : memref<6815744xf32, #tpu.memory_space<hbm>> -> memref<16384xf32, #tpu.memory_space<hbm>>
      tpu.wait_dma2 semaphore(%run_scoped3A : memref<!tpu.dma_semaphore, #tpu.memory_space<semaphore_mem>>) src(%arg11 : memref<16384xf32, #tpu.memory_space<vmem>>) dst(%dma_wait3A_201 : memref<16384xf32, #tpu.memory_space<hbm>>)
      tpu.yield
    }) : () -> ()
    %dma_wait3A_192 = arith.constant 0 : i32
    %dma_wait3A_193 = tpu.memref_slice %arg2[%dma_wait3A_192] : memref<166400000xf32, #tpu.memory_space<hbm>> -> memref<166400000xf32, #tpu.memory_space<hbm>>
    tpu.wait_indirect_dma semaphore(%arg12 : memref<!tpu.dma_semaphore, #tpu.memory_space<semaphore_mem>>) src(%dma_wait3A_193 : memref<166400000xf32, #tpu.memory_space<hbm>>) dst(%arg10 : memref<16384xf32, #tpu.memory_space<vmem>>)
    %add3A_194 = arith.constant 12288 : i32
    %add3A_195 = arith.addi %mul3A_2, %add3A_194 : i32
    %mul3A_196 = arith.constant 16 : i32
    %mul3A_197 = arith.muli %add3A_195, %mul3A_196 : i32
    "tpu.region"() ({
      %run_scoped3A = tpu.sem_alloc : memref<!tpu.dma_semaphore, #tpu.memory_space<semaphore_mem>>
      %dma_start3A_198 = tpu.memref_slice %arg5[%mul3A_197] : memref<6815744xf32, #tpu.memory_space<hbm>> -> memref<16384xf32, #tpu.memory_space<hbm>>
      %dma_start3A_199 = tpu.memref_slice %arg5[%mul3A_197] : memref<6815744xf32, #tpu.memory_space<hbm>> -> memref<16384xf32, #tpu.memory_space<hbm>>
      tpu.enqueue_dma source(%arg10 : memref<16384xf32, #tpu.memory_space<vmem>>) target(%dma_start3A_199 : memref<16384xf32, #tpu.memory_space<hbm>>) target_semaphore(%run_scoped3A : memref<!tpu.dma_semaphore, #tpu.memory_space<semaphore_mem>>)
      %dma_wait3A_200 = tpu.memref_slice %arg5[%mul3A_197] : memref<6815744xf32, #tpu.memory_space<hbm>> -> memref<16384xf32, #tpu.memory_space<hbm>>
      %dma_wait3A_201 = tpu.memref_slice %arg5[%mul3A_197] : memref<6815744xf32, #tpu.memory_space<hbm>> -> memref<16384xf32, #tpu.memory_space<hbm>>
      tpu.wait_dma2 semaphore(%run_scoped3A : memref<!tpu.dma_semaphore, #tpu.memory_space<semaphore_mem>>) src(%arg10 : memref<16384xf32, #tpu.memory_space<vmem>>) dst(%dma_wait3A_201 : memref<16384xf32, #tpu.memory_space<hbm>>)
      tpu.yield
    }) : () -> ()
    return
  }
}

</mosaic_0001>

<sc_bundles>
// kernel: kernel.3.cloned.1.call-start
scs
__scs_entry_jumppad:
0x0: {  	(pc) =	sbr.rel $0x88, $3  }
0x1: {  	(tag) =	ssettag $0x0;
	lr =	simm.s32 $0x1  }
0x2: {  	[smem:$0x3F9F] =	sst lr;
	_ =	strace $0xD0000000  }
0x3: {  	_ = 	snop  }
0x4: {  	_ = 	snop  }
0x5: {  	_ = 	snop  }
0x6: {  	_ = 	snop  }
0x7: {  	_ = 	snop  }
__scs_overlays_trampoline_lowered:
0x8: {  	[smem:$0x3FAE] =	sst s0  }
0x9: {  	[smem:$0x3FAF] =	sst s1  }
0xa: {  	[smem:$0x3FB0] =	sst s2  }
0xb: {  	[smem:$0x3FB1] =	sst s3  }
0xc: {  	[smem:$0x3FB2] =	sst s4  }
0xd: {  	[smem:$0x3FB3] =	sst s5  }
0xe: {  	[smem:$0x3FB4] =	sst s6  }
0xf: {  	[smem:$0x3FB5] =	sst s7  }
0x10: {  	[smem:$0x3FB6] =	sst s8  }
0x11: {  	[smem:$0x3FB7] =	sst s9;
	s0 =	simm.s32 @!p0 $0x0  }
0x12: {  	s1 =	sld [smem:$0x3F9D];
	s0 =	simm.s32 @p0 $0x1  }
0x13: {  	[smem:$0x3FB8] =	sst s0;
	s0 =	simm.s32 @!p1 $0x0  }
0x14: {  	s2 =	sld [smem:$0x3F9C];
	s0 =	simm.s32 @p1 $0x1  }
0x15: {  	[smem:$0x3FB9] =	sst s0;
	s0 =	simm.s32 @!p2 $0x0  }
0x16: {  	s3 =	sld [smem:$0x3FDB];
	s0 =	simm.s32 @p2 $0x1  }
0x17: {  	s4 =	simm.s32 $0x1BF5;
	[smem:$0x3FBB] =	sst s0  }
0x18: {  	s0 =	sld [smem:$0x3F9E];
	_ =	swait.ge [sflag:s4], $0x0  }
0x19: {  	s7 =	sld [smem:$0x3F9F]  }
0x1a: {  	s8 =	sadd.s32 $0xFFFFE003, lr  }
0x1b: {  	s9 =	sadd.s32 $0xFFFFFEF7, lr;
	s5 =	simm.s32 $0xFFFFFFFF;
	p2 =	slt.u32 s8, $0xFFFFF086  }
0x1c: {  	p1 =	slt.u32 s9, $0xF7A;
	s5 =	simm.s32 @!p2 $0x0  }
0x1d: {  	s5 =	simm.s32 @p1 $0x1;
	p0 =	seq.s32 s7, s2  }
0x1e: {  	s7 =	smul.u32 @!p0 $0xF7A, s2;
	p2 =	seq.s32 @!p0 s5, $0x0  }
0x1f: {  	s9 =	smul.u32 $0xF7A, s1;
	s8 =	simm.s32 @!p0 $0x1BF5;
	p2 =	por !p2, p0  }
0x20: {  	[sflag:s8] =	ssyncset.s32 @!p0 $0xFFFFF086;
	s6 =	sadd.s32 @!p0 s3, s7;
	s7 =	simm.s32 @!p0 $0x108  }
0x21: {  	s3 =	sadd.s32 s3, s9;
	s6 =	sadd.s32 @!p0 $0x88, s6;
	s7 =	simm.s32 @p2 $0x1082  }
0x22: {  	[simem:s7], [sflag:s8] =	dma.local @!p0 [hbm:s6], $0xF7A  }
0x23: {  	s9 =	sor.u32 $0xD0000000, s2;
	s6 =	simm.s32 $0x108;
	_ =	swait.ge @!p0 [sflag:s8], $0x0  }
0x24: {  	s3 =	sadd.s32 $0x88, s3;
	s6 =	simm.s32 @!p1 $0x1082;
	[sflag:s4] =	ssyncset.s32 $0xFFFFF086  }
0x25: {  	[simem:s6], [sflag:s4] =	dma.local [hbm:s3], $0xF7A  }
0x26: {  	[smem:$0x3F9F] =	sst s1;
	(tag) =	ssettag s2;
	_ =	strace s9  }
0x27: {  	s1 =	sld [smem:$0x3FAF]  }
0x28: {  	s2 =	sld [smem:$0x3FB0]  }
0x29: {  	s4 =	sld [smem:$0x3FB2]  }
0x2a: {  	p0 =	seq.s32 s5, $0x0;
	s5 =	sld [smem:$0x3FB3]  }
0x2b: {  	s6 =	sld [smem:$0x3FB4]  }
0x2c: {  	s7 =	sld [smem:$0x3FB5]  }
0x2d: {  	s3 =	simm.s32 $0x108;
	s8 =	sld [smem:$0x3FB6]  }
0x2e: {  	s3 =	simm.s32 @!p0 $0x1082;
	s9 =	sld [smem:$0x3FB7]  }
0x2f: {  	lr =	sadd.s32 s0, s3;
	s0 =	sld [smem:$0x3FAE]  }
0x30: {  	s3 =	sld [smem:$0x3FB1]  }
0x31: {  	[smem:$0x3FBA] =	sst s10  }
0x32: {  	s10 =	sld [smem:$0x3FB8];
	_ =	sdelay $0x3  }
0x33: {  	p0 =	seq.s32 s10, $0x1;
	s10 =	sld [smem:$0x3FBA];
	_ =	sdelay $0x3  }
0x34: {  	[smem:$0x3FBA] =	sst s10  }
0x35: {  	s10 =	sld [smem:$0x3FB9];
	_ =	sdelay $0x3  }
0x36: {  	p1 =	seq.s32 s10, $0x1;
	s10 =	sld [smem:$0x3FBA];
	_ =	sdelay $0x3  }
0x37: {  	[smem:$0x3FBA] =	sst s10  }
0x38: {  	s10 =	sld [smem:$0x3FBB]  }
0x39: {  	_ = 	snop;
	(pc) =	sbr.ind lr, $3  }
0x3a: {  	_ = 	snop  }
0x3b: {  	_ = 	snop  }
0x3c: {  	p2 =	seq.s32 s10, $0x1;
	s10 =	sld [smem:$0x3FBA]  }
0x3d: {  	_ =	shalt  }
0x3e: {  	_ =	shalt  }
0x3f: {  	_ =	shalt  }
0x40: {  	_ =	shalt  }
0x41: {  	_ =	shalt  }
0x42: {  	_ =	shalt  }
0x43: {  	_ =	shalt  }
0x44: {  	_ =	shalt  }
0x45: {  	_ =	shalt  }
0x46: {  	_ =	shalt  }
0x47: {  	_ =	shalt  }
0x48: {  	_ =	shalt  }
0x49: {  	_ =	shalt  }
0x4a: {  	_ =	shalt  }
0x4b: {  	_ =	shalt  }
0x4c: {  	_ =	shalt  }
0x4d: {  	_ =	shalt  }
0x4e: {  	_ =	shalt  }
0x4f: {  	_ =	shalt  }
0x50: {  	_ =	shalt  }
0x51: {  	_ =	shalt  }
0x52: {  	_ =	shalt  }
0x53: {  	_ =	shalt  }
0x54: {  	_ =	shalt  }
0x55: {  	_ =	shalt  }
0x56: {  	_ =	shalt  }
0x57: {  	_ =	shalt  }
0x58: {  	_ =	shalt  }
0x59: {  	_ =	shalt  }
0x5a: {  	_ =	shalt  }
0x5b: {  	_ =	shalt  }
0x5c: {  	_ =	shalt  }
0x5d: {  	_ =	shalt  }
0x5e: {  	_ =	shalt  }
0x5f: {  	_ =	shalt  }
0x60: {  	_ =	shalt  }
0x61: {  	_ =	shalt  }
0x62: {  	_ =	shalt  }
0x63: {  	_ =	shalt  }
0x64: {  	_ =	shalt  }
0x65: {  	_ =	shalt  }
0x66: {  	_ =	shalt  }
0x67: {  	_ =	shalt  }
0x68: {  	_ =	shalt  }
0x69: {  	_ =	shalt  }
0x6a: {  	_ =	shalt  }
0x6b: {  	_ =	shalt  }
0x6c: {  	_ =	shalt  }
0x6d: {  	_ =	shalt  }
0x6e: {  	_ =	shalt  }
0x6f: {  	_ =	shalt  }
0x70: {  	_ =	shalt  }
0x71: {  	_ =	shalt  }
0x72: {  	_ =	shalt  }
0x73: {  	_ =	shalt  }
0x74: {  	_ =	shalt  }
0x75: {  	_ =	shalt  }
0x76: {  	_ =	shalt  }
0x77: {  	_ =	shalt  }
0x78: {  	_ =	shalt  }
0x79: {  	_ =	shalt  }
0x7a: {  	_ =	shalt  }
0x7b: {  	_ =	shalt  }
0x7c: {  	_ =	shalt  }
0x7d: {  	_ =	shalt  }
0x7e: {  	_ =	shalt  }
0x7f: {  	_ =	shalt  }
0x80: {  	_ =	shalt  }
0x81: {  	_ =	shalt  }
0x82: {  	_ =	shalt  }
0x83: {  	_ =	shalt  }
0x84: {  	_ =	shalt  }
0x85: {  	_ =	shalt  }
0x86: {  	_ =	shalt  }
0x87: {  	_ =	shalt  }
.Lfunc_end0:
.L_simem_size_0:
called_computation_lowered:
.L_overlay_start_0:
0x88: {  	s2 =	sld [smem:$0x3FD9]  }
0x89: {  	s3 =	sld [smem:$0x3FFE];
	_ =	sdelay $0x1  }
0x8a: {  	s1 =	srdreg.scid  }
0x8b: {  	s0 =	sand.u32 $0x1, s1  }
0x8c: {  	s17 =	sshll.u32 s0, $0xA;
	s2 =	sadd.s32 s3, s2  }
0x8d: {  	s2 =	sadd.s32 s2, s17  }
0x8e: {  	[smem:$0x3FC6] =	sst s2  }
0x8f: {  	_ = 	snop  }
0x90: {  	s2 =	sld [smem:$0x3FD0];
	(tm) =	ssettm $0x1  }
0x91: {  	s18 =	sld [smem:$0x3FFB];
	_ =	sdelay $0x3  }
0x92: {  	_ =	strace s18  }
0x93: {  	s3 =	sld [smem:$0x3FFC];
	_ =	sdelay $0x3  }
0x94: {  	_ =	strace s3  }
0x95: {  	s3 =	sld [smem:$0x3FFD];
	_ =	sdelay $0x3  }
0x96: {  	_ =	strace s3  }
0x97: {  	_ =	strace $0x8FFFFFFF  }
0x98: {  	s19 =	sld [smem:$0x3FDB];
	_ =	sdelay $0x1  }
0x99: {  	s4 =	simm.s32 $_scs_section_size  }
0x9a: {  	s5 =	simm.s32 $_size__tile_overlayer_lowered;
	s6 =	simm.s32 $_tile_overlayer_lowered  }
0x9b: {  	s22 =	simm.s32 $0x1BFF;
	s21 =	sshll.u32 s6, $0x1;
	s3 =	sadd.s32 s4, s19  }
0x9c: {  	s7 =	simm.s32 $0x0;
	s20 =	sshll.u32 s5, $0x1;
	s5 =	sadd.s32 s21, s3  }
0x9d: {  	[timem:s7], [sflag:s22] =	dma.local [hbm:s5], s20  }
0x9e: {  	_ =	swait.ge [sflag:s22], s20  }
0x9f: {  	s4 =	ssub.s32 $0x0, s20;
	[sflag:s22] =	ssyncset.done $0x0  }
0xa0: {  	[sflag:s22] =	ssyncadd.s32 s4;
	_ =	sdelay $0x1  }
0xa1: {  	s23 =	simm.s32 $0x1B8B  }
0xa2: {  	_ =	swait.ge [sflag:s23], $0x1  }
0xa3: {  	[sflag:s23] =	ssyncset.done $0x0  }
0xa4: {  	s25 =	simm.s32 $0x1B8E;
	s24 =	sld [smem:$0x3FFE];
	[sflag:s23] =	ssyncadd.s32 $0xFFFFFFFF  }
0xa5: {  	s26 =	simm.s32 $execute0_lowered;
	[smem:$0x3FD2] =	sst s25  }
0xa6: {  	s5 =	sshll.u32 s26, $0x1;
	_ =	strace $0x80000046;
	[dreg:$0x1] =	wrdreg $0xFFFFFFFF  }
0xa7: {  	s28 =	simm.s32 $_size_execute0_lowered;
	s3 =	sadd.s32 s3, s5;
	[dreg:$0x0] =	wrdreg $0x0  }
0xa8: {  	s5 =	sshll.u32 s28, $0x1;
	[dreg:$0x2] =	wrdreg s3  }
0xa9: {  	[dreg:$0x3] =	wrdreg s5  }
0xaa: {  	[dreg:$0x4] =	wrdreg $0xC0  }
0xab: {  	_ =	task [dreg:s7], $0x5FFFF  }
0xac: {  	[dreg:$0x1] =	wrdreg $0xFFFFFFFF  }
0xad: {  	[dreg:$0x0] =	wrdreg $0x60  }
0xae: {  	[dreg:$0x2] =	wrdreg s24  }
0xaf: {  	[dreg:$0x3] =	wrdreg s2  }
0xb0: {  	[dreg:$0x4] =	wrdreg $0x9  }
0xb1: {  	_ =	task.clear_ibuf [dreg:s7], $0x5FFFF;
	_ =	strace $0x90000046  }
0xb2: {  	s29 =	simm.s32 $0x9;
	_ =	strace $0x80000048  }
0xb3: {  	_ =	swait.ge [sflag:s29], $0x1  }
0xb4: {  	[sflag:s29] =	ssyncadd.s32 $0xFFFFFFFF  }
0xb5: {  	_ =	strace $0x90000048  }
0xb6: {  	_ =	sfence  }
0xb7: {  	s30 =	sld [smem:$0x0];
	_ =	sdelay $0x2  }
0xb8: {  	s31 =	sshll.u32 s1, $0xD;
	s1 =	sshrl.u32 s1, $0x2  }
0xb9: {  	s3 =	sand.u32 $0x4000, s31;
	s1 =	sadd.s32 s1, s30  }
0xba: {  	s0 =	sor.u32 s3, s0;
	s1 =	sshll.u32 s1, $0x11  }
0xbb: {  	s0 =	sor.u32 s1, s0  }
0xbc: {  	s0 =	sadd.s32 $0x8F2B, s0  }
0xbd: {  	[sflag:s0] =	ssyncadd.remote.s32 $0x1  }
0xbe: {  	_ =	sfence.sel $0xFFFF  }
0xbf: {  	[dreg:$0x0] =	wrdreg $0xFFFFFFFF;
	(pc) =	sbr.abs _section_cstart, $3  }
0xc0: {  	[dreg:$0x1] =	wrdreg $0xFFFFFFFF  }
0xc1: {  	_ =	task.clear_ibuf [dreg:s7], $0x2FFFF;
	_ =	strace $0x9FFFFFFF  }
0xc2: {  	(tm) =	ssettm $0x7FFFFFFF  }
0xc3: {  	_ =	shalt  }
tec
execute0_lowered:
.L_overlay_start_1:
0x0: {  	(tag) =	ssettag $0x1  }
0x1: {  	s0 =	rddreg [dreg:$0x0];
	s1 =	srdreg.scid  }
0x2: {  	s2 =	stileid.u32;
	s6 =	rddreg [dreg:$0x1]  }
0x3: {  	s20 =	simm.s32 $0x3;
	s21 =	simm.s32 $0x6800;
	s22 =	simm.s32 $0x4000  }
0x4: {  	s23 =	simm.s32 $0xE800;
	s24 =	simm.s32 $0xA800;
	s25 =	simm.s32 $0x1  }
0x5: {  	s26 =	simm.s32 $0x12800;
	s1 =	sand.u32 $0x1, s1;
	s3 =	sshll.u32 s2, $0x1  }
0x6: {  	s28 =	simm.s32 $0x2;
	s2 =	simm.s32 $0x0;
	s4 =	sor.u32 s1, s3  }
0x7: {  	s29 =	simm.s32 $0x0;
	[smem:$0x7FF] =	sst s2;
	s5 =	smul.u32 $0x680, s4  }
0x8: {  	s3 =	sadd.s32 $0xD600, s0;
	s1 =	ssub.s32 $0x2, s1;
	s7 =	smul.u32 $0x34000, s4  }
0x9: {  	_ =	strace $0x80000047;
	s8 =	sshrl.u32 s1, $0x1;
	s9 =	smul.u32 $0x6800, s4  }
0xa: {  	s30 =	ssub.s32 s1, s8;
	s5 =	sadd.s32 s5, s0;
	s0 =	sadd.s32 $0x13E3800, s0  }
0xb: {  	v0 =	vlaneseq.u32;
	s7 =	sshrl.u32 s7, $0x3;
	s19 =	smax.u32 s30, $0x1;
	[dreg:$0x3] =	wrdreg s0  }
0xc: {  	v0 =	vmul.u32 $0x10, v0;
	s31 =	sadd.s32 s6, s7;
	s5 =	sadd.s32 $0x600, s5;
	s6 =	sadd.s32 s6, s9  }
0xd: {  	s7 =	sadd.s32 $0x800, s31;
	s8 =	sadd.s32 $0x1000, s31;
	s9 =	sadd.s32 $0x1800, s31  }
0xe: {  	v1 =	vor.u32 $0x1, v0;
	s10 =	sadd.s32 $0x2000, s31;
	s11 =	sadd.s32 $0x2800, s31;
	s12 =	sadd.s32 $0x3000, s31  }
0xf: {  	v2 =	vor.u32 $0x2, v0;
	v3 =	vor.u32 $0x3, v0;
	v4 =	vor.u32 $0x4, v0;
	s13 =	sadd.s32 $0x3800, s31;
	s14 =	sadd.s32 $0x4000, s31;
	s15 =	sadd.s32 $0x4800, s31  }
0x10: {  	v5 =	vor.u32 $0x5, v0;
	v6 =	vor.u32 $0x6, v0;
	v7 =	vor.u32 $0x7, v0;
	s16 =	sadd.s32 $0x5000, s31;
	s17 =	sadd.s32 $0x5800, s31;
	s18 =	sadd.s32 $0x6000, s31  }
.LBB2_1:
0x11: {  	[tilespmem:s2], [sflag:$0x3] =	stream.linear.gather [hbm4b:s5+s2], $0x3400, $0x38;
	[tilespmem:$0x16800] =	vst v63  }
0x12: {  	_ =	swait.ge [sflag:s20], $0x3400  }
0x13: {  	[sflag:s20] =	ssyncset.done $0x0  }
0x14: {  	s30 =	simm.s32 $0x3400;
	s0 =	rddreg [dreg:$0x3];
	[sflag:s20] =	ssyncadd.s32 $0xFFFFCC00  }
0x15: {  	[tilespmem:s30], [sflag:$0x3] =	stream.linear.gather [hbm4b:s0+s2], $0x3400, $0x38;
	[tilespmem:$0x16800] =	vst v63  }
0x16: {  	_ =	swait.ge [sflag:s20], $0x3400  }
0x17: {  	[sflag:s20] =	ssyncset.done $0x0  }
0x18: {  	[sflag:s20] =	ssyncadd.s32 $0xFFFFCC00  }
0x19: {  	v8 =	vld [tilespmem:s2+$0x0]  }
0x1a: {  	s4 =	simm.s32 $0x0;
	v9 =	vld [tilespmem:s30+$0x0]  }
0x1b: {  	v10 =	vor.u32 s4, v0  }
0x1c: {  	v11 =	vor.u32 s4, v1  }
0x1d: {  	v12 =	vor.u32 s4, v2  }
0x1e: {  	v13 =	vor.u32 s4, v3  }
0x1f: {  	v9 =	vadd.s32 v8, v9;
	v8 =	vor.u32 s4, v4  }
0x20: {  	v14 =	vor.u32 s4, v5;
	[tilespmem:v10+s21+$0x0] =	vst.idx.msk $0xffff, v9;
	v10 =	vadd.s32 $0x186A0, v9  }
0x21: {  	[tilespmem:v11+s21+$0x0] =	vst.idx.msk $0xffff, v10;
	v10 =	vadd.s32 $0x30D40, v9;
	v11 =	vor.u32 s4, v6  }
0x22: {  	s1 =	simm.s32 $0x8;
	v59 =	vor.u32 s4, v7;
	[tilespmem:v12+s21+$0x0] =	vst.idx.msk $0xffff, v10;
	v10 =	vadd.s32 $0x493E0, v9  }
0x23: {  	v60 =	vor.u32 s1, v0;
	s4 =	simm.s32 $0x9;
	[tilespmem:v13+s21+$0x0] =	vst.idx.msk $0xffff, v10;
	v10 =	vadd.s32 $0x61A80, v9  }
0x24: {  	s1 =	simm.s32 $0xA;
	[tilespmem:v8+s21+$0x0] =	vst.idx.msk $0xffff, v10;
	v8 =	vadd.s32 $0x7A120, v9;
	v10 =	vor.u32 s4, v1  }
0x25: {  	v61 =	vor.u32 s1, v2;
	s4 =	simm.s32 $0xB;
	[tilespmem:v14+s21+$0x0] =	vst.idx.msk $0xffff, v8;
	v8 =	vadd.s32 $0x927C0, v9  }
0x26: {  	s1 =	simm.s32 $0xC;
	[tilespmem:v11+s21+$0x0] =	vst.idx.msk $0xffff, v8;
	v8 =	vadd.s32 $0xAAE60, v9;
	v11 =	vor.u32 s4, v3  }
0x27: {  	v62 =	vor.u32 s1, v4;
	s4 =	simm.s32 $0xD;
	[tilespmem:v59+s21+$0x0] =	vst.idx.msk $0xffff, v8;
	v8 =	vadd.s32 $0xC3500, v9  }
0x28: {  	v63 =	vor.u32 s4, v5;
	[tilespmem:v60+s21+$0x0] =	vst.idx.msk $0xffff, v8;
	v8 =	vadd.s32 $0xDBBA0, v9  }
0x29: {  	[tilespmem:v10+s21+$0x0] =	vst.idx.msk $0xffff, v8;
	v8 =	vadd.s32 $0xF4240, v9  }
0x2a: {  	[tilespmem:v61+s21+$0x0] =	vst.idx.msk $0xffff, v8;
	v8 =	vadd.s32 $0x10C8E0, v9  }
0x2b: {  	s1 =	simm.s32 $0xE;
	[tilespmem:v11+s21+$0x0] =	vst.idx.msk $0xffff, v8;
	v8 =	vadd.s32 $0x124F80, v9  }
0x2c: {  	s4 =	simm.s32 $0xF;
	v10 =	vor.u32 s1, v6;
	[tilespmem:v62+s21+$0x0] =	vst.idx.msk $0xffff, v8;
	v8 =	vadd.s32 $0x13D620, v9  }
0x2d: {  	[tilespmem:v63+s21+$0x0] =	vst.idx.msk $0xffff, v8;
	v8 =	vor.u32 s4, v7;
	_ =	sdelay $0x2  }
0x2e: {  	v11 =	vadd.s32 $0x155CC0, v9  }
0x2f: {  	s31 =	simm.s32 $0x10F;
	s1 =	simm.s32 $0x0;
	v9 =	vadd.s32 $0x16E360, v9;
	[tilespmem:v10+s21+$0x0] =	vst.idx.msk $0xffff, v11  }
.LBB2_2:
0x30: {  	p0 =	sne.s32 s31, $0x3F0F;
	[tilespmem:v8+s21+$0x0] =	vst.idx.msk $0xffff, v9;
	s1 =	sadd.s32 $0x10, s1;
	s30 =	sadd.s32 $0x10, s30  }
0x31: {  	s0 =	smov.u32 s31;
	s31 =	sadd.s32 $0x100, s31;
	v8 =	vld [tilespmem:s1+$0x0]  }
0x32: {  	s4 =	sadd.s32 $0xFFFFFFF1, s0;
	v9 =	vld [tilespmem:s30+$0x0]  }
0x33: {  	v10 =	vor.u32 s4, v0  }
0x34: {  	v11 =	vor.u32 s4, v1  }
0x35: {  	v12 =	vor.u32 s4, v2  }
0x36: {  	v13 =	vor.u32 s4, v3  }
0x37: {  	v9 =	vadd.s32 v8, v9;
	v8 =	vor.u32 s4, v4  }
0x38: {  	v14 =	vor.u32 s4, v5;
	[tilespmem:v10+s21+$0x0] =	vst.idx.msk $0xffff, v9;
	v10 =	vadd.s32 $0x186A0, v9  }
0x39: {  	[tilespmem:v11+s21+$0x0] =	vst.idx.msk $0xffff, v10;
	v10 =	vadd.s32 $0x30D40, v9;
	v11 =	vor.u32 s4, v6  }
0x3a: {  	[tilespmem:v12+s21+$0x0] =	vst.idx.msk $0xffff, v10;
	v10 =	vadd.s32 $0x493E0, v9;
	v12 =	vor.u32 s4, v7;
	s4 =	sadd.s32 $0xFFFFFFF9, s0  }
0x3b: {  	[tilespmem:v13+s21+$0x0] =	vst.idx.msk $0xffff, v10;
	v10 =	vadd.s32 $0x61A80, v9;
	v13 =	vor.u32 s4, v0;
	s4 =	sadd.s32 $0xFFFFFFFA, s0  }
0x3c: {  	[tilespmem:v8+s21+$0x0] =	vst.idx.msk $0xffff, v10;
	v8 =	vadd.s32 $0x7A120, v9;
	v10 =	vor.u32 s4, v1;
	s4 =	sadd.s32 $0xFFFFFFFB, s0  }
0x3d: {  	[tilespmem:v14+s21+$0x0] =	vst.idx.msk $0xffff, v8;
	v8 =	vadd.s32 $0x927C0, v9;
	v14 =	vor.u32 s4, v2;
	s4 =	sadd.s32 $0xFFFFFFFC, s0  }
0x3e: {  	[tilespmem:v11+s21+$0x0] =	vst.idx.msk $0xffff, v8;
	v8 =	vadd.s32 $0xAAE60, v9;
	v11 =	vor.u32 s4, v3;
	s4 =	sadd.s32 $0xFFFFFFFD, s0  }
0x3f: {  	[tilespmem:v12+s21+$0x0] =	vst.idx.msk $0xffff, v8;
	v8 =	vadd.s32 $0xC3500, v9;
	v12 =	vor.u32 s4, v4;
	s4 =	sadd.s32 $0xFFFFFFFE, s0  }
0x40: {  	[tilespmem:v13+s21+$0x0] =	vst.idx.msk $0xffff, v8;
	v8 =	vadd.s32 $0xDBBA0, v9;
	v13 =	vor.u32 s4, v5;
	s4 =	sadd.s32 $0xFFFFFFFF, s0  }
0x41: {  	[tilespmem:v10+s21+$0x0] =	vst.idx.msk $0xffff, v8;
	v8 =	vadd.s32 $0xF4240, v9;
	v10 =	vor.u32 s4, v6  }
.Ltmp0:
0x42: {  	[tilespmem:v14+s21+$0x0] =	vst.idx.msk $0xffff, v8;
	v14 =	vadd.s32 $0x10C8E0, v9;
	v8 =	vor.u32 s0, v7;
	(pc) =	sbr.rel @p0 .LBB2_2-.Ltmp0, $4  }
0x43: {  	[tilespmem:v11+s21+$0x0] =	vst.idx.msk $0xffff, v14;
	v11 =	vadd.s32 $0x124F80, v9  }
0x44: {  	[tilespmem:v12+s21+$0x0] =	vst.idx.msk $0xffff, v11;
	v11 =	vadd.s32 $0x13D620, v9  }
0x45: {  	[tilespmem:v13+s21+$0x0] =	vst.idx.msk $0xffff, v11;
	v11 =	vadd.s32 $0x155CC0, v9  }
0x46: {  	v9 =	vadd.s32 $0x16E360, v9;
	[tilespmem:v10+s21+$0x0] =	vst.idx.msk $0xffff, v11  }
0x47: {  	_ =	sdelay $0x3  }
0x48: {  	[tilespmem:v8+s21+$0x0] =	vst.idx.msk $0xffff, v9;
	s30 =	simm.s32 $0x400  }
0x49: {  	[tilespmem:s23], [sflag:$0x1] =	stream.indirect.gather [hbm4b:s3+s22], $0x1, s21, s22, $0xb8;
	[tilespmem:$0x16800] =	vst v63  }
0x4a: {  	s31 =	simm.s32 $0x3800;
	v8 =	vld [tilespmem:s30+$0x0]  }
0x4b: {  	s0 =	simm.s32 $0x0;
	v9 =	vld [tilespmem:s31+$0x0]  }
0x4c: {  	v10 =	vor.u32 s0, v0  }
0x4d: {  	v11 =	vor.u32 s0, v1  }
0x4e: {  	v12 =	vor.u32 s0, v2  }
0x4f: {  	v13 =	vor.u32 s0, v3  }
0x50: {  	v9 =	vadd.s32 v8, v9;
	v8 =	vor.u32 s0, v4  }
0x51: {  	v14 =	vor.u32 s0, v5;
	[tilespmem:v10+s24+$0x0] =	vst.idx.msk $0xffff, v9;
	v10 =	vadd.s32 $0x186A0, v9  }
0x52: {  	[tilespmem:v11+s24+$0x0] =	vst.idx.msk $0xffff, v10;
	v10 =	vadd.s32 $0x30D40, v9;
	v11 =	vor.u32 s0, v6  }
0x53: {  	s1 =	simm.s32 $0x8;
	v59 =	vor.u32 s0, v7;
	[tilespmem:v12+s24+$0x0] =	vst.idx.msk $0xffff, v10;
	v10 =	vadd.s32 $0x493E0, v9  }
0x54: {  	s4 =	simm.s32 $0x9;
	v60 =	vor.u32 s1, v0;
	[tilespmem:v13+s24+$0x0] =	vst.idx.msk $0xffff, v10;
	v10 =	vadd.s32 $0x61A80, v9  }
0x55: {  	s1 =	simm.s32 $0xA;
	[tilespmem:v8+s24+$0x0] =	vst.idx.msk $0xffff, v10;
	v8 =	vadd.s32 $0x7A120, v9;
	v10 =	vor.u32 s4, v1  }
0x56: {  	v61 =	vor.u32 s1, v2;
	s4 =	simm.s32 $0xB;
	[tilespmem:v14+s24+$0x0] =	vst.idx.msk $0xffff, v8;
	v8 =	vadd.s32 $0x927C0, v9  }
0x57: {  	s1 =	simm.s32 $0xC;
	[tilespmem:v11+s24+$0x0] =	vst.idx.msk $0xffff, v8;
	v8 =	vadd.s32 $0xAAE60, v9;
	v11 =	vor.u32 s4, v3  }
0x58: {  	v62 =	vor.u32 s1, v4;
	s4 =	simm.s32 $0xD;
	[tilespmem:v59+s24+$0x0] =	vst.idx.msk $0xffff, v8;
	v8 =	vadd.s32 $0xC3500, v9  }
0x59: {  	v63 =	vor.u32 s4, v5;
	[tilespmem:v60+s24+$0x0] =	vst.idx.msk $0xffff, v8;
	v8 =	vadd.s32 $0xDBBA0, v9  }
0x5a: {  	[tilespmem:v10+s24+$0x0] =	vst.idx.msk $0xffff, v8;
	v8 =	vadd.s32 $0xF4240, v9  }
0x5b: {  	[tilespmem:v61+s24+$0x0] =	vst.idx.msk $0xffff, v8;
	v8 =	vadd.s32 $0x10C8E0, v9  }
0x5c: {  	s1 =	simm.s32 $0xE;
	[tilespmem:v11+s24+$0x0] =	vst.idx.msk $0xffff, v8;
	v8 =	vadd.s32 $0x124F80, v9  }
0x5d: {  	s4 =	simm.s32 $0xF;
	v10 =	vor.u32 s1, v6;
	[tilespmem:v62+s24+$0x0] =	vst.idx.msk $0xffff, v8;
	v8 =	vadd.s32 $0x13D620, v9  }
0x5e: {  	[tilespmem:v63+s24+$0x0] =	vst.idx.msk $0xffff, v8;
	v8 =	vor.u32 s4, v7;
	_ =	sdelay $0x2  }
0x5f: {  	v11 =	vadd.s32 $0x155CC0, v9  }
0x60: {  	s1 =	simm.s32 $0x10F;
	v9 =	vadd.s32 $0x16E360, v9;
	[tilespmem:v10+s24+$0x0] =	vst.idx.msk $0xffff, v11  }
.LBB2_4:
0x61: {  	p0 =	sne.s32 s1, $0x3F0F;
	[tilespmem:v8+s24+$0x0] =	vst.idx.msk $0xffff, v9;
	s30 =	sadd.s32 $0x10, s30;
	s31 =	sadd.s32 $0x10, s31  }
0x62: {  	s0 =	smov.u32 s1;
	s1 =	sadd.s32 $0x100, s1;
	v8 =	vld [tilespmem:s30+$0x0]  }
0x63: {  	s4 =	sadd.s32 $0xFFFFFFF1, s0;
	v9 =	vld [tilespmem:s31+$0x0]  }
0x64: {  	v10 =	vor.u32 s4, v0  }
0x65: {  	v11 =	vor.u32 s4, v1  }
0x66: {  	v12 =	vor.u32 s4, v2  }
0x67: {  	v13 =	vor.u32 s4, v3  }
0x68: {  	v9 =	vadd.s32 v8, v9;
	v8 =	vor.u32 s4, v4  }
0x69: {  	v14 =	vor.u32 s4, v5;
	[tilespmem:v10+s24+$0x0] =	vst.idx.msk $0xffff, v9;
	v10 =	vadd.s32 $0x186A0, v9  }
0x6a: {  	[tilespmem:v11+s24+$0x0] =	vst.idx.msk $0xffff, v10;
	v10 =	vadd.s32 $0x30D40, v9;
	v11 =	vor.u32 s4, v6  }
0x6b: {  	[tilespmem:v12+s24+$0x0] =	vst.idx.msk $0xffff, v10;
	v10 =	vadd.s32 $0x493E0, v9;
	v12 =	vor.u32 s4, v7;
	s4 =	sadd.s32 $0xFFFFFFF9, s0  }
0x6c: {  	[tilespmem:v13+s24+$0x0] =	vst.idx.msk $0xffff, v10;
	v10 =	vadd.s32 $0x61A80, v9;
	v13 =	vor.u32 s4, v0;
	s4 =	sadd.s32 $0xFFFFFFFA, s0  }
0x6d: {  	[tilespmem:v8+s24+$0x0] =	vst.idx.msk $0xffff, v10;
	v8 =	vadd.s32 $0x7A120, v9;
	v10 =	vor.u32 s4, v1;
	s4 =	sadd.s32 $0xFFFFFFFB, s0  }
0x6e: {  	[tilespmem:v14+s24+$0x0] =	vst.idx.msk $0xffff, v8;
	v8 =	vadd.s32 $0x927C0, v9;
	v14 =	vor.u32 s4, v2;
	s4 =	sadd.s32 $0xFFFFFFFC, s0  }
0x6f: {  	[tilespmem:v11+s24+$0x0] =	vst.idx.msk $0xffff, v8;
	v8 =	vadd.s32 $0xAAE60, v9;
	v11 =	vor.u32 s4, v3;
	s4 =	sadd.s32 $0xFFFFFFFD, s0  }
0x70: {  	[tilespmem:v12+s24+$0x0] =	vst.idx.msk $0xffff, v8;
	v8 =	vadd.s32 $0xC3500, v9;
	v12 =	vor.u32 s4, v4;
	s4 =	sadd.s32 $0xFFFFFFFE, s0  }
0x71: {  	[tilespmem:v13+s24+$0x0] =	vst.idx.msk $0xffff, v8;
	v8 =	vadd.s32 $0xDBBA0, v9;
	v13 =	vor.u32 s4, v5;
	s4 =	sadd.s32 $0xFFFFFFFF, s0  }
0x72: {  	[tilespmem:v10+s24+$0x0] =	vst.idx.msk $0xffff, v8;
	v8 =	vadd.s32 $0xF4240, v9;
	v10 =	vor.u32 s4, v6  }
.Ltmp1:
0x73: {  	[tilespmem:v14+s24+$0x0] =	vst.idx.msk $0xffff, v8;
	v14 =	vadd.s32 $0x10C8E0, v9;
	v8 =	vor.u32 s0, v7;
	(pc) =	sbr.rel @p0 .LBB2_4-.Ltmp1, $4  }
0x74: {  	[tilespmem:v11+s24+$0x0] =	vst.idx.msk $0xffff, v14;
	v11 =	vadd.s32 $0x124F80, v9  }
0x75: {  	[tilespmem:v12+s24+$0x0] =	vst.idx.msk $0xffff, v11;
	v11 =	vadd.s32 $0x13D620, v9  }
0x76: {  	[tilespmem:v13+s24+$0x0] =	vst.idx.msk $0xffff, v11;
	v11 =	vadd.s32 $0x155CC0, v9  }
0x77: {  	v9 =	vadd.s32 $0x16E360, v9;
	[tilespmem:v10+s24+$0x0] =	vst.idx.msk $0xffff, v11  }
0x78: {  	_ =	sdelay $0x3  }
0x79: {  	[tilespmem:v8+s24+$0x0] =	vst.idx.msk $0xffff, v9  }
0x7a: {  	_ =	swait.ge [sflag:s25], $0x4000  }
0x7b: {  	[sflag:s25] =	ssyncset.done $0x0  }
0x7c: {  	[sflag:s25] =	ssyncadd.s32 $0xFFFFC000  }
0x7d: {  	[tilespmem:s26], [sflag:$0x2] =	stream.indirect.gather [hbm4b:s3+s22], $0x1, s24, s22, $0xb8;
	[tilespmem:$0x16800] =	vst v63  }
0x7e: {  	_ = 	snop  }
0x7f: {  	[hbm4b:s6+s2] =	stream.linear.scatter [tilespmem:s23], [sflag:$0x3], $0x4000, $0x38;
	[tilespmem:$0x16800] =	vst v63  }
0x80: {  	_ =	swait.ge [sflag:s20], $0x4000  }
0x81: {  	[sflag:s20] =	ssyncset.done $0x0  }
0x82: {  	s30 =	simm.s32 $0x800;
	[sflag:s20] =	ssyncadd.s32 $0xFFFFC000  }
0x83: {  	s31 =	simm.s32 $0x3C00;
	v8 =	vld [tilespmem:s30+$0x0]  }
0x84: {  	s0 =	simm.s32 $0x0;
	v9 =	vld [tilespmem:s31+$0x0]  }
0x85: {  	v10 =	vor.u32 s0, v0  }
0x86: {  	v11 =	vor.u32 s0, v1  }
0x87: {  	v12 =	vor.u32 s0, v2  }
0x88: {  	v13 =	vor.u32 s0, v3  }
0x89: {  	v9 =	vadd.s32 v8, v9;
	v8 =	vor.u32 s0, v4  }
0x8a: {  	v14 =	vor.u32 s0, v5;
	[tilespmem:v10+s21+$0x0] =	vst.idx.msk $0xffff, v9;
	v10 =	vadd.s32 $0x186A0, v9  }
0x8b: {  	[tilespmem:v11+s21+$0x0] =	vst.idx.msk $0xffff, v10;
	v10 =	vadd.s32 $0x30D40, v9;
	v11 =	vor.u32 s0, v6  }
0x8c: {  	s1 =	simm.s32 $0x8;
	v59 =	vor.u32 s0, v7;
	[tilespmem:v12+s21+$0x0] =	vst.idx.msk $0xffff, v10;
	v10 =	vadd.s32 $0x493E0, v9  }
0x8d: {  	s4 =	simm.s32 $0x9;
	v60 =	vor.u32 s1, v0;
	[tilespmem:v13+s21+$0x0] =	vst.idx.msk $0xffff, v10;
	v10 =	vadd.s32 $0x61A80, v9  }
0x8e: {  	s1 =	simm.s32 $0xA;
	[tilespmem:v8+s21+$0x0] =	vst.idx.msk $0xffff, v10;
	v8 =	vadd.s32 $0x7A120, v9;
	v10 =	vor.u32 s4, v1  }
0x8f: {  	v61 =	vor.u32 s1, v2;
	s4 =	simm.s32 $0xB;
	[tilespmem:v14+s21+$0x0] =	vst.idx.msk $0xffff, v8;
	v8 =	vadd.s32 $0x927C0, v9  }
0x90: {  	s1 =	simm.s32 $0xC;
	[tilespmem:v11+s21+$0x0] =	vst.idx.msk $0xffff, v8;
	v8 =	vadd.s32 $0xAAE60, v9;
	v11 =	vor.u32 s4, v3  }
0x91: {  	v62 =	vor.u32 s1, v4;
	s4 =	simm.s32 $0xD;
	[tilespmem:v59+s21+$0x0] =	vst.idx.msk $0xffff, v8;
	v8 =	vadd.s32 $0xC3500, v9  }
0x92: {  	v63 =	vor.u32 s4, v5;
	[tilespmem:v60+s21+$0x0] =	vst.idx.msk $0xffff, v8;
	v8 =	vadd.s32 $0xDBBA0, v9  }
0x93: {  	[tilespmem:v10+s21+$0x0] =	vst.idx.msk $0xffff, v8;
	v8 =	vadd.s32 $0xF4240, v9  }
0x94: {  	[tilespmem:v61+s21+$0x0] =	vst.idx.msk $0xffff, v8;
	v8 =	vadd.s32 $0x10C8E0, v9  }
0x95: {  	s1 =	simm.s32 $0xE;
	[tilespmem:v11+s21+$0x0] =	vst.idx.msk $0xffff, v8;
	v8 =	vadd.s32 $0x124F80, v9  }
0x96: {  	s4 =	simm.s32 $0xF;
	v10 =	vor.u32 s1, v6;
	[tilespmem:v62+s21+$0x0] =	vst.idx.msk $0xffff, v8;
	v8 =	vadd.s32 $0x13D620, v9  }
0x97: {  	[tilespmem:v63+s21+$0x0] =	vst.idx.msk $0xffff, v8;
	v8 =	vor.u32 s4, v7;
	_ =	sdelay $0x2  }
0x98: {  	v11 =	vadd.s32 $0x155CC0, v9  }
0x99: {  	s1 =	simm.s32 $0x10F;
	v9 =	vadd.s32 $0x16E360, v9;
	[tilespmem:v10+s21+$0x0] =	vst.idx.msk $0xffff, v11  }
.LBB2_6:
0x9a: {  	p0 =	sne.s32 s1, $0x3F0F;
	[tilespmem:v8+s21+$0x0] =	vst.idx.msk $0xffff, v9;
	s30 =	sadd.s32 $0x10, s30;
	s31 =	sadd.s32 $0x10, s31  }
0x9b: {  	s0 =	smov.u32 s1;
	s1 =	sadd.s32 $0x100, s1;
	v8 =	vld [tilespmem:s30+$0x0]  }
0x9c: {  	s4 =	sadd.s32 $0xFFFFFFF1, s0;
	v9 =	vld [tilespmem:s31+$0x0]  }
0x9d: {  	v10 =	vor.u32 s4, v0  }
0x9e: {  	v11 =	vor.u32 s4, v1  }
0x9f: {  	v12 =	vor.u32 s4, v2  }
0xa0: {  	v13 =	vor.u32 s4, v3  }
0xa1: {  	v9 =	vadd.s32 v8, v9;
	v8 =	vor.u32 s4, v4  }
0xa2: {  	v14 =	vor.u32 s4, v5;
	[tilespmem:v10+s21+$0x0] =	vst.idx.msk $0xffff, v9;
	v10 =	vadd.s32 $0x186A0, v9  }
0xa3: {  	[tilespmem:v11+s21+$0x0] =	vst.idx.msk $0xffff, v10;
	v10 =	vadd.s32 $0x30D40, v9;
	v11 =	vor.u32 s4, v6  }
0xa4: {  	[tilespmem:v12+s21+$0x0] =	vst.idx.msk $0xffff, v10;
	v10 =	vadd.s32 $0x493E0, v9;
	v12 =	vor.u32 s4, v7;
	s4 =	sadd.s32 $0xFFFFFFF9, s0  }
0xa5: {  	[tilespmem:v13+s21+$0x0] =	vst.idx.msk $0xffff, v10;
	v10 =	vadd.s32 $0x61A80, v9;
	v13 =	vor.u32 s4, v0;
	s4 =	sadd.s32 $0xFFFFFFFA, s0  }
0xa6: {  	[tilespmem:v8+s21+$0x0] =	vst.idx.msk $0xffff, v10;
	v8 =	vadd.s32 $0x7A120, v9;
	v10 =	vor.u32 s4, v1;
	s4 =	sadd.s32 $0xFFFFFFFB, s0  }
0xa7: {  	[tilespmem:v14+s21+$0x0] =	vst.idx.msk $0xffff, v8;
	v8 =	vadd.s32 $0x927C0, v9;
	v14 =	vor.u32 s4, v2;
	s4 =	sadd.s32 $0xFFFFFFFC, s0  }
0xa8: {  	[tilespmem:v11+s21+$0x0] =	vst.idx.msk $0xffff, v8;
	v8 =	vadd.s32 $0xAAE60, v9;
	v11 =	vor.u32 s4, v3;
	s4 =	sadd.s32 $0xFFFFFFFD, s0  }
0xa9: {  	[tilespmem:v12+s21+$0x0] =	vst.idx.msk $0xffff, v8;
	v8 =	vadd.s32 $0xC3500, v9;
	v12 =	vor.u32 s4, v4;
	s4 =	sadd.s32 $0xFFFFFFFE, s0  }
0xaa: {  	[tilespmem:v13+s21+$0x0] =	vst.idx.msk $0xffff, v8;
	v8 =	vadd.s32 $0xDBBA0, v9;
	v13 =	vor.u32 s4, v5;
	s4 =	sadd.s32 $0xFFFFFFFF, s0  }
0xab: {  	[tilespmem:v10+s21+$0x0] =	vst.idx.msk $0xffff, v8;
	v8 =	vadd.s32 $0xF4240, v9;
	v10 =	vor.u32 s4, v6  }
.Ltmp2:
0xac: {  	[tilespmem:v14+s21+$0x0] =	vst.idx.msk $0xffff, v8;
	v14 =	vadd.s32 $0x10C8E0, v9;
	v8 =	vor.u32 s0, v7;
	(pc) =	sbr.rel @p0 .LBB2_6-.Ltmp2, $4  }
0xad: {  	[tilespmem:v11+s21+$0x0] =	vst.idx.msk $0xffff, v14;
	v11 =	vadd.s32 $0x124F80, v9  }
0xae: {  	[tilespmem:v12+s21+$0x0] =	vst.idx.msk $0xffff, v11;
	v11 =	vadd.s32 $0x13D620, v9  }
0xaf: {  	[tilespmem:v13+s21+$0x0] =	vst.idx.msk $0xffff, v11;
	v11 =	vadd.s32 $0x155CC0, v9  }
0xb0: {  	v9 =	vadd.s32 $0x16E360, v9;
	[tilespmem:v10+s21+$0x0] =	vst.idx.msk $0xffff, v11  }
0xb1: {  	_ =	sdelay $0x3  }
0xb2: {  	[tilespmem:v8+s21+$0x0] =	vst.idx.msk $0xffff, v9  }
0xb3: {  	_ =	swait.ge [sflag:s28], $0x4000  }
0xb4: {  	[sflag:s28] =	ssyncset.done $0x0  }
0xb5: {  	s30 =	simm.s32 $0x4000;
	[sflag:s28] =	ssyncadd.s32 $0xFFFFC000  }
0xb6: {  	[tilespmem:s23], [sflag:$0x1] =	stream.indirect.gather [hbm4b:s3+s30], $0x1, s21, s30, $0xb8;
	[tilespmem:$0x16800] =	vst v63  }
0xb7: {  	_ = 	snop  }
0xb8: {  	[hbm4b:s7+s2] =	stream.linear.scatter [tilespmem:s26], [sflag:$0x3], $0x4000, $0x38;
	[tilespmem:$0x16800] =	vst v63  }
0xb9: {  	_ =	swait.ge [sflag:s20], $0x4000  }
0xba: {  	[sflag:s20] =	ssyncset.done $0x0  }
0xbb: {  	s31 =	simm.s32 $0xC00;
	[sflag:s20] =	ssyncadd.s32 $0xFFFFC000  }
0xbc: {  	v8 =	vld [tilespmem:s31+$0x0]  }
0xbd: {  	s0 =	simm.s32 $0x0;
	v9 =	vld [tilespmem:s30+$0x0]  }
0xbe: {  	v10 =	vor.u32 s0, v0  }
0xbf: {  	v11 =	vor.u32 s0, v1  }
0xc0: {  	v12 =	vor.u32 s0, v2  }
0xc1: {  	v13 =	vor.u32 s0, v3  }
0xc2: {  	v9 =	vadd.s32 v8, v9;
	v8 =	vor.u32 s0, v4  }
0xc3: {  	v14 =	vor.u32 s0, v5;
	[tilespmem:v10+s24+$0x0] =	vst.idx.msk $0xffff, v9;
	v10 =	vadd.s32 $0x186A0, v9  }
0xc4: {  	[tilespmem:v11+s24+$0x0] =	vst.idx.msk $0xffff, v10;
	v10 =	vadd.s32 $0x30D40, v9;
	v11 =	vor.u32 s0, v6  }
0xc5: {  	s1 =	simm.s32 $0x8;
	v59 =	vor.u32 s0, v7;
	[tilespmem:v12+s24+$0x0] =	vst.idx.msk $0xffff, v10;
	v10 =	vadd.s32 $0x493E0, v9  }
0xc6: {  	s4 =	simm.s32 $0x9;
	v60 =	vor.u32 s1, v0;
	[tilespmem:v13+s24+$0x0] =	vst.idx.msk $0xffff, v10;
	v10 =	vadd.s32 $0x61A80, v9  }
0xc7: {  	s1 =	simm.s32 $0xA;
	[tilespmem:v8+s24+$0x0] =	vst.idx.msk $0xffff, v10;
	v8 =	vadd.s32 $0x7A120, v9;
	v10 =	vor.u32 s4, v1  }
0xc8: {  	v61 =	vor.u32 s1, v2;
	s4 =	simm.s32 $0xB;
	[tilespmem:v14+s24+$0x0] =	vst.idx.msk $0xffff, v8;
	v8 =	vadd.s32 $0x927C0, v9  }
0xc9: {  	s1 =	simm.s32 $0xC;
	[tilespmem:v11+s24+$0x0] =	vst.idx.msk $0xffff, v8;
	v8 =	vadd.s32 $0xAAE60, v9;
	v11 =	vor.u32 s4, v3  }
0xca: {  	v62 =	vor.u32 s1, v4;
	s4 =	simm.s32 $0xD;
	[tilespmem:v59+s24+$0x0] =	vst.idx.msk $0xffff, v8;
	v8 =	vadd.s32 $0xC3500, v9  }
0xcb: {  	v63 =	vor.u32 s4, v5;
	[tilespmem:v60+s24+$0x0] =	vst.idx.msk $0xffff, v8;
	v8 =	vadd.s32 $0xDBBA0, v9  }
0xcc: {  	[tilespmem:v10+s24+$0x0] =	vst.idx.msk $0xffff, v8;
	v8 =	vadd.s32 $0xF4240, v9  }
0xcd: {  	[tilespmem:v61+s24+$0x0] =	vst.idx.msk $0xffff, v8;
	v8 =	vadd.s32 $0x10C8E0, v9  }
0xce: {  	s1 =	simm.s32 $0xE;
	[tilespmem:v11+s24+$0x0] =	vst.idx.msk $0xffff, v8;
	v8 =	vadd.s32 $0x124F80, v9  }
0xcf: {  	s4 =	simm.s32 $0xF;
	v10 =	vor.u32 s1, v6;
	[tilespmem:v62+s24+$0x0] =	vst.idx.msk $0xffff, v8;
	v8 =	vadd.s32 $0x13D620, v9  }
0xd0: {  	[tilespmem:v63+s24+$0x0] =	vst.idx.msk $0xffff, v8;
	v8 =	vor.u32 s4, v7;
	_ =	sdelay $0x2  }
0xd1: {  	v11 =	vadd.s32 $0x155CC0, v9  }
0xd2: {  	s1 =	simm.s32 $0x10F;
	v9 =	vadd.s32 $0x16E360, v9;
	[tilespmem:v10+s24+$0x0] =	vst.idx.msk $0xffff, v11  }
.LBB2_8:
0xd3: {  	p0 =	sne.s32 s1, $0x3F0F;
	[tilespmem:v8+s24+$0x0] =	vst.idx.msk $0xffff, v9;
	s31 =	sadd.s32 $0x10, s31;
	s30 =	sadd.s32 $0x10, s30  }
0xd4: {  	s0 =	smov.u32 s1;
	s1 =	sadd.s32 $0x100, s1;
	v8 =	vld [tilespmem:s31+$0x0]  }
0xd5: {  	s4 =	sadd.s32 $0xFFFFFFF1, s0;
	v9 =	vld [tilespmem:s30+$0x0]  }
0xd6: {  	v10 =	vor.u32 s4, v0  }
0xd7: {  	v11 =	vor.u32 s4, v1  }
0xd8: {  	v12 =	vor.u32 s4, v2  }
0xd9: {  	v13 =	vor.u32 s4, v3  }
0xda: {  	v9 =	vadd.s32 v8, v9;
	v8 =	vor.u32 s4, v4  }
0xdb: {  	v14 =	vor.u32 s4, v5;
	[tilespmem:v10+s24+$0x0] =	vst.idx.msk $0xffff, v9;
	v10 =	vadd.s32 $0x186A0, v9  }
0xdc: {  	[tilespmem:v11+s24+$0x0] =	vst.idx.msk $0xffff, v10;
	v10 =	vadd.s32 $0x30D40, v9;
	v11 =	vor.u32 s4, v6  }
0xdd: {  	[tilespmem:v12+s24+$0x0] =	vst.idx.msk $0xffff, v10;
	v10 =	vadd.s32 $0x493E0, v9;
	v12 =	vor.u32 s4, v7;
	s4 =	sadd.s32 $0xFFFFFFF9, s0  }
0xde: {  	[tilespmem:v13+s24+$0x0] =	vst.idx.msk $0xffff, v10;
	v10 =	vadd.s32 $0x61A80, v9;
	v13 =	vor.u32 s4, v0;
	s4 =	sadd.s32 $0xFFFFFFFA, s0  }
0xdf: {  	[tilespmem:v8+s24+$0x0] =	vst.idx.msk $0xffff, v10;
	v8 =	vadd.s32 $0x7A120, v9;
	v10 =	vor.u32 s4, v1;
	s4 =	sadd.s32 $0xFFFFFFFB, s0  }
0xe0: {  	[tilespmem:v14+s24+$0x0] =	vst.idx.msk $0xffff, v8;
	v8 =	vadd.s32 $0x927C0, v9;
	v14 =	vor.u32 s4, v2;
	s4 =	sadd.s32 $0xFFFFFFFC, s0  }
0xe1: {  	[tilespmem:v11+s24+$0x0] =	vst.idx.msk $0xffff, v8;
	v8 =	vadd.s32 $0xAAE60, v9;
	v11 =	vor.u32 s4, v3;
	s4 =	sadd.s32 $0xFFFFFFFD, s0  }
0xe2: {  	[tilespmem:v12+s24+$0x0] =	vst.idx.msk $0xffff, v8;
	v8 =	vadd.s32 $0xC3500, v9;
	v12 =	vor.u32 s4, v4;
	s4 =	sadd.s32 $0xFFFFFFFE, s0  }
0xe3: {  	[tilespmem:v13+s24+$0x0] =	vst.idx.msk $0xffff, v8;
	v8 =	vadd.s32 $0xDBBA0, v9;
	v13 =	vor.u32 s4, v5;
	s4 =	sadd.s32 $0xFFFFFFFF, s0  }
0xe4: {  	[tilespmem:v10+s24+$0x0] =	vst.idx.msk $0xffff, v8;
	v8 =	vadd.s32 $0xF4240, v9;
	v10 =	vor.u32 s4, v6  }
.Ltmp3:
0xe5: {  	[tilespmem:v14+s24+$0x0] =	vst.idx.msk $0xffff, v8;
	v14 =	vadd.s32 $0x10C8E0, v9;
	v8 =	vor.u32 s0, v7;
	(pc) =	sbr.rel @p0 .LBB2_8-.Ltmp3, $4  }
0xe6: {  	[tilespmem:v11+s24+$0x0] =	vst.idx.msk $0xffff, v14;
	v11 =	vadd.s32 $0x124F80, v9  }
0xe7: {  	[tilespmem:v12+s24+$0x0] =	vst.idx.msk $0xffff, v11;
	v11 =	vadd.s32 $0x13D620, v9  }
0xe8: {  	[tilespmem:v13+s24+$0x0] =	vst.idx.msk $0xffff, v11;
	v11 =	vadd.s32 $0x155CC0, v9  }
0xe9: {  	v9 =	vadd.s32 $0x16E360, v9;
	[tilespmem:v10+s24+$0x0] =	vst.idx.msk $0xffff, v11  }
0xea: {  	_ =	sdelay $0x3  }
0xeb: {  	[tilespmem:v8+s24+$0x0] =	vst.idx.msk $0xffff, v9  }
0xec: {  	_ =	swait.ge [sflag:s25], $0x4000  }
0xed: {  	[sflag:s25] =	ssyncset.done $0x0  }
0xee: {  	[sflag:s25] =	ssyncadd.s32 $0xFFFFC000  }
0xef: {  	[tilespmem:s26], [sflag:$0x2] =	stream.indirect.gather [hbm4b:s3+s22], $0x1, s24, s22, $0xb8;
	[tilespmem:$0x16800] =	vst v63  }
0xf0: {  	_ = 	snop  }
0xf1: {  	[hbm4b:s8+s2] =	stream.linear.scatter [tilespmem:s23], [sflag:$0x3], $0x4000, $0x38;
	[tilespmem:$0x16800] =	vst v63  }
0xf2: {  	_ =	swait.ge [sflag:s20], $0x4000  }
0xf3: {  	[sflag:s20] =	ssyncset.done $0x0  }
0xf4: {  	s30 =	simm.s32 $0x1000;
	[sflag:s20] =	ssyncadd.s32 $0xFFFFC000  }
0xf5: {  	s31 =	simm.s32 $0x4400;
	v8 =	vld [tilespmem:s30+$0x0]  }
0xf6: {  	s0 =	simm.s32 $0x0;
	v9 =	vld [tilespmem:s31+$0x0]  }
0xf7: {  	v10 =	vor.u32 s0, v0  }
0xf8: {  	v11 =	vor.u32 s0, v1  }
0xf9: {  	v12 =	vor.u32 s0, v2  }
0xfa: {  	v13 =	vor.u32 s0, v3  }
0xfb: {  	v9 =	vadd.s32 v8, v9;
	v8 =	vor.u32 s0, v4  }
0xfc: {  	v14 =	vor.u32 s0, v5;
	[tilespmem:v10+s21+$0x0] =	vst.idx.msk $0xffff, v9;
	v10 =	vadd.s32 $0x186A0, v9  }
0xfd: {  	[tilespmem:v11+s21+$0x0] =	vst.idx.msk $0xffff, v10;
	v10 =	vadd.s32 $0x30D40, v9;
	v11 =	vor.u32 s0, v6  }
0xfe: {  	s1 =	simm.s32 $0x8;
	v59 =	vor.u32 s0, v7;
	[tilespmem:v12+s21+$0x0] =	vst.idx.msk $0xffff, v10;
	v10 =	vadd.s32 $0x493E0, v9  }
0xff: {  	s4 =	simm.s32 $0x9;
	v60 =	vor.u32 s1, v0;
	[tilespmem:v13+s21+$0x0] =	vst.idx.msk $0xffff, v10;
	v10 =	vadd.s32 $0x61A80, v9  }
0x100: {  	s1 =	simm.s32 $0xA;
	[tilespmem:v8+s21+$0x0] =	vst.idx.msk $0xffff, v10;
	v8 =	vadd.s32 $0x7A120, v9;
	v10 =	vor.u32 s4, v1  }
0x101: {  	v61 =	vor.u32 s1, v2;
	s4 =	simm.s32 $0xB;
	[tilespmem:v14+s21+$0x0] =	vst.idx.msk $0xffff, v8;
	v8 =	vadd.s32 $0x927C0, v9  }
0x102: {  	s1 =	simm.s32 $0xC;
	[tilespmem:v11+s21+$0x0] =	vst.idx.msk $0xffff, v8;
	v8 =	vadd.s32 $0xAAE60, v9;
	v11 =	vor.u32 s4, v3  }
0x103: {  	v62 =	vor.u32 s1, v4;
	s4 =	simm.s32 $0xD;
	[tilespmem:v59+s21+$0x0] =	vst.idx.msk $0xffff, v8;
	v8 =	vadd.s32 $0xC3500, v9  }
0x104: {  	v63 =	vor.u32 s4, v5;
	[tilespmem:v60+s21+$0x0] =	vst.idx.msk $0xffff, v8;
	v8 =	vadd.s32 $0xDBBA0, v9  }
0x105: {  	[tilespmem:v10+s21+$0x0] =	vst.idx.msk $0xffff, v8;
	v8 =	vadd.s32 $0xF4240, v9  }
0x106: {  	[tilespmem:v61+s21+$0x0] =	vst.idx.msk $0xffff, v8;
	v8 =	vadd.s32 $0x10C8E0, v9  }
0x107: {  	s1 =	simm.s32 $0xE;
	[tilespmem:v11+s21+$0x0] =	vst.idx.msk $0xffff, v8;
	v8 =	vadd.s32 $0x124F80, v9  }
0x108: {  	s4 =	simm.s32 $0xF;
	v10 =	vor.u32 s1, v6;
	[tilespmem:v62+s21+$0x0] =	vst.idx.msk $0xffff, v8;
	v8 =	vadd.s32 $0x13D620, v9  }
0x109: {  	[tilespmem:v63+s21+$0x0] =	vst.idx.msk $0xffff, v8;
	v8 =	vor.u32 s4, v7;
	_ =	sdelay $0x2  }
0x10a: {  	v11 =	vadd.s32 $0x155CC0, v9  }
0x10b: {  	s1 =	simm.s32 $0x10F;
	v9 =	vadd.s32 $0x16E360, v9;
	[tilespmem:v10+s21+$0x0] =	vst.idx.msk $0xffff, v11  }
.LBB2_10:
0x10c: {  	p0 =	sne.s32 s1, $0x3F0F;
	[tilespmem:v8+s21+$0x0] =	vst.idx.msk $0xffff, v9;
	s30 =	sadd.s32 $0x10, s30;
	s31 =	sadd.s32 $0x10, s31  }
0x10d: {  	s0 =	smov.u32 s1;
	s1 =	sadd.s32 $0x100, s1;
	v8 =	vld [tilespmem:s30+$0x0]  }
0x10e: {  	s4 =	sadd.s32 $0xFFFFFFF1, s0;
	v9 =	vld [tilespmem:s31+$0x0]  }
0x10f: {  	v10 =	vor.u32 s4, v0  }
0x110: {  	v11 =	vor.u32 s4, v1  }
0x111: {  	v12 =	vor.u32 s4, v2  }
0x112: {  	v13 =	vor.u32 s4, v3  }
0x113: {  	v9 =	vadd.s32 v8, v9;
	v8 =	vor.u32 s4, v4  }
0x114: {  	v14 =	vor.u32 s4, v5;
	[tilespmem:v10+s21+$0x0] =	vst.idx.msk $0xffff, v9;
	v10 =	vadd.s32 $0x186A0, v9  }
0x115: {  	[tilespmem:v11+s21+$0x0] =	vst.idx.msk $0xffff, v10;
	v10 =	vadd.s32 $0x30D40, v9;
	v11 =	vor.u32 s4, v6  }
0x116: {  	[tilespmem:v12+s21+$0x0] =	vst.idx.msk $0xffff, v10;
	v10 =	vadd.s32 $0x493E0, v9;
	v12 =	vor.u32 s4, v7;
	s4 =	sadd.s32 $0xFFFFFFF9, s0  }
0x117: {  	[tilespmem:v13+s21+$0x0] =	vst.idx.msk $0xffff, v10;
	v10 =	vadd.s32 $0x61A80, v9;
	v13 =	vor.u32 s4, v0;
	s4 =	sadd.s32 $0xFFFFFFFA, s0  }
0x118: {  	[tilespmem:v8+s21+$0x0] =	vst.idx.msk $0xffff, v10;
	v8 =	vadd.s32 $0x7A120, v9;
	v10 =	vor.u32 s4, v1;
	s4 =	sadd.s32 $0xFFFFFFFB, s0  }
0x119: {  	[tilespmem:v14+s21+$0x0] =	vst.idx.msk $0xffff, v8;
	v8 =	vadd.s32 $0x927C0, v9;
	v14 =	vor.u32 s4, v2;
	s4 =	sadd.s32 $0xFFFFFFFC, s0  }
0x11a: {  	[tilespmem:v11+s21+$0x0] =	vst.idx.msk $0xffff, v8;
	v8 =	vadd.s32 $0xAAE60, v9;
	v11 =	vor.u32 s4, v3;
	s4 =	sadd.s32 $0xFFFFFFFD, s0  }
0x11b: {  	[tilespmem:v12+s21+$0x0] =	vst.idx.msk $0xffff, v8;
	v8 =	vadd.s32 $0xC3500, v9;
	v12 =	vor.u32 s4, v4;
	s4 =	sadd.s32 $0xFFFFFFFE, s0  }
0x11c: {  	[tilespmem:v13+s21+$0x0] =	vst.idx.msk $0xffff, v8;
	v8 =	vadd.s32 $0xDBBA0, v9;
	v13 =	vor.u32 s4, v5;
	s4 =	sadd.s32 $0xFFFFFFFF, s0  }
0x11d: {  	[tilespmem:v10+s21+$0x0] =	vst.idx.msk $0xffff, v8;
	v8 =	vadd.s32 $0xF4240, v9;
	v10 =	vor.u32 s4, v6  }
.Ltmp4:
0x11e: {  	[tilespmem:v14+s21+$0x0] =	vst.idx.msk $0xffff, v8;
	v14 =	vadd.s32 $0x10C8E0, v9;
	v8 =	vor.u32 s0, v7;
	(pc) =	sbr.rel @p0 .LBB2_10-.Ltmp4, $4  }
0x11f: {  	[tilespmem:v11+s21+$0x0] =	vst.idx.msk $0xffff, v14;
	v11 =	vadd.s32 $0x124F80, v9  }
0x120: {  	[tilespmem:v12+s21+$0x0] =	vst.idx.msk $0xffff, v11;
	v11 =	vadd.s32 $0x13D620, v9  }
0x121: {  	[tilespmem:v13+s21+$0x0] =	vst.idx.msk $0xffff, v11;
	v11 =	vadd.s32 $0x155CC0, v9  }
0x122: {  	v9 =	vadd.s32 $0x16E360, v9;
	[tilespmem:v10+s21+$0x0] =	vst.idx.msk $0xffff, v11  }
0x123: {  	_ =	sdelay $0x3  }
0x124: {  	[tilespmem:v8+s21+$0x0] =	vst.idx.msk $0xffff, v9  }
0x125: {  	_ =	swait.ge [sflag:s28], $0x4000  }
0x126: {  	[sflag:s28] =	ssyncset.done $0x0  }
0x127: {  	[sflag:s28] =	ssyncadd.s32 $0xFFFFC000  }
0x128: {  	[tilespmem:s23], [sflag:$0x1] =	stream.indirect.gather [hbm4b:s3+s22], $0x1, s21, s22, $0xb8;
	[tilespmem:$0x16800] =	vst v63  }
0x129: {  	_ = 	snop  }
0x12a: {  	[hbm4b:s9+s2] =	stream.linear.scatter [tilespmem:s26], [sflag:$0x3], $0x4000, $0x38;
	[tilespmem:$0x16800] =	vst v63  }
0x12b: {  	_ =	swait.ge [sflag:s20], $0x4000  }
0x12c: {  	[sflag:s20] =	ssyncset.done $0x0  }
0x12d: {  	s30 =	simm.s32 $0x1400;
	[sflag:s20] =	ssyncadd.s32 $0xFFFFC000  }
0x12e: {  	s31 =	simm.s32 $0x4800;
	v8 =	vld [tilespmem:s30+$0x0]  }
0x12f: {  	s0 =	simm.s32 $0x0;
	v9 =	vld [tilespmem:s31+$0x0]  }
0x130: {  	v10 =	vor.u32 s0, v0  }
0x131: {  	v11 =	vor.u32 s0, v1  }
0x132: {  	v12 =	vor.u32 s0, v2  }
0x133: {  	v13 =	vor.u32 s0, v3  }
0x134: {  	v9 =	vadd.s32 v8, v9;
	v8 =	vor.u32 s0, v4  }
0x135: {  	v14 =	vor.u32 s0, v5;
	[tilespmem:v10+s24+$0x0] =	vst.idx.msk $0xffff, v9;
	v10 =	vadd.s32 $0x186A0, v9  }
0x136: {  	[tilespmem:v11+s24+$0x0] =	vst.idx.msk $0xffff, v10;
	v10 =	vadd.s32 $0x30D40, v9;
	v11 =	vor.u32 s0, v6  }
0x137: {  	s1 =	simm.s32 $0x8;
	v59 =	vor.u32 s0, v7;
	[tilespmem:v12+s24+$0x0] =	vst.idx.msk $0xffff, v10;
	v10 =	vadd.s32 $0x493E0, v9  }
0x138: {  	s4 =	simm.s32 $0x9;
	v60 =	vor.u32 s1, v0;
	[tilespmem:v13+s24+$0x0] =	vst.idx.msk $0xffff, v10;
	v10 =	vadd.s32 $0x61A80, v9  }
0x139: {  	s1 =	simm.s32 $0xA;
	[tilespmem:v8+s24+$0x0] =	vst.idx.msk $0xffff, v10;
	v8 =	vadd.s32 $0x7A120, v9;
	v10 =	vor.u32 s4, v1  }
0x13a: {  	v61 =	vor.u32 s1, v2;
	s4 =	simm.s32 $0xB;
	[tilespmem:v14+s24+$0x0] =	vst.idx.msk $0xffff, v8;
	v8 =	vadd.s32 $0x927C0, v9  }
0x13b: {  	s1 =	simm.s32 $0xC;
	[tilespmem:v11+s24+$0x0] =	vst.idx.msk $0xffff, v8;
	v8 =	vadd.s32 $0xAAE60, v9;
	v11 =	vor.u32 s4, v3  }
0x13c: {  	v62 =	vor.u32 s1, v4;
	s4 =	simm.s32 $0xD;
	[tilespmem:v59+s24+$0x0] =	vst.idx.msk $0xffff, v8;
	v8 =	vadd.s32 $0xC3500, v9  }
0x13d: {  	v63 =	vor.u32 s4, v5;
	[tilespmem:v60+s24+$0x0] =	vst.idx.msk $0xffff, v8;
	v8 =	vadd.s32 $0xDBBA0, v9  }
0x13e: {  	[tilespmem:v10+s24+$0x0] =	vst.idx.msk $0xffff, v8;
	v8 =	vadd.s32 $0xF4240, v9  }
0x13f: {  	[tilespmem:v61+s24+$0x0] =	vst.idx.msk $0xffff, v8;
	v8 =	vadd.s32 $0x10C8E0, v9  }
0x140: {  	s1 =	simm.s32 $0xE;
	[tilespmem:v11+s24+$0x0] =	vst.idx.msk $0xffff, v8;
	v8 =	vadd.s32 $0x124F80, v9  }
0x141: {  	s4 =	simm.s32 $0xF;
	v10 =	vor.u32 s1, v6;
	[tilespmem:v62+s24+$0x0] =	vst.idx.msk $0xffff, v8;
	v8 =	vadd.s32 $0x13D620, v9  }
0x142: {  	[tilespmem:v63+s24+$0x0] =	vst.idx.msk $0xffff, v8;
	v8 =	vor.u32 s4, v7;
	_ =	sdelay $0x2  }
0x143: {  	v11 =	vadd.s32 $0x155CC0, v9  }
0x144: {  	s1 =	simm.s32 $0x10F;
	v9 =	vadd.s32 $0x16E360, v9;
	[tilespmem:v10+s24+$0x0] =	vst.idx.msk $0xffff, v11  }
.LBB2_12:
0x145: {  	p0 =	sne.s32 s1, $0x3F0F;
	[tilespmem:v8+s24+$0x0] =	vst.idx.msk $0xffff, v9;
	s30 =	sadd.s32 $0x10, s30;
	s31 =	sadd.s32 $0x10, s31  }
0x146: {  	s0 =	smov.u32 s1;
	s1 =	sadd.s32 $0x100, s1;
	v8 =	vld [tilespmem:s30+$0x0]  }
0x147: {  	s4 =	sadd.s32 $0xFFFFFFF1, s0;
	v9 =	vld [tilespmem:s31+$0x0]  }
0x148: {  	v10 =	vor.u32 s4, v0  }
0x149: {  	v11 =	vor.u32 s4, v1  }
0x14a: {  	v12 =	vor.u32 s4, v2  }
0x14b: {  	v13 =	vor.u32 s4, v3  }
0x14c: {  	v9 =	vadd.s32 v8, v9;
	v8 =	vor.u32 s4, v4  }
0x14d: {  	v14 =	vor.u32 s4, v5;
	[tilespmem:v10+s24+$0x0] =	vst.idx.msk $0xffff, v9;
	v10 =	vadd.s32 $0x186A0, v9  }
0x14e: {  	[tilespmem:v11+s24+$0x0] =	vst.idx.msk $0xffff, v10;
	v10 =	vadd.s32 $0x30D40, v9;
	v11 =	vor.u32 s4, v6  }
0x14f: {  	[tilespmem:v12+s24+$0x0] =	vst.idx.msk $0xffff, v10;
	v10 =	vadd.s32 $0x493E0, v9;
	v12 =	vor.u32 s4, v7;
	s4 =	sadd.s32 $0xFFFFFFF9, s0  }
0x150: {  	[tilespmem:v13+s24+$0x0] =	vst.idx.msk $0xffff, v10;
	v10 =	vadd.s32 $0x61A80, v9;
	v13 =	vor.u32 s4, v0;
	s4 =	sadd.s32 $0xFFFFFFFA, s0  }
0x151: {  	[tilespmem:v8+s24+$0x0] =	vst.idx.msk $0xffff, v10;
	v8 =	vadd.s32 $0x7A120, v9;
	v10 =	vor.u32 s4, v1;
	s4 =	sadd.s32 $0xFFFFFFFB, s0  }
0x152: {  	[tilespmem:v14+s24+$0x0] =	vst.idx.msk $0xffff, v8;
	v8 =	vadd.s32 $0x927C0, v9;
	v14 =	vor.u32 s4, v2;
	s4 =	sadd.s32 $0xFFFFFFFC, s0  }
0x153: {  	[tilespmem:v11+s24+$0x0] =	vst.idx.msk $0xffff, v8;
	v8 =	vadd.s32 $0xAAE60, v9;
	v11 =	vor.u32 s4, v3;
	s4 =	sadd.s32 $0xFFFFFFFD, s0  }
0x154: {  	[tilespmem:v12+s24+$0x0] =	vst.idx.msk $0xffff, v8;
	v8 =	vadd.s32 $0xC3500, v9;
	v12 =	vor.u32 s4, v4;
	s4 =	sadd.s32 $0xFFFFFFFE, s0  }
0x155: {  	[tilespmem:v13+s24+$0x0] =	vst.idx.msk $0xffff, v8;
	v8 =	vadd.s32 $0xDBBA0, v9;
	v13 =	vor.u32 s4, v5;
	s4 =	sadd.s32 $0xFFFFFFFF, s0  }
0x156: {  	[tilespmem:v10+s24+$0x0] =	vst.idx.msk $0xffff, v8;
	v8 =	vadd.s32 $0xF4240, v9;
	v10 =	vor.u32 s4, v6  }
.Ltmp5:
0x157: {  	[tilespmem:v14+s24+$0x0] =	vst.idx.msk $0xffff, v8;
	v14 =	vadd.s32 $0x10C8E0, v9;
	v8 =	vor.u32 s0, v7;
	(pc) =	sbr.rel @p0 .LBB2_12-.Ltmp5, $4  }
0x158: {  	[tilespmem:v11+s24+$0x0] =	vst.idx.msk $0xffff, v14;
	v11 =	vadd.s32 $0x124F80, v9  }
0x159: {  	[tilespmem:v12+s24+$0x0] =	vst.idx.msk $0xffff, v11;
	v11 =	vadd.s32 $0x13D620, v9  }
0x15a: {  	[tilespmem:v13+s24+$0x0] =	vst.idx.msk $0xffff, v11;
	v11 =	vadd.s32 $0x155CC0, v9  }
0x15b: {  	v9 =	vadd.s32 $0x16E360, v9;
	[tilespmem:v10+s24+$0x0] =	vst.idx.msk $0xffff, v11  }
0x15c: {  	_ =	sdelay $0x3  }
0x15d: {  	[tilespmem:v8+s24+$0x0] =	vst.idx.msk $0xffff, v9  }
0x15e: {  	_ =	swait.ge [sflag:s25], $0x4000  }
0x15f: {  	[sflag:s25] =	ssyncset.done $0x0  }
0x160: {  	[sflag:s25] =	ssyncadd.s32 $0xFFFFC000  }
0x161: {  	[tilespmem:s26], [sflag:$0x2] =	stream.indirect.gather [hbm4b:s3+s22], $0x1, s24, s22, $0xb8;
	[tilespmem:$0x16800] =	vst v63  }
0x162: {  	_ = 	snop  }
0x163: {  	[hbm4b:s10+s2] =	stream.linear.scatter [tilespmem:s23], [sflag:$0x3], $0x4000, $0x38;
	[tilespmem:$0x16800] =	vst v63  }
0x164: {  	_ =	swait.ge [sflag:s20], $0x4000  }
0x165: {  	[sflag:s20] =	ssyncset.done $0x0  }
0x166: {  	s30 =	simm.s32 $0x1800;
	[sflag:s20] =	ssyncadd.s32 $0xFFFFC000  }
0x167: {  	s31 =	simm.s32 $0x4C00;
	v8 =	vld [tilespmem:s30+$0x0]  }
0x168: {  	s0 =	simm.s32 $0x0;
	v9 =	vld [tilespmem:s31+$0x0]  }
0x169: {  	v10 =	vor.u32 s0, v0  }
0x16a: {  	v11 =	vor.u32 s0, v1  }
0x16b: {  	v12 =	vor.u32 s0, v2  }
0x16c: {  	v13 =	vor.u32 s0, v3  }
0x16d: {  	v9 =	vadd.s32 v8, v9;
	v8 =	vor.u32 s0, v4  }
0x16e: {  	v14 =	vor.u32 s0, v5;
	[tilespmem:v10+s21+$0x0] =	vst.idx.msk $0xffff, v9;
	v10 =	vadd.s32 $0x186A0, v9  }
0x16f: {  	[tilespmem:v11+s21+$0x0] =	vst.idx.msk $0xffff, v10;
	v10 =	vadd.s32 $0x30D40, v9;
	v11 =	vor.u32 s0, v6  }
0x170: {  	s1 =	simm.s32 $0x8;
	v59 =	vor.u32 s0, v7;
	[tilespmem:v12+s21+$0x0] =	vst.idx.msk $0xffff, v10;
	v10 =	vadd.s32 $0x493E0, v9  }
0x171: {  	s4 =	simm.s32 $0x9;
	v60 =	vor.u32 s1, v0;
	[tilespmem:v13+s21+$0x0] =	vst.idx.msk $0xffff, v10;
	v10 =	vadd.s32 $0x61A80, v9  }
0x172: {  	s1 =	simm.s32 $0xA;
	[tilespmem:v8+s21+$0x0] =	vst.idx.msk $0xffff, v10;
	v8 =	vadd.s32 $0x7A120, v9;
	v10 =	vor.u32 s4, v1  }
0x173: {  	v61 =	vor.u32 s1, v2;
	s4 =	simm.s32 $0xB;
	[tilespmem:v14+s21+$0x0] =	vst.idx.msk $0xffff, v8;
	v8 =	vadd.s32 $0x927C0, v9  }
0x174: {  	s1 =	simm.s32 $0xC;
	[tilespmem:v11+s21+$0x0] =	vst.idx.msk $0xffff, v8;
	v8 =	vadd.s32 $0xAAE60, v9;
	v11 =	vor.u32 s4, v3  }
0x175: {  	v62 =	vor.u32 s1, v4;
	s4 =	simm.s32 $0xD;
	[tilespmem:v59+s21+$0x0] =	vst.idx.msk $0xffff, v8;
	v8 =	vadd.s32 $0xC3500, v9  }
0x176: {  	v63 =	vor.u32 s4, v5;
	[tilespmem:v60+s21+$0x0] =	vst.idx.msk $0xffff, v8;
	v8 =	vadd.s32 $0xDBBA0, v9  }
0x177: {  	[tilespmem:v10+s21+$0x0] =	vst.idx.msk $0xffff, v8;
	v8 =	vadd.s32 $0xF4240, v9  }
0x178: {  	[tilespmem:v61+s21+$0x0] =	vst.idx.msk $0xffff, v8;
	v8 =	vadd.s32 $0x10C8E0, v9  }
0x179: {  	s1 =	simm.s32 $0xE;
	[tilespmem:v11+s21+$0x0] =	vst.idx.msk $0xffff, v8;
	v8 =	vadd.s32 $0x124F80, v9  }
0x17a: {  	s4 =	simm.s32 $0xF;
	v10 =	vor.u32 s1, v6;
	[tilespmem:v62+s21+$0x0] =	vst.idx.msk $0xffff, v8;
	v8 =	vadd.s32 $0x13D620, v9  }
0x17b: {  	[tilespmem:v63+s21+$0x0] =	vst.idx.msk $0xffff, v8;
	v8 =	vor.u32 s4, v7;
	_ =	sdelay $0x2  }
0x17c: {  	v11 =	vadd.s32 $0x155CC0, v9  }
0x17d: {  	s1 =	simm.s32 $0x10F;
	v9 =	vadd.s32 $0x16E360, v9;
	[tilespmem:v10+s21+$0x0] =	vst.idx.msk $0xffff, v11  }
.LBB2_14:
0x17e: {  	p0 =	sne.s32 s1, $0x3F0F;
	[tilespmem:v8+s21+$0x0] =	vst.idx.msk $0xffff, v9;
	s30 =	sadd.s32 $0x10, s30;
	s31 =	sadd.s32 $0x10, s31  }
0x17f: {  	s0 =	smov.u32 s1;
	s1 =	sadd.s32 $0x100, s1;
	v8 =	vld [tilespmem:s30+$0x0]  }
0x180: {  	s4 =	sadd.s32 $0xFFFFFFF1, s0;
	v9 =	vld [tilespmem:s31+$0x0]  }
0x181: {  	v10 =	vor.u32 s4, v0  }
0x182: {  	v11 =	vor.u32 s4, v1  }
0x183: {  	v12 =	vor.u32 s4, v2  }
0x184: {  	v13 =	vor.u32 s4, v3  }
0x185: {  	v9 =	vadd.s32 v8, v9;
	v8 =	vor.u32 s4, v4  }
0x186: {  	v14 =	vor.u32 s4, v5;
	[tilespmem:v10+s21+$0x0] =	vst.idx.msk $0xffff, v9;
	v10 =	vadd.s32 $0x186A0, v9  }
0x187: {  	[tilespmem:v11+s21+$0x0] =	vst.idx.msk $0xffff, v10;
	v10 =	vadd.s32 $0x30D40, v9;
	v11 =	vor.u32 s4, v6  }
0x188: {  	[tilespmem:v12+s21+$0x0] =	vst.idx.msk $0xffff, v10;
	v10 =	vadd.s32 $0x493E0, v9;
	v12 =	vor.u32 s4, v7;
	s4 =	sadd.s32 $0xFFFFFFF9, s0  }
0x189: {  	[tilespmem:v13+s21+$0x0] =	vst.idx.msk $0xffff, v10;
	v10 =	vadd.s32 $0x61A80, v9;
	v13 =	vor.u32 s4, v0;
	s4 =	sadd.s32 $0xFFFFFFFA, s0  }
0x18a: {  	[tilespmem:v8+s21+$0x0] =	vst.idx.msk $0xffff, v10;
	v8 =	vadd.s32 $0x7A120, v9;
	v10 =	vor.u32 s4, v1;
	s4 =	sadd.s32 $0xFFFFFFFB, s0  }
0x18b: {  	[tilespmem:v14+s21+$0x0] =	vst.idx.msk $0xffff, v8;
	v8 =	vadd.s32 $0x927C0, v9;
	v14 =	vor.u32 s4, v2;
	s4 =	sadd.s32 $0xFFFFFFFC, s0  }
0x18c: {  	[tilespmem:v11+s21+$0x0] =	vst.idx.msk $0xffff, v8;
	v8 =	vadd.s32 $0xAAE60, v9;
	v11 =	vor.u32 s4, v3;
	s4 =	sadd.s32 $0xFFFFFFFD, s0  }
0x18d: {  	[tilespmem:v12+s21+$0x0] =	vst.idx.msk $0xffff, v8;
	v8 =	vadd.s32 $0xC3500, v9;
	v12 =	vor.u32 s4, v4;
	s4 =	sadd.s32 $0xFFFFFFFE, s0  }
0x18e: {  	[tilespmem:v13+s21+$0x0] =	vst.idx.msk $0xffff, v8;
	v8 =	vadd.s32 $0xDBBA0, v9;
	v13 =	vor.u32 s4, v5;
	s4 =	sadd.s32 $0xFFFFFFFF, s0  }
0x18f: {  	[tilespmem:v10+s21+$0x0] =	vst.idx.msk $0xffff, v8;
	v8 =	vadd.s32 $0xF4240, v9;
	v10 =	vor.u32 s4, v6  }
.Ltmp6:
0x190: {  	[tilespmem:v14+s21+$0x0] =	vst.idx.msk $0xffff, v8;
	v14 =	vadd.s32 $0x10C8E0, v9;
	v8 =	vor.u32 s0, v7;
	(pc) =	sbr.rel @p0 .LBB2_14-.Ltmp6, $4  }
0x191: {  	[tilespmem:v11+s21+$0x0] =	vst.idx.msk $0xffff, v14;
	v11 =	vadd.s32 $0x124F80, v9  }
0x192: {  	[tilespmem:v12+s21+$0x0] =	vst.idx.msk $0xffff, v11;
	v11 =	vadd.s32 $0x13D620, v9  }
0x193: {  	[tilespmem:v13+s21+$0x0] =	vst.idx.msk $0xffff, v11;
	v11 =	vadd.s32 $0x155CC0, v9  }
0x194: {  	v9 =	vadd.s32 $0x16E360, v9;
	[tilespmem:v10+s21+$0x0] =	vst.idx.msk $0xffff, v11  }
0x195: {  	_ =	sdelay $0x3  }
0x196: {  	[tilespmem:v8+s21+$0x0] =	vst.idx.msk $0xffff, v9  }
0x197: {  	_ =	swait.ge [sflag:s28], $0x4000  }
0x198: {  	[sflag:s28] =	ssyncset.done $0x0  }
0x199: {  	[sflag:s28] =	ssyncadd.s32 $0xFFFFC000  }
0x19a: {  	[tilespmem:s23], [sflag:$0x1] =	stream.indirect.gather [hbm4b:s3+s22], $0x1, s21, s22, $0xb8;
	[tilespmem:$0x16800] =	vst v63  }
0x19b: {  	_ = 	snop  }
0x19c: {  	[hbm4b:s11+s2] =	stream.linear.scatter [tilespmem:s26], [sflag:$0x3], $0x4000, $0x38;
	[tilespmem:$0x16800] =	vst v63  }
0x19d: {  	_ =	swait.ge [sflag:s20], $0x4000  }
0x19e: {  	[sflag:s20] =	ssyncset.done $0x0  }
0x19f: {  	s30 =	simm.s32 $0x1C00;
	[sflag:s20] =	ssyncadd.s32 $0xFFFFC000  }
0x1a0: {  	s31 =	simm.s32 $0x5000;
	v8 =	vld [tilespmem:s30+$0x0]  }
0x1a1: {  	s0 =	simm.s32 $0x0;
	v9 =	vld [tilespmem:s31+$0x0]  }
0x1a2: {  	v10 =	vor.u32 s0, v0  }
0x1a3: {  	v11 =	vor.u32 s0, v1  }
0x1a4: {  	v12 =	vor.u32 s0, v2  }
0x1a5: {  	v13 =	vor.u32 s0, v3  }
0x1a6: {  	v9 =	vadd.s32 v8, v9;
	v8 =	vor.u32 s0, v4  }
0x1a7: {  	v14 =	vor.u32 s0, v5;
	[tilespmem:v10+s24+$0x0] =	vst.idx.msk $0xffff, v9;
	v10 =	vadd.s32 $0x186A0, v9  }
0x1a8: {  	[tilespmem:v11+s24+$0x0] =	vst.idx.msk $0xffff, v10;
	v10 =	vadd.s32 $0x30D40, v9;
	v11 =	vor.u32 s0, v6  }
0x1a9: {  	s1 =	simm.s32 $0x8;
	v59 =	vor.u32 s0, v7;
	[tilespmem:v12+s24+$0x0] =	vst.idx.msk $0xffff, v10;
	v10 =	vadd.s32 $0x493E0, v9  }
0x1aa: {  	s4 =	simm.s32 $0x9;
	v60 =	vor.u32 s1, v0;
	[tilespmem:v13+s24+$0x0] =	vst.idx.msk $0xffff, v10;
	v10 =	vadd.s32 $0x61A80, v9  }
0x1ab: {  	s1 =	simm.s32 $0xA;
	[tilespmem:v8+s24+$0x0] =	vst.idx.msk $0xffff, v10;
	v8 =	vadd.s32 $0x7A120, v9;
	v10 =	vor.u32 s4, v1  }
0x1ac: {  	v61 =	vor.u32 s1, v2;
	s4 =	simm.s32 $0xB;
	[tilespmem:v14+s24+$0x0] =	vst.idx.msk $0xffff, v8;
	v8 =	vadd.s32 $0x927C0, v9  }
0x1ad: {  	s1 =	simm.s32 $0xC;
	[tilespmem:v11+s24+$0x0] =	vst.idx.msk $0xffff, v8;
	v8 =	vadd.s32 $0xAAE60, v9;
	v11 =	vor.u32 s4, v3  }
0x1ae: {  	v62 =	vor.u32 s1, v4;
	s4 =	simm.s32 $0xD;
	[tilespmem:v59+s24+$0x0] =	vst.idx.msk $0xffff, v8;
	v8 =	vadd.s32 $0xC3500, v9  }
0x1af: {  	v63 =	vor.u32 s4, v5;
	[tilespmem:v60+s24+$0x0] =	vst.idx.msk $0xffff, v8;
	v8 =	vadd.s32 $0xDBBA0, v9  }
0x1b0: {  	[tilespmem:v10+s24+$0x0] =	vst.idx.msk $0xffff, v8;
	v8 =	vadd.s32 $0xF4240, v9  }
0x1b1: {  	[tilespmem:v61+s24+$0x0] =	vst.idx.msk $0xffff, v8;
	v8 =	vadd.s32 $0x10C8E0, v9  }
0x1b2: {  	s1 =	simm.s32 $0xE;
	[tilespmem:v11+s24+$0x0] =	vst.idx.msk $0xffff, v8;
	v8 =	vadd.s32 $0x124F80, v9  }
0x1b3: {  	s4 =	simm.s32 $0xF;
	v10 =	vor.u32 s1, v6;
	[tilespmem:v62+s24+$0x0] =	vst.idx.msk $0xffff, v8;
	v8 =	vadd.s32 $0x13D620, v9  }
0x1b4: {  	[tilespmem:v63+s24+$0x0] =	vst.idx.msk $0xffff, v8;
	v8 =	vor.u32 s4, v7;
	_ =	sdelay $0x2  }
0x1b5: {  	v11 =	vadd.s32 $0x155CC0, v9  }
0x1b6: {  	s1 =	simm.s32 $0x10F;
	v9 =	vadd.s32 $0x16E360, v9;
	[tilespmem:v10+s24+$0x0] =	vst.idx.msk $0xffff, v11  }
.LBB2_16:
0x1b7: {  	p0 =	sne.s32 s1, $0x3F0F;
	[tilespmem:v8+s24+$0x0] =	vst.idx.msk $0xffff, v9;
	s30 =	sadd.s32 $0x10, s30;
	s31 =	sadd.s32 $0x10, s31  }
0x1b8: {  	s0 =	smov.u32 s1;
	s1 =	sadd.s32 $0x100, s1;
	v8 =	vld [tilespmem:s30+$0x0]  }
0x1b9: {  	s4 =	sadd.s32 $0xFFFFFFF1, s0;
	v9 =	vld [tilespmem:s31+$0x0]  }
0x1ba: {  	v10 =	vor.u32 s4, v0  }
0x1bb: {  	v11 =	vor.u32 s4, v1  }
0x1bc: {  	v12 =	vor.u32 s4, v2  }
0x1bd: {  	v13 =	vor.u32 s4, v3  }
0x1be: {  	v9 =	vadd.s32 v8, v9;
	v8 =	vor.u32 s4, v4  }
0x1bf: {  	v14 =	vor.u32 s4, v5;
	[tilespmem:v10+s24+$0x0] =	vst.idx.msk $0xffff, v9;
	v10 =	vadd.s32 $0x186A0, v9  }
0x1c0: {  	[tilespmem:v11+s24+$0x0] =	vst.idx.msk $0xffff, v10;
	v10 =	vadd.s32 $0x30D40, v9;
	v11 =	vor.u32 s4, v6  }
0x1c1: {  	[tilespmem:v12+s24+$0x0] =	vst.idx.msk $0xffff, v10;
	v10 =	vadd.s32 $0x493E0, v9;
	v12 =	vor.u32 s4, v7;
	s4 =	sadd.s32 $0xFFFFFFF9, s0  }
0x1c2: {  	[tilespmem:v13+s24+$0x0] =	vst.idx.msk $0xffff, v10;
	v10 =	vadd.s32 $0x61A80, v9;
	v13 =	vor.u32 s4, v0;
	s4 =	sadd.s32 $0xFFFFFFFA, s0  }
0x1c3: {  	[tilespmem:v8+s24+$0x0] =	vst.idx.msk $0xffff, v10;
	v8 =	vadd.s32 $0x7A120, v9;
	v10 =	vor.u32 s4, v1;
	s4 =	sadd.s32 $0xFFFFFFFB, s0  }
0x1c4: {  	[tilespmem:v14+s24+$0x0] =	vst.idx.msk $0xffff, v8;
	v8 =	vadd.s32 $0x927C0, v9;
	v14 =	vor.u32 s4, v2;
	s4 =	sadd.s32 $0xFFFFFFFC, s0  }
0x1c5: {  	[tilespmem:v11+s24+$0x0] =	vst.idx.msk $0xffff, v8;
	v8 =	vadd.s32 $0xAAE60, v9;
	v11 =	vor.u32 s4, v3;
	s4 =	sadd.s32 $0xFFFFFFFD, s0  }
0x1c6: {  	[tilespmem:v12+s24+$0x0] =	vst.idx.msk $0xffff, v8;
	v8 =	vadd.s32 $0xC3500, v9;
	v12 =	vor.u32 s4, v4;
	s4 =	sadd.s32 $0xFFFFFFFE, s0  }
0x1c7: {  	[tilespmem:v13+s24+$0x0] =	vst.idx.msk $0xffff, v8;
	v8 =	vadd.s32 $0xDBBA0, v9;
	v13 =	vor.u32 s4, v5;
	s4 =	sadd.s32 $0xFFFFFFFF, s0  }
0x1c8: {  	[tilespmem:v10+s24+$0x0] =	vst.idx.msk $0xffff, v8;
	v8 =	vadd.s32 $0xF4240, v9;
	v10 =	vor.u32 s4, v6  }
.Ltmp7:
0x1c9: {  	[tilespmem:v14+s24+$0x0] =	vst.idx.msk $0xffff, v8;
	v14 =	vadd.s32 $0x10C8E0, v9;
	v8 =	vor.u32 s0, v7;
	(pc) =	sbr.rel @p0 .LBB2_16-.Ltmp7, $4  }
0x1ca: {  	[tilespmem:v11+s24+$0x0] =	vst.idx.msk $0xffff, v14;
	v11 =	vadd.s32 $0x124F80, v9  }
0x1cb: {  	[tilespmem:v12+s24+$0x0] =	vst.idx.msk $0xffff, v11;
	v11 =	vadd.s32 $0x13D620, v9  }
0x1cc: {  	[tilespmem:v13+s24+$0x0] =	vst.idx.msk $0xffff, v11;
	v11 =	vadd.s32 $0x155CC0, v9  }
0x1cd: {  	v9 =	vadd.s32 $0x16E360, v9;
	[tilespmem:v10+s24+$0x0] =	vst.idx.msk $0xffff, v11  }
0x1ce: {  	_ =	sdelay $0x3  }
0x1cf: {  	[tilespmem:v8+s24+$0x0] =	vst.idx.msk $0xffff, v9  }
0x1d0: {  	_ =	swait.ge [sflag:s25], $0x4000  }
0x1d1: {  	[sflag:s25] =	ssyncset.done $0x0  }
0x1d2: {  	[sflag:s25] =	ssyncadd.s32 $0xFFFFC000  }
0x1d3: {  	[tilespmem:s26], [sflag:$0x2] =	stream.indirect.gather [hbm4b:s3+s22], $0x1, s24, s22, $0xb8;
	[tilespmem:$0x16800] =	vst v63  }
0x1d4: {  	_ = 	snop  }
0x1d5: {  	[hbm4b:s12+s2] =	stream.linear.scatter [tilespmem:s23], [sflag:$0x3], $0x4000, $0x38;
	[tilespmem:$0x16800] =	vst v63  }
0x1d6: {  	_ =	swait.ge [sflag:s20], $0x4000  }
0x1d7: {  	[sflag:s20] =	ssyncset.done $0x0  }
0x1d8: {  	s30 =	simm.s32 $0x2000;
	[sflag:s20] =	ssyncadd.s32 $0xFFFFC000  }
0x1d9: {  	s31 =	simm.s32 $0x5400;
	v8 =	vld [tilespmem:s30+$0x0]  }
0x1da: {  	s0 =	simm.s32 $0x0;
	v9 =	vld [tilespmem:s31+$0x0]  }
0x1db: {  	v10 =	vor.u32 s0, v0  }
0x1dc: {  	v11 =	vor.u32 s0, v1  }
0x1dd: {  	v12 =	vor.u32 s0, v2  }
0x1de: {  	v13 =	vor.u32 s0, v3  }
0x1df: {  	v9 =	vadd.s32 v8, v9;
	v8 =	vor.u32 s0, v4  }
0x1e0: {  	v14 =	vor.u32 s0, v5;
	[tilespmem:v10+s21+$0x0] =	vst.idx.msk $0xffff, v9;
	v10 =	vadd.s32 $0x186A0, v9  }
0x1e1: {  	[tilespmem:v11+s21+$0x0] =	vst.idx.msk $0xffff, v10;
	v10 =	vadd.s32 $0x30D40, v9;
	v11 =	vor.u32 s0, v6  }
0x1e2: {  	s1 =	simm.s32 $0x8;
	v59 =	vor.u32 s0, v7;
	[tilespmem:v12+s21+$0x0] =	vst.idx.msk $0xffff, v10;
	v10 =	vadd.s32 $0x493E0, v9  }
0x1e3: {  	s4 =	simm.s32 $0x9;
	v60 =	vor.u32 s1, v0;
	[tilespmem:v13+s21+$0x0] =	vst.idx.msk $0xffff, v10;
	v10 =	vadd.s32 $0x61A80, v9  }
0x1e4: {  	s1 =	simm.s32 $0xA;
	[tilespmem:v8+s21+$0x0] =	vst.idx.msk $0xffff, v10;
	v8 =	vadd.s32 $0x7A120, v9;
	v10 =	vor.u32 s4, v1  }
0x1e5: {  	v61 =	vor.u32 s1, v2;
	s4 =	simm.s32 $0xB;
	[tilespmem:v14+s21+$0x0] =	vst.idx.msk $0xffff, v8;
	v8 =	vadd.s32 $0x927C0, v9  }
0x1e6: {  	s1 =	simm.s32 $0xC;
	[tilespmem:v11+s21+$0x0] =	vst.idx.msk $0xffff, v8;
	v8 =	vadd.s32 $0xAAE60, v9;
	v11 =	vor.u32 s4, v3  }
0x1e7: {  	v62 =	vor.u32 s1, v4;
	s4 =	simm.s32 $0xD;
	[tilespmem:v59+s21+$0x0] =	vst.idx.msk $0xffff, v8;
	v8 =	vadd.s32 $0xC3500, v9  }
0x1e8: {  	v63 =	vor.u32 s4, v5;
	[tilespmem:v60+s21+$0x0] =	vst.idx.msk $0xffff, v8;
	v8 =	vadd.s32 $0xDBBA0, v9  }
0x1e9: {  	[tilespmem:v10+s21+$0x0] =	vst.idx.msk $0xffff, v8;
	v8 =	vadd.s32 $0xF4240, v9  }
0x1ea: {  	[tilespmem:v61+s21+$0x0] =	vst.idx.msk $0xffff, v8;
	v8 =	vadd.s32 $0x10C8E0, v9  }
0x1eb: {  	s1 =	simm.s32 $0xE;
	[tilespmem:v11+s21+$0x0] =	vst.idx.msk $0xffff, v8;
	v8 =	vadd.s32 $0x124F80, v9  }
0x1ec: {  	s4 =	simm.s32 $0xF;
	v10 =	vor.u32 s1, v6;
	[tilespmem:v62+s21+$0x0] =	vst.idx.msk $0xffff, v8;
	v8 =	vadd.s32 $0x13D620, v9  }
0x1ed: {  	[tilespmem:v63+s21+$0x0] =	vst.idx.msk $0xffff, v8;
	v8 =	vor.u32 s4, v7;
	_ =	sdelay $0x2  }
0x1ee: {  	v11 =	vadd.s32 $0x155CC0, v9  }
0x1ef: {  	s1 =	simm.s32 $0x10F;
	v9 =	vadd.s32 $0x16E360, v9;
	[tilespmem:v10+s21+$0x0] =	vst.idx.msk $0xffff, v11  }
.LBB2_18:
0x1f0: {  	p0 =	sne.s32 s1, $0x3F0F;
	[tilespmem:v8+s21+$0x0] =	vst.idx.msk $0xffff, v9;
	s30 =	sadd.s32 $0x10, s30;
	s31 =	sadd.s32 $0x10, s31  }
0x1f1: {  	s0 =	smov.u32 s1;
	s1 =	sadd.s32 $0x100, s1;
	v8 =	vld [tilespmem:s30+$0x0]  }
0x1f2: {  	s4 =	sadd.s32 $0xFFFFFFF1, s0;
	v9 =	vld [tilespmem:s31+$0x0]  }
0x1f3: {  	v10 =	vor.u32 s4, v0  }
0x1f4: {  	v11 =	vor.u32 s4, v1  }
0x1f5: {  	v12 =	vor.u32 s4, v2  }
0x1f6: {  	v13 =	vor.u32 s4, v3  }
0x1f7: {  	v9 =	vadd.s32 v8, v9;
	v8 =	vor.u32 s4, v4  }
0x1f8: {  	v14 =	vor.u32 s4, v5;
	[tilespmem:v10+s21+$0x0] =	vst.idx.msk $0xffff, v9;
	v10 =	vadd.s32 $0x186A0, v9  }
0x1f9: {  	[tilespmem:v11+s21+$0x0] =	vst.idx.msk $0xffff, v10;
	v10 =	vadd.s32 $0x30D40, v9;
	v11 =	vor.u32 s4, v6  }
0x1fa: {  	[tilespmem:v12+s21+$0x0] =	vst.idx.msk $0xffff, v10;
	v10 =	vadd.s32 $0x493E0, v9;
	v12 =	vor.u32 s4, v7;
	s4 =	sadd.s32 $0xFFFFFFF9, s0  }
0x1fb: {  	[tilespmem:v13+s21+$0x0] =	vst.idx.msk $0xffff, v10;
	v10 =	vadd.s32 $0x61A80, v9;
	v13 =	vor.u32 s4, v0;
	s4 =	sadd.s32 $0xFFFFFFFA, s0  }
0x1fc: {  	[tilespmem:v8+s21+$0x0] =	vst.idx.msk $0xffff, v10;
	v8 =	vadd.s32 $0x7A120, v9;
	v10 =	vor.u32 s4, v1;
	s4 =	sadd.s32 $0xFFFFFFFB, s0  }
0x1fd: {  	[tilespmem:v14+s21+$0x0] =	vst.idx.msk $0xffff, v8;
	v8 =	vadd.s32 $0x927C0, v9;
	v14 =	vor.u32 s4, v2;
	s4 =	sadd.s32 $0xFFFFFFFC, s0  }
0x1fe: {  	[tilespmem:v11+s21+$0x0] =	vst.idx.msk $0xffff, v8;
	v8 =	vadd.s32 $0xAAE60, v9;
	v11 =	vor.u32 s4, v3;
	s4 =	sadd.s32 $0xFFFFFFFD, s0  }
0x1ff: {  	[tilespmem:v12+s21+$0x0] =	vst.idx.msk $0xffff, v8;
	v8 =	vadd.s32 $0xC3500, v9;
	v12 =	vor.u32 s4, v4;
	s4 =	sadd.s32 $0xFFFFFFFE, s0  }
0x200: {  	[tilespmem:v13+s21+$0x0] =	vst.idx.msk $0xffff, v8;
	v8 =	vadd.s32 $0xDBBA0, v9;
	v13 =	vor.u32 s4, v5;
	s4 =	sadd.s32 $0xFFFFFFFF, s0  }
0x201: {  	[tilespmem:v10+s21+$0x0] =	vst.idx.msk $0xffff, v8;
	v8 =	vadd.s32 $0xF4240, v9;
	v10 =	vor.u32 s4, v6  }
.Ltmp8:
0x202: {  	[tilespmem:v14+s21+$0x0] =	vst.idx.msk $0xffff, v8;
	v14 =	vadd.s32 $0x10C8E0, v9;
	v8 =	vor.u32 s0, v7;
	(pc) =	sbr.rel @p0 .LBB2_18-.Ltmp8, $4  }
0x203: {  	[tilespmem:v11+s21+$0x0] =	vst.idx.msk $0xffff, v14;
	v11 =	vadd.s32 $0x124F80, v9  }
0x204: {  	[tilespmem:v12+s21+$0x0] =	vst.idx.msk $0xffff, v11;
	v11 =	vadd.s32 $0x13D620, v9  }
0x205: {  	[tilespmem:v13+s21+$0x0] =	vst.idx.msk $0xffff, v11;
	v11 =	vadd.s32 $0x155CC0, v9  }
0x206: {  	v9 =	vadd.s32 $0x16E360, v9;
	[tilespmem:v10+s21+$0x0] =	vst.idx.msk $0xffff, v11  }
0x207: {  	_ =	sdelay $0x3  }
0x208: {  	[tilespmem:v8+s21+$0x0] =	vst.idx.msk $0xffff, v9  }
0x209: {  	_ =	swait.ge [sflag:s28], $0x4000  }
0x20a: {  	[sflag:s28] =	ssyncset.done $0x0  }
0x20b: {  	[sflag:s28] =	ssyncadd.s32 $0xFFFFC000  }
0x20c: {  	[tilespmem:s23], [sflag:$0x1] =	stream.indirect.gather [hbm4b:s3+s22], $0x1, s21, s22, $0xb8;
	[tilespmem:$0x16800] =	vst v63  }
0x20d: {  	_ = 	snop  }
0x20e: {  	[hbm4b:s13+s2] =	stream.linear.scatter [tilespmem:s26], [sflag:$0x3], $0x4000, $0x38;
	[tilespmem:$0x16800] =	vst v63  }
0x20f: {  	_ =	swait.ge [sflag:s20], $0x4000  }
0x210: {  	[sflag:s20] =	ssyncset.done $0x0  }
0x211: {  	s30 =	simm.s32 $0x2400;
	[sflag:s20] =	ssyncadd.s32 $0xFFFFC000  }
0x212: {  	s31 =	simm.s32 $0x5800;
	v8 =	vld [tilespmem:s30+$0x0]  }
0x213: {  	s0 =	simm.s32 $0x0;
	v9 =	vld [tilespmem:s31+$0x0]  }
0x214: {  	v10 =	vor.u32 s0, v0  }
0x215: {  	v11 =	vor.u32 s0, v1  }
0x216: {  	v12 =	vor.u32 s0, v2  }
0x217: {  	v13 =	vor.u32 s0, v3  }
0x218: {  	v9 =	vadd.s32 v8, v9;
	v8 =	vor.u32 s0, v4  }
0x219: {  	v14 =	vor.u32 s0, v5;
	[tilespmem:v10+s24+$0x0] =	vst.idx.msk $0xffff, v9;
	v10 =	vadd.s32 $0x186A0, v9  }
0x21a: {  	[tilespmem:v11+s24+$0x0] =	vst.idx.msk $0xffff, v10;
	v10 =	vadd.s32 $0x30D40, v9;
	v11 =	vor.u32 s0, v6  }
0x21b: {  	s1 =	simm.s32 $0x8;
	v59 =	vor.u32 s0, v7;
	[tilespmem:v12+s24+$0x0] =	vst.idx.msk $0xffff, v10;
	v10 =	vadd.s32 $0x493E0, v9  }
0x21c: {  	s4 =	simm.s32 $0x9;
	v60 =	vor.u32 s1, v0;
	[tilespmem:v13+s24+$0x0] =	vst.idx.msk $0xffff, v10;
	v10 =	vadd.s32 $0x61A80, v9  }
0x21d: {  	s1 =	simm.s32 $0xA;
	[tilespmem:v8+s24+$0x0] =	vst.idx.msk $0xffff, v10;
	v8 =	vadd.s32 $0x7A120, v9;
	v10 =	vor.u32 s4, v1  }
0x21e: {  	v61 =	vor.u32 s1, v2;
	s4 =	simm.s32 $0xB;
	[tilespmem:v14+s24+$0x0] =	vst.idx.msk $0xffff, v8;
	v8 =	vadd.s32 $0x927C0, v9  }
0x21f: {  	s1 =	simm.s32 $0xC;
	[tilespmem:v11+s24+$0x0] =	vst.idx.msk $0xffff, v8;
	v8 =	vadd.s32 $0xAAE60, v9;
	v11 =	vor.u32 s4, v3  }
0x220: {  	v62 =	vor.u32 s1, v4;
	s4 =	simm.s32 $0xD;
	[tilespmem:v59+s24+$0x0] =	vst.idx.msk $0xffff, v8;
	v8 =	vadd.s32 $0xC3500, v9  }
0x221: {  	v63 =	vor.u32 s4, v5;
	[tilespmem:v60+s24+$0x0] =	vst.idx.msk $0xffff, v8;
	v8 =	vadd.s32 $0xDBBA0, v9  }
0x222: {  	[tilespmem:v10+s24+$0x0] =	vst.idx.msk $0xffff, v8;
	v8 =	vadd.s32 $0xF4240, v9  }
0x223: {  	[tilespmem:v61+s24+$0x0] =	vst.idx.msk $0xffff, v8;
	v8 =	vadd.s32 $0x10C8E0, v9  }
0x224: {  	s1 =	simm.s32 $0xE;
	[tilespmem:v11+s24+$0x0] =	vst.idx.msk $0xffff, v8;
	v8 =	vadd.s32 $0x124F80, v9  }
0x225: {  	s4 =	simm.s32 $0xF;
	v10 =	vor.u32 s1, v6;
	[tilespmem:v62+s24+$0x0] =	vst.idx.msk $0xffff, v8;
	v8 =	vadd.s32 $0x13D620, v9  }
0x226: {  	[tilespmem:v63+s24+$0x0] =	vst.idx.msk $0xffff, v8;
	v8 =	vor.u32 s4, v7;
	_ =	sdelay $0x2  }
0x227: {  	v11 =	vadd.s32 $0x155CC0, v9  }
0x228: {  	s1 =	simm.s32 $0x10F;
	v9 =	vadd.s32 $0x16E360, v9;
	[tilespmem:v10+s24+$0x0] =	vst.idx.msk $0xffff, v11  }
.LBB2_20:
0x229: {  	p0 =	sne.s32 s1, $0x3F0F;
	[tilespmem:v8+s24+$0x0] =	vst.idx.msk $0xffff, v9;
	s30 =	sadd.s32 $0x10, s30;
	s31 =	sadd.s32 $0x10, s31  }
0x22a: {  	s0 =	smov.u32 s1;
	s1 =	sadd.s32 $0x100, s1;
	v8 =	vld [tilespmem:s30+$0x0]  }
0x22b: {  	s4 =	sadd.s32 $0xFFFFFFF1, s0;
	v9 =	vld [tilespmem:s31+$0x0]  }
0x22c: {  	v10 =	vor.u32 s4, v0  }
0x22d: {  	v11 =	vor.u32 s4, v1  }
0x22e: {  	v12 =	vor.u32 s4, v2  }
0x22f: {  	v13 =	vor.u32 s4, v3  }
0x230: {  	v9 =	vadd.s32 v8, v9;
	v8 =	vor.u32 s4, v4  }
0x231: {  	v14 =	vor.u32 s4, v5;
	[tilespmem:v10+s24+$0x0] =	vst.idx.msk $0xffff, v9;
	v10 =	vadd.s32 $0x186A0, v9  }
0x232: {  	[tilespmem:v11+s24+$0x0] =	vst.idx.msk $0xffff, v10;
	v10 =	vadd.s32 $0x30D40, v9;
	v11 =	vor.u32 s4, v6  }
0x233: {  	[tilespmem:v12+s24+$0x0] =	vst.idx.msk $0xffff, v10;
	v10 =	vadd.s32 $0x493E0, v9;
	v12 =	vor.u32 s4, v7;
	s4 =	sadd.s32 $0xFFFFFFF9, s0  }
0x234: {  	[tilespmem:v13+s24+$0x0] =	vst.idx.msk $0xffff, v10;
	v10 =	vadd.s32 $0x61A80, v9;
	v13 =	vor.u32 s4, v0;
	s4 =	sadd.s32 $0xFFFFFFFA, s0  }
0x235: {  	[tilespmem:v8+s24+$0x0] =	vst.idx.msk $0xffff, v10;
	v8 =	vadd.s32 $0x7A120, v9;
	v10 =	vor.u32 s4, v1;
	s4 =	sadd.s32 $0xFFFFFFFB, s0  }
0x236: {  	[tilespmem:v14+s24+$0x0] =	vst.idx.msk $0xffff, v8;
	v8 =	vadd.s32 $0x927C0, v9;
	v14 =	vor.u32 s4, v2;
	s4 =	sadd.s32 $0xFFFFFFFC, s0  }
0x237: {  	[tilespmem:v11+s24+$0x0] =	vst.idx.msk $0xffff, v8;
	v8 =	vadd.s32 $0xAAE60, v9;
	v11 =	vor.u32 s4, v3;
	s4 =	sadd.s32 $0xFFFFFFFD, s0  }
0x238: {  	[tilespmem:v12+s24+$0x0] =	vst.idx.msk $0xffff, v8;
	v8 =	vadd.s32 $0xC3500, v9;
	v12 =	vor.u32 s4, v4;
	s4 =	sadd.s32 $0xFFFFFFFE, s0  }
0x239: {  	[tilespmem:v13+s24+$0x0] =	vst.idx.msk $0xffff, v8;
	v8 =	vadd.s32 $0xDBBA0, v9;
	v13 =	vor.u32 s4, v5;
	s4 =	sadd.s32 $0xFFFFFFFF, s0  }
0x23a: {  	[tilespmem:v10+s24+$0x0] =	vst.idx.msk $0xffff, v8;
	v8 =	vadd.s32 $0xF4240, v9;
	v10 =	vor.u32 s4, v6  }
.Ltmp9:
0x23b: {  	[tilespmem:v14+s24+$0x0] =	vst.idx.msk $0xffff, v8;
	v14 =	vadd.s32 $0x10C8E0, v9;
	v8 =	vor.u32 s0, v7;
	(pc) =	sbr.rel @p0 .LBB2_20-.Ltmp9, $4  }
0x23c: {  	[tilespmem:v11+s24+$0x0] =	vst.idx.msk $0xffff, v14;
	v11 =	vadd.s32 $0x124F80, v9  }
0x23d: {  	[tilespmem:v12+s24+$0x0] =	vst.idx.msk $0xffff, v11;
	v11 =	vadd.s32 $0x13D620, v9  }
0x23e: {  	[tilespmem:v13+s24+$0x0] =	vst.idx.msk $0xffff, v11;
	v11 =	vadd.s32 $0x155CC0, v9  }
0x23f: {  	v9 =	vadd.s32 $0x16E360, v9;
	[tilespmem:v10+s24+$0x0] =	vst.idx.msk $0xffff, v11  }
0x240: {  	_ =	sdelay $0x3  }
0x241: {  	[tilespmem:v8+s24+$0x0] =	vst.idx.msk $0xffff, v9  }
0x242: {  	_ =	swait.ge [sflag:s25], $0x4000  }
0x243: {  	[sflag:s25] =	ssyncset.done $0x0  }
0x244: {  	[sflag:s25] =	ssyncadd.s32 $0xFFFFC000  }
0x245: {  	[tilespmem:s26], [sflag:$0x2] =	stream.indirect.gather [hbm4b:s3+s22], $0x1, s24, s22, $0xb8;
	[tilespmem:$0x16800] =	vst v63  }
0x246: {  	_ = 	snop  }
0x247: {  	[hbm4b:s14+s2] =	stream.linear.scatter [tilespmem:s23], [sflag:$0x3], $0x4000, $0x38;
	[tilespmem:$0x16800] =	vst v63  }
0x248: {  	_ =	swait.ge [sflag:s20], $0x4000  }
0x249: {  	[sflag:s20] =	ssyncset.done $0x0  }
0x24a: {  	s30 =	simm.s32 $0x2800;
	[sflag:s20] =	ssyncadd.s32 $0xFFFFC000  }
0x24b: {  	s31 =	simm.s32 $0x5C00;
	v8 =	vld [tilespmem:s30+$0x0]  }
0x24c: {  	s0 =	simm.s32 $0x0;
	v9 =	vld [tilespmem:s31+$0x0]  }
0x24d: {  	v10 =	vor.u32 s0, v0  }
0x24e: {  	v11 =	vor.u32 s0, v1  }
0x24f: {  	v12 =	vor.u32 s0, v2  }
0x250: {  	v13 =	vor.u32 s0, v3  }
0x251: {  	v9 =	vadd.s32 v8, v9;
	v8 =	vor.u32 s0, v4  }
0x252: {  	v14 =	vor.u32 s0, v5;
	[tilespmem:v10+s21+$0x0] =	vst.idx.msk $0xffff, v9;
	v10 =	vadd.s32 $0x186A0, v9  }
0x253: {  	[tilespmem:v11+s21+$0x0] =	vst.idx.msk $0xffff, v10;
	v10 =	vadd.s32 $0x30D40, v9;
	v11 =	vor.u32 s0, v6  }
0x254: {  	s1 =	simm.s32 $0x8;
	v59 =	vor.u32 s0, v7;
	[tilespmem:v12+s21+$0x0] =	vst.idx.msk $0xffff, v10;
	v10 =	vadd.s32 $0x493E0, v9  }
0x255: {  	s4 =	simm.s32 $0x9;
	v60 =	vor.u32 s1, v0;
	[tilespmem:v13+s21+$0x0] =	vst.idx.msk $0xffff, v10;
	v10 =	vadd.s32 $0x61A80, v9  }
0x256: {  	s1 =	simm.s32 $0xA;
	[tilespmem:v8+s21+$0x0] =	vst.idx.msk $0xffff, v10;
	v8 =	vadd.s32 $0x7A120, v9;
	v10 =	vor.u32 s4, v1  }
0x257: {  	v61 =	vor.u32 s1, v2;
	s4 =	simm.s32 $0xB;
	[tilespmem:v14+s21+$0x0] =	vst.idx.msk $0xffff, v8;
	v8 =	vadd.s32 $0x927C0, v9  }
0x258: {  	s1 =	simm.s32 $0xC;
	[tilespmem:v11+s21+$0x0] =	vst.idx.msk $0xffff, v8;
	v8 =	vadd.s32 $0xAAE60, v9;
	v11 =	vor.u32 s4, v3  }
0x259: {  	v62 =	vor.u32 s1, v4;
	s4 =	simm.s32 $0xD;
	[tilespmem:v59+s21+$0x0] =	vst.idx.msk $0xffff, v8;
	v8 =	vadd.s32 $0xC3500, v9  }
0x25a: {  	v63 =	vor.u32 s4, v5;
	[tilespmem:v60+s21+$0x0] =	vst.idx.msk $0xffff, v8;
	v8 =	vadd.s32 $0xDBBA0, v9  }
0x25b: {  	[tilespmem:v10+s21+$0x0] =	vst.idx.msk $0xffff, v8;
	v8 =	vadd.s32 $0xF4240, v9  }
0x25c: {  	[tilespmem:v61+s21+$0x0] =	vst.idx.msk $0xffff, v8;
	v8 =	vadd.s32 $0x10C8E0, v9  }
0x25d: {  	s1 =	simm.s32 $0xE;
	[tilespmem:v11+s21+$0x0] =	vst.idx.msk $0xffff, v8;
	v8 =	vadd.s32 $0x124F80, v9  }
0x25e: {  	s4 =	simm.s32 $0xF;
	v10 =	vor.u32 s1, v6;
	[tilespmem:v62+s21+$0x0] =	vst.idx.msk $0xffff, v8;
	v8 =	vadd.s32 $0x13D620, v9  }
0x25f: {  	[tilespmem:v63+s21+$0x0] =	vst.idx.msk $0xffff, v8;
	v8 =	vor.u32 s4, v7;
	_ =	sdelay $0x2  }
0x260: {  	v11 =	vadd.s32 $0x155CC0, v9  }
0x261: {  	s1 =	simm.s32 $0x10F;
	v9 =	vadd.s32 $0x16E360, v9;
	[tilespmem:v10+s21+$0x0] =	vst.idx.msk $0xffff, v11  }
.LBB2_22:
0x262: {  	p0 =	sne.s32 s1, $0x3F0F;
	[tilespmem:v8+s21+$0x0] =	vst.idx.msk $0xffff, v9;
	s30 =	sadd.s32 $0x10, s30;
	s31 =	sadd.s32 $0x10, s31  }
0x263: {  	s0 =	smov.u32 s1;
	s1 =	sadd.s32 $0x100, s1;
	v8 =	vld [tilespmem:s30+$0x0]  }
0x264: {  	s4 =	sadd.s32 $0xFFFFFFF1, s0;
	v9 =	vld [tilespmem:s31+$0x0]  }
0x265: {  	v10 =	vor.u32 s4, v0  }
0x266: {  	v11 =	vor.u32 s4, v1  }
0x267: {  	v12 =	vor.u32 s4, v2  }
0x268: {  	v13 =	vor.u32 s4, v3  }
0x269: {  	v9 =	vadd.s32 v8, v9;
	v8 =	vor.u32 s4, v4  }
0x26a: {  	v14 =	vor.u32 s4, v5;
	[tilespmem:v10+s21+$0x0] =	vst.idx.msk $0xffff, v9;
	v10 =	vadd.s32 $0x186A0, v9  }
0x26b: {  	[tilespmem:v11+s21+$0x0] =	vst.idx.msk $0xffff, v10;
	v10 =	vadd.s32 $0x30D40, v9;
	v11 =	vor.u32 s4, v6  }
0x26c: {  	[tilespmem:v12+s21+$0x0] =	vst.idx.msk $0xffff, v10;
	v10 =	vadd.s32 $0x493E0, v9;
	v12 =	vor.u32 s4, v7;
	s4 =	sadd.s32 $0xFFFFFFF9, s0  }
0x26d: {  	[tilespmem:v13+s21+$0x0] =	vst.idx.msk $0xffff, v10;
	v10 =	vadd.s32 $0x61A80, v9;
	v13 =	vor.u32 s4, v0;
	s4 =	sadd.s32 $0xFFFFFFFA, s0  }
0x26e: {  	[tilespmem:v8+s21+$0x0] =	vst.idx.msk $0xffff, v10;
	v8 =	vadd.s32 $0x7A120, v9;
	v10 =	vor.u32 s4, v1;
	s4 =	sadd.s32 $0xFFFFFFFB, s0  }
0x26f: {  	[tilespmem:v14+s21+$0x0] =	vst.idx.msk $0xffff, v8;
	v8 =	vadd.s32 $0x927C0, v9;
	v14 =	vor.u32 s4, v2;
	s4 =	sadd.s32 $0xFFFFFFFC, s0  }
0x270: {  	[tilespmem:v11+s21+$0x0] =	vst.idx.msk $0xffff, v8;
	v8 =	vadd.s32 $0xAAE60, v9;
	v11 =	vor.u32 s4, v3;
	s4 =	sadd.s32 $0xFFFFFFFD, s0  }
0x271: {  	[tilespmem:v12+s21+$0x0] =	vst.idx.msk $0xffff, v8;
	v8 =	vadd.s32 $0xC3500, v9;
	v12 =	vor.u32 s4, v4;
	s4 =	sadd.s32 $0xFFFFFFFE, s0  }
0x272: {  	[tilespmem:v13+s21+$0x0] =	vst.idx.msk $0xffff, v8;
	v8 =	vadd.s32 $0xDBBA0, v9;
	v13 =	vor.u32 s4, v5;
	s4 =	sadd.s32 $0xFFFFFFFF, s0  }
0x273: {  	[tilespmem:v10+s21+$0x0] =	vst.idx.msk $0xffff, v8;
	v8 =	vadd.s32 $0xF4240, v9;
	v10 =	vor.u32 s4, v6  }
.Ltmp10:
0x274: {  	[tilespmem:v14+s21+$0x0] =	vst.idx.msk $0xffff, v8;
	v14 =	vadd.s32 $0x10C8E0, v9;
	v8 =	vor.u32 s0, v7;
	(pc) =	sbr.rel @p0 .LBB2_22-.Ltmp10, $4  }
0x275: {  	[tilespmem:v11+s21+$0x0] =	vst.idx.msk $0xffff, v14;
	v11 =	vadd.s32 $0x124F80, v9  }
0x276: {  	[tilespmem:v12+s21+$0x0] =	vst.idx.msk $0xffff, v11;
	v11 =	vadd.s32 $0x13D620, v9  }
0x277: {  	[tilespmem:v13+s21+$0x0] =	vst.idx.msk $0xffff, v11;
	v11 =	vadd.s32 $0x155CC0, v9  }
0x278: {  	v9 =	vadd.s32 $0x16E360, v9;
	[tilespmem:v10+s21+$0x0] =	vst.idx.msk $0xffff, v11  }
0x279: {  	_ =	sdelay $0x3  }
0x27a: {  	[tilespmem:v8+s21+$0x0] =	vst.idx.msk $0xffff, v9  }
0x27b: {  	_ =	swait.ge [sflag:s28], $0x4000  }
0x27c: {  	[sflag:s28] =	ssyncset.done $0x0  }
0x27d: {  	[sflag:s28] =	ssyncadd.s32 $0xFFFFC000  }
0x27e: {  	[tilespmem:s23], [sflag:$0x1] =	stream.indirect.gather [hbm4b:s3+s22], $0x1, s21, s22, $0xb8;
	[tilespmem:$0x16800] =	vst v63  }
0x27f: {  	_ = 	snop  }
0x280: {  	[hbm4b:s15+s2] =	stream.linear.scatter [tilespmem:s26], [sflag:$0x3], $0x4000, $0x38;
	[tilespmem:$0x16800] =	vst v63  }
0x281: {  	_ =	swait.ge [sflag:s20], $0x4000  }
0x282: {  	[sflag:s20] =	ssyncset.done $0x0  }
0x283: {  	s30 =	simm.s32 $0x2C00;
	[sflag:s20] =	ssyncadd.s32 $0xFFFFC000  }
0x284: {  	s31 =	simm.s32 $0x6000;
	v8 =	vld [tilespmem:s30+$0x0]  }
0x285: {  	s0 =	simm.s32 $0x0;
	v9 =	vld [tilespmem:s31+$0x0]  }
0x286: {  	v10 =	vor.u32 s0, v0  }
0x287: {  	v11 =	vor.u32 s0, v1  }
0x288: {  	v12 =	vor.u32 s0, v2  }
0x289: {  	v13 =	vor.u32 s0, v3  }
0x28a: {  	v9 =	vadd.s32 v8, v9;
	v8 =	vor.u32 s0, v4  }
0x28b: {  	v14 =	vor.u32 s0, v5;
	[tilespmem:v10+s24+$0x0] =	vst.idx.msk $0xffff, v9;
	v10 =	vadd.s32 $0x186A0, v9  }
0x28c: {  	[tilespmem:v11+s24+$0x0] =	vst.idx.msk $0xffff, v10;
	v10 =	vadd.s32 $0x30D40, v9;
	v11 =	vor.u32 s0, v6  }
0x28d: {  	s1 =	simm.s32 $0x8;
	v59 =	vor.u32 s0, v7;
	[tilespmem:v12+s24+$0x0] =	vst.idx.msk $0xffff, v10;
	v10 =	vadd.s32 $0x493E0, v9  }
0x28e: {  	s4 =	simm.s32 $0x9;
	v60 =	vor.u32 s1, v0;
	[tilespmem:v13+s24+$0x0] =	vst.idx.msk $0xffff, v10;
	v10 =	vadd.s32 $0x61A80, v9  }
0x28f: {  	s1 =	simm.s32 $0xA;
	[tilespmem:v8+s24+$0x0] =	vst.idx.msk $0xffff, v10;
	v8 =	vadd.s32 $0x7A120, v9;
	v10 =	vor.u32 s4, v1  }
0x290: {  	v61 =	vor.u32 s1, v2;
	s4 =	simm.s32 $0xB;
	[tilespmem:v14+s24+$0x0] =	vst.idx.msk $0xffff, v8;
	v8 =	vadd.s32 $0x927C0, v9  }
0x291: {  	s1 =	simm.s32 $0xC;
	[tilespmem:v11+s24+$0x0] =	vst.idx.msk $0xffff, v8;
	v8 =	vadd.s32 $0xAAE60, v9;
	v11 =	vor.u32 s4, v3  }
0x292: {  	v62 =	vor.u32 s1, v4;
	s4 =	simm.s32 $0xD;
	[tilespmem:v59+s24+$0x0] =	vst.idx.msk $0xffff, v8;
	v8 =	vadd.s32 $0xC3500, v9  }
0x293: {  	v63 =	vor.u32 s4, v5;
	[tilespmem:v60+s24+$0x0] =	vst.idx.msk $0xffff, v8;
	v8 =	vadd.s32 $0xDBBA0, v9  }
0x294: {  	[tilespmem:v10+s24+$0x0] =	vst.idx.msk $0xffff, v8;
	v8 =	vadd.s32 $0xF4240, v9  }
0x295: {  	[tilespmem:v61+s24+$0x0] =	vst.idx.msk $0xffff, v8;
	v8 =	vadd.s32 $0x10C8E0, v9  }
0x296: {  	s1 =	simm.s32 $0xE;
	[tilespmem:v11+s24+$0x0] =	vst.idx.msk $0xffff, v8;
	v8 =	vadd.s32 $0x124F80, v9  }
0x297: {  	s4 =	simm.s32 $0xF;
	v10 =	vor.u32 s1, v6;
	[tilespmem:v62+s24+$0x0] =	vst.idx.msk $0xffff, v8;
	v8 =	vadd.s32 $0x13D620, v9  }
0x298: {  	[tilespmem:v63+s24+$0x0] =	vst.idx.msk $0xffff, v8;
	v8 =	vor.u32 s4, v7;
	_ =	sdelay $0x2  }
0x299: {  	v11 =	vadd.s32 $0x155CC0, v9  }
0x29a: {  	s1 =	simm.s32 $0x10F;
	v9 =	vadd.s32 $0x16E360, v9;
	[tilespmem:v10+s24+$0x0] =	vst.idx.msk $0xffff, v11  }
.LBB2_24:
0x29b: {  	p0 =	sne.s32 s1, $0x3F0F;
	[tilespmem:v8+s24+$0x0] =	vst.idx.msk $0xffff, v9;
	s30 =	sadd.s32 $0x10, s30;
	s31 =	sadd.s32 $0x10, s31  }
0x29c: {  	s0 =	smov.u32 s1;
	s1 =	sadd.s32 $0x100, s1;
	v8 =	vld [tilespmem:s30+$0x0]  }
0x29d: {  	s4 =	sadd.s32 $0xFFFFFFF1, s0;
	v9 =	vld [tilespmem:s31+$0x0]  }
0x29e: {  	v10 =	vor.u32 s4, v0  }
0x29f: {  	v11 =	vor.u32 s4, v1  }
0x2a0: {  	v12 =	vor.u32 s4, v2  }
0x2a1: {  	v13 =	vor.u32 s4, v3  }
0x2a2: {  	v9 =	vadd.s32 v8, v9;
	v8 =	vor.u32 s4, v4  }
0x2a3: {  	v14 =	vor.u32 s4, v5;
	[tilespmem:v10+s24+$0x0] =	vst.idx.msk $0xffff, v9;
	v10 =	vadd.s32 $0x186A0, v9  }
0x2a4: {  	[tilespmem:v11+s24+$0x0] =	vst.idx.msk $0xffff, v10;
	v10 =	vadd.s32 $0x30D40, v9;
	v11 =	vor.u32 s4, v6  }
0x2a5: {  	[tilespmem:v12+s24+$0x0] =	vst.idx.msk $0xffff, v10;
	v10 =	vadd.s32 $0x493E0, v9;
	v12 =	vor.u32 s4, v7;
	s4 =	sadd.s32 $0xFFFFFFF9, s0  }
0x2a6: {  	[tilespmem:v13+s24+$0x0] =	vst.idx.msk $0xffff, v10;
	v10 =	vadd.s32 $0x61A80, v9;
	v13 =	vor.u32 s4, v0;
	s4 =	sadd.s32 $0xFFFFFFFA, s0  }
0x2a7: {  	[tilespmem:v8+s24+$0x0] =	vst.idx.msk $0xffff, v10;
	v8 =	vadd.s32 $0x7A120, v9;
	v10 =	vor.u32 s4, v1;
	s4 =	sadd.s32 $0xFFFFFFFB, s0  }
0x2a8: {  	[tilespmem:v14+s24+$0x0] =	vst.idx.msk $0xffff, v8;
	v8 =	vadd.s32 $0x927C0, v9;
	v14 =	vor.u32 s4, v2;
	s4 =	sadd.s32 $0xFFFFFFFC, s0  }
0x2a9: {  	[tilespmem:v11+s24+$0x0] =	vst.idx.msk $0xffff, v8;
	v8 =	vadd.s32 $0xAAE60, v9;
	v11 =	vor.u32 s4, v3;
	s4 =	sadd.s32 $0xFFFFFFFD, s0  }
0x2aa: {  	[tilespmem:v12+s24+$0x0] =	vst.idx.msk $0xffff, v8;
	v8 =	vadd.s32 $0xC3500, v9;
	v12 =	vor.u32 s4, v4;
	s4 =	sadd.s32 $0xFFFFFFFE, s0  }
0x2ab: {  	[tilespmem:v13+s24+$0x0] =	vst.idx.msk $0xffff, v8;
	v8 =	vadd.s32 $0xDBBA0, v9;
	v13 =	vor.u32 s4, v5;
	s4 =	sadd.s32 $0xFFFFFFFF, s0  }
0x2ac: {  	[tilespmem:v10+s24+$0x0] =	vst.idx.msk $0xffff, v8;
	v8 =	vadd.s32 $0xF4240, v9;
	v10 =	vor.u32 s4, v6  }
.Ltmp11:
0x2ad: {  	[tilespmem:v14+s24+$0x0] =	vst.idx.msk $0xffff, v8;
	v14 =	vadd.s32 $0x10C8E0, v9;
	v8 =	vor.u32 s0, v7;
	(pc) =	sbr.rel @p0 .LBB2_24-.Ltmp11, $4  }
0x2ae: {  	[tilespmem:v11+s24+$0x0] =	vst.idx.msk $0xffff, v14;
	v11 =	vadd.s32 $0x124F80, v9  }
0x2af: {  	[tilespmem:v12+s24+$0x0] =	vst.idx.msk $0xffff, v11;
	v11 =	vadd.s32 $0x13D620, v9  }
0x2b0: {  	[tilespmem:v13+s24+$0x0] =	vst.idx.msk $0xffff, v11;
	v11 =	vadd.s32 $0x155CC0, v9  }
0x2b1: {  	v9 =	vadd.s32 $0x16E360, v9;
	[tilespmem:v10+s24+$0x0] =	vst.idx.msk $0xffff, v11  }
0x2b2: {  	_ =	sdelay $0x3  }
0x2b3: {  	[tilespmem:v8+s24+$0x0] =	vst.idx.msk $0xffff, v9  }
0x2b4: {  	_ =	swait.ge [sflag:s25], $0x4000  }
0x2b5: {  	[sflag:s25] =	ssyncset.done $0x0  }
0x2b6: {  	[sflag:s25] =	ssyncadd.s32 $0xFFFFC000  }
0x2b7: {  	[tilespmem:s26], [sflag:$0x2] =	stream.indirect.gather [hbm4b:s3+s22], $0x1, s24, s22, $0xb8;
	[tilespmem:$0x16800] =	vst v63  }
0x2b8: {  	_ = 	snop  }
0x2b9: {  	[hbm4b:s16+s2] =	stream.linear.scatter [tilespmem:s23], [sflag:$0x3], $0x4000, $0x38;
	[tilespmem:$0x16800] =	vst v63  }
0x2ba: {  	_ =	swait.ge [sflag:s20], $0x4000  }
0x2bb: {  	[sflag:s20] =	ssyncset.done $0x0  }
0x2bc: {  	s30 =	simm.s32 $0x3000;
	[sflag:s20] =	ssyncadd.s32 $0xFFFFC000  }
0x2bd: {  	s31 =	simm.s32 $0x6400;
	v8 =	vld [tilespmem:s30+$0x0]  }
0x2be: {  	s0 =	simm.s32 $0x0;
	v9 =	vld [tilespmem:s31+$0x0]  }
0x2bf: {  	v10 =	vor.u32 s0, v0  }
0x2c0: {  	v11 =	vor.u32 s0, v1  }
0x2c1: {  	v12 =	vor.u32 s0, v2  }
0x2c2: {  	v13 =	vor.u32 s0, v3  }
0x2c3: {  	v9 =	vadd.s32 v8, v9;
	v8 =	vor.u32 s0, v4  }
0x2c4: {  	v14 =	vor.u32 s0, v5;
	[tilespmem:v10+s21+$0x0] =	vst.idx.msk $0xffff, v9;
	v10 =	vadd.s32 $0x186A0, v9  }
0x2c5: {  	[tilespmem:v11+s21+$0x0] =	vst.idx.msk $0xffff, v10;
	v10 =	vadd.s32 $0x30D40, v9;
	v11 =	vor.u32 s0, v6  }
0x2c6: {  	s1 =	simm.s32 $0x8;
	v59 =	vor.u32 s0, v7;
	[tilespmem:v12+s21+$0x0] =	vst.idx.msk $0xffff, v10;
	v10 =	vadd.s32 $0x493E0, v9  }
0x2c7: {  	s4 =	simm.s32 $0x9;
	v60 =	vor.u32 s1, v0;
	[tilespmem:v13+s21+$0x0] =	vst.idx.msk $0xffff, v10;
	v10 =	vadd.s32 $0x61A80, v9  }
0x2c8: {  	s1 =	simm.s32 $0xA;
	[tilespmem:v8+s21+$0x0] =	vst.idx.msk $0xffff, v10;
	v8 =	vadd.s32 $0x7A120, v9;
	v10 =	vor.u32 s4, v1  }
0x2c9: {  	v61 =	vor.u32 s1, v2;
	s4 =	simm.s32 $0xB;
	[tilespmem:v14+s21+$0x0] =	vst.idx.msk $0xffff, v8;
	v8 =	vadd.s32 $0x927C0, v9  }
0x2ca: {  	s1 =	simm.s32 $0xC;
	[tilespmem:v11+s21+$0x0] =	vst.idx.msk $0xffff, v8;
	v8 =	vadd.s32 $0xAAE60, v9;
	v11 =	vor.u32 s4, v3  }
0x2cb: {  	v62 =	vor.u32 s1, v4;
	s4 =	simm.s32 $0xD;
	[tilespmem:v59+s21+$0x0] =	vst.idx.msk $0xffff, v8;
	v8 =	vadd.s32 $0xC3500, v9  }
0x2cc: {  	v63 =	vor.u32 s4, v5;
	[tilespmem:v60+s21+$0x0] =	vst.idx.msk $0xffff, v8;
	v8 =	vadd.s32 $0xDBBA0, v9  }
0x2cd: {  	[tilespmem:v10+s21+$0x0] =	vst.idx.msk $0xffff, v8;
	v8 =	vadd.s32 $0xF4240, v9  }
0x2ce: {  	[tilespmem:v61+s21+$0x0] =	vst.idx.msk $0xffff, v8;
	v8 =	vadd.s32 $0x10C8E0, v9  }
0x2cf: {  	s1 =	simm.s32 $0xE;
	[tilespmem:v11+s21+$0x0] =	vst.idx.msk $0xffff, v8;
	v8 =	vadd.s32 $0x124F80, v9  }
0x2d0: {  	s4 =	simm.s32 $0xF;
	v10 =	vor.u32 s1, v6;
	[tilespmem:v62+s21+$0x0] =	vst.idx.msk $0xffff, v8;
	v8 =	vadd.s32 $0x13D620, v9  }
0x2d1: {  	[tilespmem:v63+s21+$0x0] =	vst.idx.msk $0xffff, v8;
	v8 =	vor.u32 s4, v7;
	_ =	sdelay $0x2  }
0x2d2: {  	v11 =	vadd.s32 $0x155CC0, v9  }
0x2d3: {  	s1 =	simm.s32 $0x10F;
	v9 =	vadd.s32 $0x16E360, v9;
	[tilespmem:v10+s21+$0x0] =	vst.idx.msk $0xffff, v11  }
.LBB2_26:
0x2d4: {  	p0 =	sne.s32 s1, $0x3F0F;
	[tilespmem:v8+s21+$0x0] =	vst.idx.msk $0xffff, v9;
	s30 =	sadd.s32 $0x10, s30;
	s31 =	sadd.s32 $0x10, s31  }
0x2d5: {  	s0 =	smov.u32 s1;
	s1 =	sadd.s32 $0x100, s1;
	v8 =	vld [tilespmem:s30+$0x0]  }
0x2d6: {  	s4 =	sadd.s32 $0xFFFFFFF1, s0;
	v9 =	vld [tilespmem:s31+$0x0]  }
0x2d7: {  	v10 =	vor.u32 s4, v0  }
0x2d8: {  	v11 =	vor.u32 s4, v1  }
0x2d9: {  	v12 =	vor.u32 s4, v2  }
0x2da: {  	v13 =	vor.u32 s4, v3  }
0x2db: {  	v9 =	vadd.s32 v8, v9;
	v8 =	vor.u32 s4, v4  }
0x2dc: {  	v14 =	vor.u32 s4, v5;
	[tilespmem:v10+s21+$0x0] =	vst.idx.msk $0xffff, v9;
	v10 =	vadd.s32 $0x186A0, v9  }
0x2dd: {  	[tilespmem:v11+s21+$0x0] =	vst.idx.msk $0xffff, v10;
	v10 =	vadd.s32 $0x30D40, v9;
	v11 =	vor.u32 s4, v6  }
0x2de: {  	[tilespmem:v12+s21+$0x0] =	vst.idx.msk $0xffff, v10;
	v10 =	vadd.s32 $0x493E0, v9;
	v12 =	vor.u32 s4, v7;
	s4 =	sadd.s32 $0xFFFFFFF9, s0  }
0x2df: {  	[tilespmem:v13+s21+$0x0] =	vst.idx.msk $0xffff, v10;
	v10 =	vadd.s32 $0x61A80, v9;
	v13 =	vor.u32 s4, v0;
	s4 =	sadd.s32 $0xFFFFFFFA, s0  }
0x2e0: {  	[tilespmem:v8+s21+$0x0] =	vst.idx.msk $0xffff, v10;
	v8 =	vadd.s32 $0x7A120, v9;
	v10 =	vor.u32 s4, v1;
	s4 =	sadd.s32 $0xFFFFFFFB, s0  }
0x2e1: {  	[tilespmem:v14+s21+$0x0] =	vst.idx.msk $0xffff, v8;
	v8 =	vadd.s32 $0x927C0, v9;
	v14 =	vor.u32 s4, v2;
	s4 =	sadd.s32 $0xFFFFFFFC, s0  }
0x2e2: {  	[tilespmem:v11+s21+$0x0] =	vst.idx.msk $0xffff, v8;
	v8 =	vadd.s32 $0xAAE60, v9;
	v11 =	vor.u32 s4, v3;
	s4 =	sadd.s32 $0xFFFFFFFD, s0  }
0x2e3: {  	[tilespmem:v12+s21+$0x0] =	vst.idx.msk $0xffff, v8;
	v8 =	vadd.s32 $0xC3500, v9;
	v12 =	vor.u32 s4, v4;
	s4 =	sadd.s32 $0xFFFFFFFE, s0  }
0x2e4: {  	[tilespmem:v13+s21+$0x0] =	vst.idx.msk $0xffff, v8;
	v8 =	vadd.s32 $0xDBBA0, v9;
	v13 =	vor.u32 s4, v5;
	s4 =	sadd.s32 $0xFFFFFFFF, s0  }
0x2e5: {  	[tilespmem:v10+s21+$0x0] =	vst.idx.msk $0xffff, v8;
	v8 =	vadd.s32 $0xF4240, v9;
	v10 =	vor.u32 s4, v6  }
.Ltmp12:
0x2e6: {  	[tilespmem:v14+s21+$0x0] =	vst.idx.msk $0xffff, v8;
	v14 =	vadd.s32 $0x10C8E0, v9;
	v8 =	vor.u32 s0, v7;
	(pc) =	sbr.rel @p0 .LBB2_26-.Ltmp12, $4  }
0x2e7: {  	[tilespmem:v11+s21+$0x0] =	vst.idx.msk $0xffff, v14;
	v11 =	vadd.s32 $0x124F80, v9  }
0x2e8: {  	[tilespmem:v12+s21+$0x0] =	vst.idx.msk $0xffff, v11;
	v11 =	vadd.s32 $0x13D620, v9  }
0x2e9: {  	[tilespmem:v13+s21+$0x0] =	vst.idx.msk $0xffff, v11;
	v11 =	vadd.s32 $0x155CC0, v9  }
0x2ea: {  	v9 =	vadd.s32 $0x16E360, v9;
	[tilespmem:v10+s21+$0x0] =	vst.idx.msk $0xffff, v11  }
0x2eb: {  	_ =	sdelay $0x3  }
0x2ec: {  	[tilespmem:v8+s21+$0x0] =	vst.idx.msk $0xffff, v9  }
0x2ed: {  	_ =	swait.ge [sflag:s28], $0x4000  }
0x2ee: {  	[sflag:s28] =	ssyncset.done $0x0  }
0x2ef: {  	[sflag:s28] =	ssyncadd.s32 $0xFFFFC000  }
0x2f0: {  	[tilespmem:s23], [sflag:$0x1] =	stream.indirect.gather [hbm4b:s3+s22], $0x1, s21, s22, $0xb8;
	[tilespmem:$0x16800] =	vst v63  }
0x2f1: {  	_ = 	snop  }
0x2f2: {  	[hbm4b:s17+s2] =	stream.linear.scatter [tilespmem:s26], [sflag:$0x3], $0x4000, $0x38;
	[tilespmem:$0x16800] =	vst v63  }
0x2f3: {  	_ =	swait.ge [sflag:s20], $0x4000  }
0x2f4: {  	[sflag:s20] =	ssyncset.done $0x0  }
0x2f5: {  	[sflag:s20] =	ssyncadd.s32 $0xFFFFC000  }
0x2f6: {  	s29 =	sadd.s32 $0x1, s29;
	_ =	swait.ge [sflag:s25], $0x4000  }
0x2f7: {  	p0 =	sne.s32 s29, s19;
	[sflag:s25] =	ssyncset.done $0x0  }
.Ltmp13:
0x2f8: {  	[sflag:s25] =	ssyncadd.s32 $0xFFFFC000;
	(pc) =	sbr.rel @p0 .LBB2_1-.Ltmp13, $4  }
0x2f9: {  	[hbm4b:s18+s2] =	stream.linear.scatter [tilespmem:s23], [sflag:$0x3], $0x4000, $0x38;
	[tilespmem:$0x16800] =	vst v63  }
0x2fa: {  	_ =	swait.ge [sflag:s20], $0x4000  }
0x2fb: {  	[sflag:s20] =	ssyncset.done $0x0  }
0x2fc: {  	[sflag:s20] =	ssyncadd.s32 $0xFFFFC000  }
0x2fd: {  	_ =	sfence.sel $0x180000  }
0x2fe: {  	[bflag:$0x0] =	sbarrier.arrive $0xFFFF  }
0x2ff: {  	_ =	strace $0x90000047  }
0x300: {  	s0 =	stileid.u32;
	[bflag:$0x2] =	sbarrier.arrive $0xFFFF  }
0x301: {  	p0 =	sne.s32 s0, $0x0;
	s0 =	rddreg [dreg:$0x2]  }
0x302: {  	s0 =	sadd.s32 @!p0 $0x100000, s0  }
0x303: {  	[sflag:s0] =	ssyncadd.tile.s32 @!p0 $0x1;
	_ =	shalt  }
.Lfunc_end2:
_tile_overlayer_lowered:
.L_overlay_start_2:
0x304: {  	(tag) =	ssettag $0x2  }
0x305: {  	s0 =	rddreg [dreg:$0x0];
	s2 =	stileid.u32  }
0x306: {  	s1 =	rddreg [dreg:$0x1];
	p0 =	sne.s32 s2, $0x0  }
0x307: {  	s3 =	rddreg [dreg:$0x2];
	[bflag:$0x3] =	sbarrier.arrive $0xFFFF;
	s2 =	simm.s32 @!p0 $0x1C03  }
0x308: {  	[timem:s3], [sflag:s2] =	dma.local @!p0 [hbm:s0], s1  }
0x309: {  	s0 =	simm.s32 @!p0 $0x3  }
0x30a: {  	_ =	swait.ge @!p0 [sflag:s0], s1  }
0x30b: {  	s1 =	ssub.s32 @!p0 $0x0, s1;
	[sflag:s0] =	ssyncset.done @!p0 $0x0  }
0x30c: {  	[sflag:s0] =	ssyncadd.s32 @!p0 s1  }
0x30d: {  	[bflag:$0x3] =	sbarrier.arrive $0xFFFF  }
0x30e: {  	_ =	shalt  }

</sc_bundles>
